<compile_context>
chip_gen: v7x
topology: tpu7x:2x2x1
jax: 0.10.2.dev20260603
libtpu: 0.0.44.dev20260713+nightly
codegen_flags: <defaults>
</compile_context>

<pallas_src>
import functools

import jax
import jax.numpy as jnp
from jax import lax
from jax.experimental import pallas as pl
from jax.experimental.pallas import tpu as pltpu
from jax.experimental.pallas import tpu_sc as plsc

N = 10000
D_IN = 128
H = 64
C = 2
E = 320000

NP = 10240
ROWS_PER_TILE = NP // 16
SUPER = 512
EROWS = E // SUPER
QMAIN = EROWS // 16
SCH = QMAIN + 1
CW = 16

_f32 = jnp.float32
_bf16 = jnp.bfloat16
_HIGH = jax.lax.Precision.HIGHEST



@functools.cache
def _get_mesh():
    return plsc.VectorSubcoreMesh(core_axis_name="c", subcore_axis_name="s")


def _sc_body(with_counts, ycat, e0, e1, agg_out, cnt_out,
             src_v, dst_v, rows_a, rows_b, ones_v, acc, cnt,
             sem_a, sem_b, sem_c):
    rel = lax.axis_index("c")
    sid = lax.axis_index("s")
    base = sid * ROWS_PER_TILE

    def zrow(i, _):
        for c in range(H // 32):
            rows_a[i, pl.ds(c * 32, 32)] = jnp.zeros((32,), _bf16)
        return 0
    lax.fori_loop(0, SUPER, zrow, 0)
    zparts = [(0, SUPER), (SUPER, ROWS_PER_TILE - SUPER)]
    for off, sz in zparts:
        pltpu.async_copy(rows_a.at[pl.ds(0, sz)],
                         acc.at[pl.ds(base + off, sz)], sem_c)
    if with_counts:
        def crow(i, _):
            ones_v[i, :] = jnp.zeros((CW,), _f32)
            return 0
        lax.fori_loop(0, SUPER, crow, 0)
        for off, sz in zparts:
            pltpu.async_copy(ones_v.at[pl.ds(0, sz)],
                             cnt.at[pl.ds(base + off, sz)], sem_c)
    for off, sz in zparts:
        pltpu.make_async_copy(rows_a.at[pl.ds(0, sz)],
                              acc.at[pl.ds(base, sz)], sem_c).wait()
        if with_counts:
            pltpu.make_async_copy(ones_v.at[pl.ds(0, sz)],
                                  cnt.at[pl.ds(base, sz)], sem_c).wait()
    if with_counts:
        def orow(i, _):
            ones_v[i, :] = jnp.ones((CW,), _f32)
            return 0
        lax.fori_loop(0, SUPER, orow, 0)

    @pl.when(rel == 0)
    def _():
        pltpu.sync_copy(e0.at[0, pl.ds(QMAIN * sid, QMAIN)],
                        src_v.at[pl.ds(0, QMAIN)])
        pltpu.sync_copy(e0.at[1, pl.ds(QMAIN * sid, QMAIN)],
                        dst_v.at[pl.ds(0, QMAIN)])
        pltpu.sync_copy(e0.at[0, pl.ds(EROWS - 1, 1)],
                        src_v.at[pl.ds(QMAIN, 1)])
        pltpu.sync_copy(e0.at[1, pl.ds(EROWS - 1, 1)],
                        dst_v.at[pl.ds(QMAIN, 1)])

    @pl.when(rel == 1)
    def _():
        pltpu.sync_copy(e1.at[0, pl.ds(QMAIN * sid, QMAIN)],
                        src_v.at[pl.ds(0, QMAIN)])
        pltpu.sync_copy(e1.at[1, pl.ds(QMAIN * sid, QMAIN)],
                        dst_v.at[pl.ds(0, QMAIN)])
        pltpu.sync_copy(e1.at[0, pl.ds(EROWS - 1, 1)],
                        src_v.at[pl.ds(QMAIN, 1)])
        pltpu.sync_copy(e1.at[1, pl.ds(EROWS - 1, 1)],
                        dst_v.at[pl.ds(QMAIN, 1)])
    plsc.subcore_barrier()

    def gather(t, buf, sem):
        pltpu.async_copy(ycat.at[rel].at[src_v.at[t]], buf, sem)

    def gwait(t, buf, sem):
        pltpu.make_async_copy(ycat.at[rel].at[src_v.at[t]], buf, sem).wait()

    def scatter(t, buf):
        pltpu.sync_copy(buf, acc.at[dst_v.at[t]], add=True)
        if with_counts:
            pltpu.async_copy(ones_v, cnt.at[dst_v.at[t]], sem_c, add=True)

    gather(0, rows_a, sem_a)

    def pair(q, _):
        t = 2 * q
        gwait(t, rows_a, sem_a)
        gather(t + 1, rows_b, sem_b)
        scatter(t, rows_a)
        gwait(t + 1, rows_b, sem_b)
        gather(t + 2, rows_a, sem_a)
        scatter(t + 1, rows_b)
        return 0
    lax.fori_loop(0, (QMAIN - 1) // 2, pair, 0)
    tl = QMAIN - 1
    gwait(tl, rows_a, sem_a)
    scatter(tl, rows_a)

    @pl.when(sid == 0)
    def _():
        gather(QMAIN, rows_b, sem_b)
        gwait(QMAIN, rows_b, sem_b)
        scatter(QMAIN, rows_b)

    if with_counts:
        def cdrain(t, _):
            pltpu.make_async_copy(ones_v, cnt.at[dst_v.at[t]], sem_c).wait()
            return 0
        lax.fori_loop(0, QMAIN, cdrain, 0)

        @pl.when(sid == 0)
        def _():
            pltpu.make_async_copy(ones_v, cnt.at[dst_v.at[QMAIN]],
                                  sem_c).wait()

    plsc.subcore_barrier()
    pltpu.sync_copy(acc.at[pl.ds(base, ROWS_PER_TILE)],
                    agg_out.at[rel, pl.ds(base, ROWS_PER_TILE)])
    if with_counts:
        pltpu.sync_copy(cnt.at[pl.ds(base, ROWS_PER_TILE)],
                        cnt_out.at[rel, pl.ds(base, ROWS_PER_TILE)])


@functools.cache
def _make_sc(with_counts):
    out_type = [jax.ShapeDtypeStruct((2, NP, H), _bf16)]
    if with_counts:
        out_type.append(jax.ShapeDtypeStruct((2, NP, CW), _f32))
    scratch = [
        pltpu.VMEM((SCH, SUPER), jnp.int32),
        pltpu.VMEM((SCH, SUPER), jnp.int32),
        pltpu.VMEM((SUPER, H), _bf16),
        pltpu.VMEM((SUPER, H), _bf16),
        pltpu.VMEM((SUPER, CW), _f32),
        pltpu.VMEM_SHARED((NP, H), _bf16),
        pltpu.VMEM_SHARED((NP, CW), _f32),
        pltpu.SemaphoreType.DMA,
        pltpu.SemaphoreType.DMA,
        pltpu.SemaphoreType.DMA,
    ]

    if with_counts:
        def body(ycat, e0, e1, agg_out, cnt_out, *s):
            _sc_body(True, ycat, e0, e1, agg_out, cnt_out, *s)
    else:
        def body(ycat, e0, e1, agg_out, *s):
            _sc_body(False, ycat, e0, e1, agg_out, None, *s)

    return pl.kernel(body, mesh=_get_mesh(), out_type=out_type,
                     scratch_types=scratch,
                     compiler_params=pltpu.CompilerParams(
                         use_tc_tiling_on_sc=False))



_BLK = 5120
_GRID = NP // _BLK
_GRID2 = 2 * _GRID


def _k1a_body(x_ref, wl_ref, ycat_ref):
    ycat_ref[0] = jnp.dot(x_ref[...], wl_ref[0].T,
                          precision=_HIGH).astype(_bf16)


_k1a = pl.pallas_call(
    _k1a_body,
    grid=(_GRID2,),
    in_specs=[pl.BlockSpec((_BLK, D_IN), lambda i: (i % _GRID, 0)),
              pl.BlockSpec((1, H, D_IN), lambda i: (i // _GRID, 0, 0))],
    out_specs=pl.BlockSpec((1, _BLK, H),
                           lambda i: (i // _GRID, i % _GRID, 0)),
    out_shape=jax.ShapeDtypeStruct((2, NP, H), _bf16),
)


def _k1b_body(x_ref, wr0_ref, wr1_ref, b0_ref, b1_ref, dense_ref):
    x = x_ref[...]
    dense_ref[...] = (jnp.dot(x, wr0_ref[...].T) + b0_ref[...]
                      + jnp.dot(x, wr1_ref[...].T) + b1_ref[...])


_k1b = pl.pallas_call(
    _k1b_body,
    grid=(_GRID,),
    in_specs=[pl.BlockSpec((_BLK, D_IN), lambda i: (i, 0)),
              pl.BlockSpec((H, D_IN), lambda i: (0, 0)),
              pl.BlockSpec((H, D_IN), lambda i: (0, 0)),
              pl.BlockSpec((1, H), lambda i: (0, 0)),
              pl.BlockSpec((1, H), lambda i: (0, 0))],
    out_specs=pl.BlockSpec((_BLK, H), lambda i: (i, 0)),
    out_shape=jax.ShapeDtypeStruct((NP, H), _f32),
)


def _mean(a0_ref, a1_ref, c0_ref, c1_ref):
    c0 = c0_ref[0][:, 0:1]
    c1 = c1_ref[0][:, 0:1]
    return (a0_ref[0].astype(_f32) / jnp.maximum(c0, 1.0)
            + a1_ref[0].astype(_f32) / jnp.maximum(c1, 1.0))


def _k2a_body(dense_ref, a0_ref, a1_ref, c0_ref, c1_ref, wl_ref, ycat_ref):
    m = _mean(a0_ref, a1_ref, c0_ref, c1_ref)
    h = jax.nn.relu(dense_ref[...] + m)
    ycat_ref[0] = jnp.dot(h, wl_ref[0].T, precision=_HIGH).astype(_bf16)


_agg_spec0 = pl.BlockSpec((1, _BLK, H), lambda i: (0, i % _GRID, 0))
_agg_spec1 = pl.BlockSpec((1, _BLK, H), lambda i: (1, i % _GRID, 0))
_cnt_spec0 = pl.BlockSpec((1, _BLK, CW), lambda i: (0, i % _GRID, 0))
_cnt_spec1 = pl.BlockSpec((1, _BLK, CW), lambda i: (1, i % _GRID, 0))

_k2a = pl.pallas_call(
    _k2a_body,
    grid=(_GRID2,),
    in_specs=[pl.BlockSpec((_BLK, H), lambda i: (i % _GRID, 0)),
              _agg_spec0, _agg_spec1, _cnt_spec0, _cnt_spec1,
              pl.BlockSpec((1, H, H), lambda i: (i // _GRID, 0, 0))],
    out_specs=pl.BlockSpec((1, _BLK, H),
                           lambda i: (i // _GRID, i % _GRID, 0)),
    out_shape=jax.ShapeDtypeStruct((2, NP, H), _bf16),
)


def _k2b_body(dense_ref, a0_ref, a1_ref, c0_ref, c1_ref,
              wr0_ref, wr1_ref, b0_ref, b1_ref, dense1_ref):
    m = _mean(a0_ref, a1_ref, c0_ref, c1_ref)
    h = jax.nn.relu(dense_ref[...] + m)
    dense1_ref[...] = (jnp.dot(h, wr0_ref[...].T) + b0_ref[...]
                       + jnp.dot(h, wr1_ref[...].T) + b1_ref[...])


_k2b = pl.pallas_call(
    _k2b_body,
    grid=(_GRID,),
    in_specs=[pl.BlockSpec((_BLK, H), lambda i: (i, 0)),
              pl.BlockSpec((1, _BLK, H), lambda i: (0, i, 0)),
              pl.BlockSpec((1, _BLK, H), lambda i: (1, i, 0)),
              pl.BlockSpec((1, _BLK, CW), lambda i: (0, i, 0)),
              pl.BlockSpec((1, _BLK, CW), lambda i: (1, i, 0)),
              pl.BlockSpec((H, H), lambda i: (0, 0)),
              pl.BlockSpec((H, H), lambda i: (0, 0)),
              pl.BlockSpec((1, H), lambda i: (0, 0)),
              pl.BlockSpec((1, H), lambda i: (0, 0))],
    out_specs=pl.BlockSpec((_BLK, H), lambda i: (i, 0)),
    out_shape=jax.ShapeDtypeStruct((NP, H), _f32),
)


def _k3_body(dense_ref, a0_ref, a1_ref, c0_ref, c1_ref,
             wcls_ref, bcls_ref, out_ref):
    m = _mean(a0_ref, a1_ref, c0_ref, c1_ref)
    h2 = dense_ref[...] + m
    out_ref[...] = jnp.dot(h2, wcls_ref[...].T) + bcls_ref[...]


_k3 = pl.pallas_call(
    _k3_body,
    grid=(_GRID,),
    in_specs=[pl.BlockSpec((_BLK, H), lambda i: (i, 0)),
              pl.BlockSpec((1, _BLK, H), lambda i: (0, i, 0)),
              pl.BlockSpec((1, _BLK, H), lambda i: (1, i, 0)),
              pl.BlockSpec((1, _BLK, CW), lambda i: (0, i, 0)),
              pl.BlockSpec((1, _BLK, CW), lambda i: (1, i, 0)),
              pl.BlockSpec((C, H), lambda i: (0, 0)),
              pl.BlockSpec((1, C), lambda i: (0, 0))],
    out_specs=pl.BlockSpec((_BLK, C), lambda i: (i, 0)),
    out_shape=jax.ShapeDtypeStruct((NP, C), _f32),
)



def kernel(x, edge_index_rel0, edge_index_rel1,
           Wl_0_0, bl_0_0, Wr_0_0, Wl_0_1, bl_0_1, Wr_0_1,
           Wl_1_0, bl_1_0, Wr_1_0, Wl_1_1, bl_1_1, Wr_1_1,
           W_cls, b_cls):
    e0 = edge_index_rel0.reshape(2, EROWS, SUPER)
    e1 = edge_index_rel1.reshape(2, EROWS, SUPER)

    wl0 = jnp.stack([Wl_0_0, Wl_0_1])
    ycat0 = _k1a(x, wl0)

    agg0, cnt = _make_sc(True)(ycat0, e0, e1)
    dense0 = _k1b(x, Wr_0_0, Wr_0_1,
                  bl_0_0.reshape(1, H), bl_0_1.reshape(1, H))

    wl1 = jnp.stack([Wl_1_0, Wl_1_1])
    ycat1 = _k2a(dense0, agg0, agg0, cnt, cnt, wl1)

    agg1 = _make_sc(False)(ycat1, e0, e1)
    if isinstance(agg1, (list, tuple)):
        agg1 = agg1[0]
    dense1 = _k2b(dense0, agg0, agg0, cnt, cnt, Wr_1_0, Wr_1_1,
                  bl_1_0.reshape(1, H), bl_1_1.reshape(1, H))

    out = _k3(dense1, agg1, agg1, cnt, cnt, W_cls, b_cls.reshape(1, C))
    return out[:N]

# --- scband reference (transcript-rebuilt; emitter-appended) ---
"""Pipeline reference for scband-hetero-gnnbaseline-46901042872931 (READ-ONLY COPY).

The authoritative reference and input builder live on the scoring server;
editing this copy changes nothing except your own understanding.
"""

import jax, jax.numpy as jnp
import numpy as np

N = 10000
E = 320000
D_IN = 128
H = 64
C = 2


def setup_inputs(seed: int = 0) -> dict:
    key = jax.random.key(seed)
    ks = jax.random.split(key, 24)
    inp = {}
    inp["x"] = jax.random.normal(ks[0], (N, D_IN), dtype=jnp.float32)
    inp["edge_index_rel0"] = jax.random.randint(ks[1], (2, E), 0, N, dtype=jnp.int32)
    inp["edge_index_rel1"] = jax.random.randint(ks[2], (2, E), 0, N, dtype=jnp.int32)
    s = 0.05
    # Layer 0 SAGEConvs (in=D_IN, out=H), one per relation type
    inp["Wl_0_0"] = jax.random.normal(ks[3], (H, D_IN), dtype=jnp.float32) * s
    inp["bl_0_0"] = jnp.zeros((H,), dtype=jnp.float32)
    inp["Wr_0_0"] = jax.random.normal(ks[4], (H, D_IN), dtype=jnp.float32) * s
    inp["Wl_0_1"] = jax.random.normal(ks[5], (H, D_IN), dtype=jnp.float32) * s
    inp["bl_0_1"] = jnp.zeros((H,), dtype=jnp.float32)
    inp["Wr_0_1"] = jax.random.normal(ks[6], (H, D_IN), dtype=jnp.float32) * s
    # Layer 1 SAGEConvs (in=H, out=H), one per relation type
    inp["Wl_1_0"] = jax.random.normal(ks[7], (H, H), dtype=jnp.float32) * s
    inp["bl_1_0"] = jnp.zeros((H,), dtype=jnp.float32)
    inp["Wr_1_0"] = jax.random.normal(ks[8], (H, H), dtype=jnp.float32) * s
    inp["Wl_1_1"] = jax.random.normal(ks[9], (H, H), dtype=jnp.float32) * s
    inp["bl_1_1"] = jnp.zeros((H,), dtype=jnp.float32)
    inp["Wr_1_1"] = jax.random.normal(ks[10], (H, H), dtype=jnp.float32) * s
    # Classifier Linear(H, C)
    inp["W_cls"] = jax.random.normal(ks[11], (C, H), dtype=jnp.float32) * s
    inp["b_cls"] = jnp.zeros((C,), dtype=jnp.float32)
    return inp


def _sage_conv(x, edge_index, Wl, bl, Wr):
    # PyG SAGEConv: out = lin_l(mean_{j in N(i)} x_j) + lin_r(x_i)
    src = edge_index[0]
    dst = edge_index[1]
    n = x.shape[0]
    msgs = jnp.take(x, src, axis=0)                     # gather
    agg = jax.ops.segment_sum(msgs, dst, num_segments=n)  # scatter-add
    cnt = jax.ops.segment_sum(jnp.ones((edge_index.shape[1],), dtype=x.dtype), dst, num_segments=n)
    mean = agg / jnp.maximum(cnt, 1.0)[:, None]
    return mean @ Wl.T + bl + x @ Wr.T


def reference(x, edge_index_rel0, edge_index_rel1,
              Wl_0_0, bl_0_0, Wr_0_0, Wl_0_1, bl_0_1, Wr_0_1,
              Wl_1_0, bl_1_0, Wr_1_0, Wl_1_1, bl_1_1, Wr_1_1,
              W_cls, b_cls):
    # HeteroConv layer 0: sum aggregation over relation outputs at the (single) dst node type
    h = _sage_conv(x, edge_index_rel0, Wl_0_0, bl_0_0, Wr_0_0) \
        + _sage_conv(x, edge_index_rel1, Wl_0_1, bl_0_1, Wr_0_1)
    h = jax.nn.relu(h)  # dropout is identity in eval mode
    # HeteroConv layer 1 (final layer: no relu/dropout)
    h = _sage_conv(h, edge_index_rel0, Wl_1_0, bl_1_0, Wr_1_0) \
        + _sage_conv(h, edge_index_rel1, Wl_1_1, bl_1_1, Wr_1_1)
    # classifier on the target node type
    return h @ W_cls.T + b_cls


if False:  # reference __main__ guard neutralized (emitter)
    out = reference(**setup_inputs())
    print(out.shape)

if __name__ == "__main__":
    import jax
    _d = setup_inputs()
    print(jax.jit(kernel)(*tuple(_d.values())))

</pallas_src>

<mosaic_0001>
#map = affine_map<(d0, d1) -> (0, 0, 0)>
module attributes {stable_mosaic.version = 14 : i64} {
  func.func @body(%arg0: i32, %arg1: i32, %arg2: memref<2x10240x64xbf16, #tpu.memory_space<hbm>>, %arg3: memref<2x625x512xi32, #tpu.memory_space<hbm>>, %arg4: memref<2x625x512xi32, #tpu.memory_space<hbm>>, %arg5: memref<2x10240x64xbf16, #tpu.memory_space<hbm>>, %arg6: memref<2x10240x16xf32, #tpu.memory_space<hbm>>, %arg7: memref<40x512xi32, #tpu.memory_space<vmem>>, %arg8: memref<40x512xi32, #tpu.memory_space<vmem>>, %arg9: memref<512x64xbf16, #tpu.memory_space<vmem>>, %arg10: memref<512x64xbf16, #tpu.memory_space<vmem>>, %arg11: memref<512x16xf32, #tpu.memory_space<vmem>>, %arg12: memref<10240x64xbf16, #tpu.memory_space<vmem_shared>>, %arg13: memref<10240x16xf32, #tpu.memory_space<vmem_shared>>, %arg14: memref<!tpu.dma_semaphore, #tpu.memory_space<semaphore_mem>>, %arg15: memref<!tpu.dma_semaphore, #tpu.memory_space<semaphore_mem>>, %arg16: memref<!tpu.dma_semaphore, #tpu.memory_space<semaphore_mem>>) attributes {dimension_semantics = [#tpu.dimension_semantics<core_parallel>, #tpu.dimension_semantics<subcore_parallel>], iteration_bounds = array<i64: 2, 16>, scalar_prefetch = 0 : i64, scratch_operands = 10 : i64, tpu.core_type = #tpu.core_type<sc_vector_subcore>, window_params = [{transform_indices = #map}, {transform_indices = #map}, {transform_indices = #map}, {transform_indices = #map}, {transform_indices = #map}]} {
    %mul3A = arith.constant 640 : i32
    %mul3A_0 = arith.muli %arg1, %mul3A : i32
    %scan3A = arith.constant 0 : i32
    %scan3A_1 = arith.constant 0 : i32
    %scan3A_2 = arith.constant 512 : i32
    %scan3A_3 = arith.addi %scan3A_1, %scan3A_2 : i32
    %scan3A_4 = arith.constant 1 : i32
    %scan3A_5 = scf.for %scan3A_167 = %scan3A_1 to %scan3A_3 step %scan3A_4 iter_args(%scan3A_168 = %scan3A) -> (i32)  : i32 {
      %broadcast_in_dim3A = arith.constant 0.000000e+00 : bf16
      %broadcast_in_dim3A_169 = vector.broadcast %broadcast_in_dim3A : bf16 to vector<32xbf16>
      %swap3A = arith.index_cast %scan3A_167 : i32 to index
      %swap3A_170 = arith.constant 0 : index
      %swap3A_171 = tpu.vector_load %arg9[%swap3A, %swap3A_170] {strides = array<i32>} : memref<512x64xbf16, #tpu.memory_space<vmem>>, vector<1x32xbf16>,
      %swap3A_172 = vector.shape_cast %swap3A_171 : vector<1x32xbf16> to vector<32xbf16>
      %swap3A_173 = vector.shape_cast %broadcast_in_dim3A_169 : vector<32xbf16> to vector<1x32xbf16>
      tpu.vector_store %arg9[%swap3A, %swap3A_170], %swap3A_173 {strides = array<i32>} : memref<512x64xbf16, #tpu.memory_space<vmem>>, vector<1x32xbf16>,
      %broadcast_in_dim3A_174 = arith.constant 0.000000e+00 : bf16
      %broadcast_in_dim3A_175 = vector.broadcast %broadcast_in_dim3A_174 : bf16 to vector<32xbf16>
      %swap3A_176 = arith.index_cast %scan3A_167 : i32 to index
      %swap3A_177 = arith.constant 32 : index
      %swap3A_178 = tpu.vector_load %arg9[%swap3A_176, %swap3A_177] {strides = array<i32>} : memref<512x64xbf16, #tpu.memory_space<vmem>>, vector<1x32xbf16>,
      %swap3A_179 = vector.shape_cast %swap3A_178 : vector<1x32xbf16> to vector<32xbf16>
      %swap3A_180 = vector.shape_cast %broadcast_in_dim3A_175 : vector<32xbf16> to vector<1x32xbf16>
      tpu.vector_store %arg9[%swap3A_176, %swap3A_177], %swap3A_180 {strides = array<i32>} : memref<512x64xbf16, #tpu.memory_space<vmem>>, vector<1x32xbf16>,
      %scan3A_181 = arith.constant 0 : i32
      scf.yield %scan3A_181 : i32
    }
    %scan3A_6 = arith.constant 512 : i32
    %add3A = arith.constant 0 : i32
    %add3A_7 = arith.addi %mul3A_0, %add3A : i32
    %dma_start3A = arith.constant 0 : i32
    %dma_start3A_8 = arith.constant 0 : i32
    %dma_start3A_9 = tpu.memref_slice %arg9[%dma_start3A, %dma_start3A_8] : memref<512x64xbf16, #tpu.memory_space<vmem>> -> memref<512x64xbf16, #tpu.memory_space<vmem>>
    %dma_start3A_10 = arith.constant 0 : i32
    %dma_start3A_11 = tpu.memref_slice %arg12[%add3A_7, %dma_start3A_10] : memref<10240x64xbf16, #tpu.memory_space<vmem_shared>> -> memref<512x64xbf16, #tpu.memory_space<vmem_shared>>
    %dma_start3A_12 = arith.constant 0 : i32
    %dma_start3A_13 = tpu.memref_slice %arg12[%add3A_7, %dma_start3A_12] : memref<10240x64xbf16, #tpu.memory_space<vmem_shared>> -> memref<512x64xbf16, #tpu.memory_space<vmem_shared>>
    %dma_start3A_14 = arith.constant 0 : i32
    %dma_start3A_15 = arith.constant 0 : i32
    %dma_start3A_16 = tpu.memref_slice %arg9[%dma_start3A_14, %dma_start3A_15] : memref<512x64xbf16, #tpu.memory_space<vmem>> -> memref<512x64xbf16, #tpu.memory_space<vmem>>
    tpu.enqueue_dma source(%dma_start3A_16 : memref<512x64xbf16, #tpu.memory_space<vmem>>) target(%dma_start3A_13 : memref<512x64xbf16, #tpu.memory_space<vmem_shared>>) target_semaphore(%arg16 : memref<!tpu.dma_semaphore, #tpu.memory_space<semaphore_mem>>)
    %add3A_17 = arith.constant 512 : i32
    %add3A_18 = arith.addi %mul3A_0, %add3A_17 : i32
    %dma_start3A_19 = arith.constant 0 : i32
    %dma_start3A_20 = arith.constant 0 : i32
    %dma_start3A_21 = tpu.memref_slice %arg9[%dma_start3A_19, %dma_start3A_20] : memref<512x64xbf16, #tpu.memory_space<vmem>> -> memref<128x64xbf16, #tpu.memory_space<vmem>>
    %dma_start3A_22 = arith.constant 0 : i32
    %dma_start3A_23 = tpu.memref_slice %arg12[%add3A_18, %dma_start3A_22] : memref<10240x64xbf16, #tpu.memory_space<vmem_shared>> -> memref<128x64xbf16, #tpu.memory_space<vmem_shared>>
    %dma_start3A_24 = arith.constant 0 : i32
    %dma_start3A_25 = tpu.memref_slice %arg12[%add3A_18, %dma_start3A_24] : memref<10240x64xbf16, #tpu.memory_space<vmem_shared>> -> memref<128x64xbf16, #tpu.memory_space<vmem_shared>>
    %dma_start3A_26 = arith.constant 0 : i32
    %dma_start3A_27 = arith.constant 0 : i32
    %dma_start3A_28 = tpu.memref_slice %arg9[%dma_start3A_26, %dma_start3A_27] : memref<512x64xbf16, #tpu.memory_space<vmem>> -> memref<128x64xbf16, #tpu.memory_space<vmem>>
    tpu.enqueue_dma source(%dma_start3A_28 : memref<128x64xbf16, #tpu.memory_space<vmem>>) target(%dma_start3A_25 : memref<128x64xbf16, #tpu.memory_space<vmem_shared>>) target_semaphore(%arg16 : memref<!tpu.dma_semaphore, #tpu.memory_space<semaphore_mem>>)
    %scan3A_29 = arith.constant 0 : i32
    %scan3A_30 = arith.constant 0 : i32
    %scan3A_31 = arith.constant 512 : i32
    %scan3A_32 = arith.addi %scan3A_30, %scan3A_31 : i32
    %scan3A_33 = arith.constant 1 : i32
    %scan3A_34 = scf.for %scan3A_167 = %scan3A_30 to %scan3A_32 step %scan3A_33 iter_args(%scan3A_168 = %scan3A_29) -> (i32)  : i32 {
      %broadcast_in_dim3A = arith.constant 0.000000e+00 : f32
      %broadcast_in_dim3A_169 = vector.broadcast %broadcast_in_dim3A : f32 to vector<16xf32>
      %swap3A = arith.index_cast %scan3A_167 : i32 to index
      %swap3A_170 = arith.constant 0 : index
      %swap3A_171 = tpu.vector_load %arg11[%swap3A, %swap3A_170] {strides = array<i32>} : memref<512x16xf32, #tpu.memory_space<vmem>>, vector<1x16xf32>,
      %swap3A_172 = vector.shape_cast %swap3A_171 : vector<1x16xf32> to vector<16xf32>
      %swap3A_173 = vector.shape_cast %broadcast_in_dim3A_169 : vector<16xf32> to vector<1x16xf32>
      tpu.vector_store %arg11[%swap3A, %swap3A_170], %swap3A_173 {strides = array<i32>} : memref<512x16xf32, #tpu.memory_space<vmem>>, vector<1x16xf32>,
      %scan3A_174 = arith.constant 0 : i32
      scf.yield %scan3A_174 : i32
    }
    %scan3A_35 = arith.constant 512 : i32
    %add3A_36 = arith.constant 0 : i32
    %add3A_37 = arith.addi %mul3A_0, %add3A_36 : i32
    %dma_start3A_38 = arith.constant 0 : i32
    %dma_start3A_39 = arith.constant 0 : i32
    %dma_start3A_40 = tpu.memref_slice %arg11[%dma_start3A_38, %dma_start3A_39] : memref<512x16xf32, #tpu.memory_space<vmem>> -> memref<512x16xf32, #tpu.memory_space<vmem>>
    %dma_start3A_41 = arith.constant 0 : i32
    %dma_start3A_42 = tpu.memref_slice %arg13[%add3A_37, %dma_start3A_41] : memref<10240x16xf32, #tpu.memory_space<vmem_shared>> -> memref<512x16xf32, #tpu.memory_space<vmem_shared>>
    %dma_start3A_43 = arith.constant 0 : i32
    %dma_start3A_44 = tpu.memref_slice %arg13[%add3A_37, %dma_start3A_43] : memref<10240x16xf32, #tpu.memory_space<vmem_shared>> -> memref<512x16xf32, #tpu.memory_space<vmem_shared>>
    %dma_start3A_45 = arith.constant 0 : i32
    %dma_start3A_46 = arith.constant 0 : i32
    %dma_start3A_47 = tpu.memref_slice %arg11[%dma_start3A_45, %dma_start3A_46] : memref<512x16xf32, #tpu.memory_space<vmem>> -> memref<512x16xf32, #tpu.memory_space<vmem>>
    tpu.enqueue_dma source(%dma_start3A_47 : memref<512x16xf32, #tpu.memory_space<vmem>>) target(%dma_start3A_44 : memref<512x16xf32, #tpu.memory_space<vmem_shared>>) target_semaphore(%arg16 : memref<!tpu.dma_semaphore, #tpu.memory_space<semaphore_mem>>)
    %add3A_48 = arith.constant 512 : i32
    %add3A_49 = arith.addi %mul3A_0, %add3A_48 : i32
    %dma_start3A_50 = arith.constant 0 : i32
    %dma_start3A_51 = arith.constant 0 : i32
    %dma_start3A_52 = tpu.memref_slice %arg11[%dma_start3A_50, %dma_start3A_51] : memref<512x16xf32, #tpu.memory_space<vmem>> -> memref<128x16xf32, #tpu.memory_space<vmem>>
    %dma_start3A_53 = arith.constant 0 : i32
    %dma_start3A_54 = tpu.memref_slice %arg13[%add3A_49, %dma_start3A_53] : memref<10240x16xf32, #tpu.memory_space<vmem_shared>> -> memref<128x16xf32, #tpu.memory_space<vmem_shared>>
    %dma_start3A_55 = arith.constant 0 : i32
    %dma_start3A_56 = tpu.memref_slice %arg13[%add3A_49, %dma_start3A_55] : memref<10240x16xf32, #tpu.memory_space<vmem_shared>> -> memref<128x16xf32, #tpu.memory_space<vmem_shared>>
    %dma_start3A_57 = arith.constant 0 : i32
    %dma_start3A_58 = arith.constant 0 : i32
    %dma_start3A_59 = tpu.memref_slice %arg11[%dma_start3A_57, %dma_start3A_58] : memref<512x16xf32, #tpu.memory_space<vmem>> -> memref<128x16xf32, #tpu.memory_space<vmem>>
    tpu.enqueue_dma source(%dma_start3A_59 : memref<128x16xf32, #tpu.memory_space<vmem>>) target(%dma_start3A_56 : memref<128x16xf32, #tpu.memory_space<vmem_shared>>) target_semaphore(%arg16 : memref<!tpu.dma_semaphore, #tpu.memory_space<semaphore_mem>>)
    %dma_wait3A = arith.constant 0 : i32
    %dma_wait3A_60 = arith.constant 0 : i32
    %dma_wait3A_61 = tpu.memref_slice %arg9[%dma_wait3A, %dma_wait3A_60] : memref<512x64xbf16, #tpu.memory_space<vmem>> -> memref<512x64xbf16, #tpu.memory_space<vmem>>
    %dma_wait3A_62 = arith.constant 0 : i32
    %dma_wait3A_63 = tpu.memref_slice %arg12[%mul3A_0, %dma_wait3A_62] : memref<10240x64xbf16, #tpu.memory_space<vmem_shared>> -> memref<512x64xbf16, #tpu.memory_space<vmem_shared>>
    %dma_wait3A_64 = arith.constant 0 : i32
    %dma_wait3A_65 = tpu.memref_slice %arg12[%mul3A_0, %dma_wait3A_64] : memref<10240x64xbf16, #tpu.memory_space<vmem_shared>> -> memref<512x64xbf16, #tpu.memory_space<vmem_shared>>
    %dma_wait3A_66 = arith.constant 0 : i32
    %dma_wait3A_67 = arith.constant 0 : i32
    %dma_wait3A_68 = tpu.memref_slice %arg9[%dma_wait3A_66, %dma_wait3A_67] : memref<512x64xbf16, #tpu.memory_space<vmem>> -> memref<512x64xbf16, #tpu.memory_space<vmem>>
    tpu.wait_dma2 semaphore(%arg16 : memref<!tpu.dma_semaphore, #tpu.memory_space<semaphore_mem>>) src(%dma_wait3A_68 : memref<512x64xbf16, #tpu.memory_space<vmem>>) dst(%dma_wait3A_65 : memref<512x64xbf16, #tpu.memory_space<vmem_shared>>)
    %dma_wait3A_69 = arith.constant 0 : i32
    %dma_wait3A_70 = arith.constant 0 : i32
    %dma_wait3A_71 = tpu.memref_slice %arg11[%dma_wait3A_69, %dma_wait3A_70] : memref<512x16xf32, #tpu.memory_space<vmem>> -> memref<512x16xf32, #tpu.memory_space<vmem>>
    %dma_wait3A_72 = arith.constant 0 : i32
    %dma_wait3A_73 = tpu.memref_slice %arg13[%mul3A_0, %dma_wait3A_72] : memref<10240x16xf32, #tpu.memory_space<vmem_shared>> -> memref<512x16xf32, #tpu.memory_space<vmem_shared>>
    %dma_wait3A_74 = arith.constant 0 : i32
    %dma_wait3A_75 = tpu.memref_slice %arg13[%mul3A_0, %dma_wait3A_74] : memref<10240x16xf32, #tpu.memory_space<vmem_shared>> -> memref<512x16xf32, #tpu.memory_space<vmem_shared>>
    %dma_wait3A_76 = arith.constant 0 : i32
    %dma_wait3A_77 = arith.constant 0 : i32
    %dma_wait3A_78 = tpu.memref_slice %arg11[%dma_wait3A_76, %dma_wait3A_77] : memref<512x16xf32, #tpu.memory_space<vmem>> -> memref<512x16xf32, #tpu.memory_space<vmem>>
    tpu.wait_dma2 semaphore(%arg16 : memref<!tpu.dma_semaphore, #tpu.memory_space<semaphore_mem>>) src(%dma_wait3A_78 : memref<512x16xf32, #tpu.memory_space<vmem>>) dst(%dma_wait3A_75 : memref<512x16xf32, #tpu.memory_space<vmem_shared>>)
    %dma_wait3A_79 = arith.constant 0 : i32
    %dma_wait3A_80 = arith.constant 0 : i32
    %dma_wait3A_81 = tpu.memref_slice %arg9[%dma_wait3A_79, %dma_wait3A_80] : memref<512x64xbf16, #tpu.memory_space<vmem>> -> memref<128x64xbf16, #tpu.memory_space<vmem>>
    %dma_wait3A_82 = arith.constant 0 : i32
    %dma_wait3A_83 = tpu.memref_slice %arg12[%mul3A_0, %dma_wait3A_82] : memref<10240x64xbf16, #tpu.memory_space<vmem_shared>> -> memref<128x64xbf16, #tpu.memory_space<vmem_shared>>
    %dma_wait3A_84 = arith.constant 0 : i32
    %dma_wait3A_85 = tpu.memref_slice %arg12[%mul3A_0, %dma_wait3A_84] : memref<10240x64xbf16, #tpu.memory_space<vmem_shared>> -> memref<128x64xbf16, #tpu.memory_space<vmem_shared>>
    %dma_wait3A_86 = arith.constant 0 : i32
    %dma_wait3A_87 = arith.constant 0 : i32
    %dma_wait3A_88 = tpu.memref_slice %arg9[%dma_wait3A_86, %dma_wait3A_87] : memref<512x64xbf16, #tpu.memory_space<vmem>> -> memref<128x64xbf16, #tpu.memory_space<vmem>>
    tpu.wait_dma2 semaphore(%arg16 : memref<!tpu.dma_semaphore, #tpu.memory_space<semaphore_mem>>) src(%dma_wait3A_88 : memref<128x64xbf16, #tpu.memory_space<vmem>>) dst(%dma_wait3A_85 : memref<128x64xbf16, #tpu.memory_space<vmem_shared>>)
    %dma_wait3A_89 = arith.constant 0 : i32
    %dma_wait3A_90 = arith.constant 0 : i32
    %dma_wait3A_91 = tpu.memref_slice %arg11[%dma_wait3A_89, %dma_wait3A_90] : memref<512x16xf32, #tpu.memory_space<vmem>> -> memref<128x16xf32, #tpu.memory_space<vmem>>
    %dma_wait3A_92 = arith.constant 0 : i32
    %dma_wait3A_93 = tpu.memref_slice %arg13[%mul3A_0, %dma_wait3A_92] : memref<10240x16xf32, #tpu.memory_space<vmem_shared>> -> memref<128x16xf32, #tpu.memory_space<vmem_shared>>
    %dma_wait3A_94 = arith.constant 0 : i32
    %dma_wait3A_95 = tpu.memref_slice %arg13[%mul3A_0, %dma_wait3A_94] : memref<10240x16xf32, #tpu.memory_space<vmem_shared>> -> memref<128x16xf32, #tpu.memory_space<vmem_shared>>
    %dma_wait3A_96 = arith.constant 0 : i32
    %dma_wait3A_97 = arith.constant 0 : i32
    %dma_wait3A_98 = tpu.memref_slice %arg11[%dma_wait3A_96, %dma_wait3A_97] : memref<512x16xf32, #tpu.memory_space<vmem>> -> memref<128x16xf32, #tpu.memory_space<vmem>>
    tpu.wait_dma2 semaphore(%arg16 : memref<!tpu.dma_semaphore, #tpu.memory_space<semaphore_mem>>) src(%dma_wait3A_98 : memref<128x16xf32, #tpu.memory_space<vmem>>) dst(%dma_wait3A_95 : memref<128x16xf32, #tpu.memory_space<vmem_shared>>)
    %scan3A_99 = arith.constant 0 : i32
    %scan3A_100 = arith.constant 0 : i32
    %scan3A_101 = arith.constant 512 : i32
    %scan3A_102 = arith.addi %scan3A_100, %scan3A_101 : i32
    %scan3A_103 = arith.constant 1 : i32
    %scan3A_104 = scf.for %scan3A_167 = %scan3A_100 to %scan3A_102 step %scan3A_103 iter_args(%scan3A_168 = %scan3A_99) -> (i32)  : i32 {
      %broadcast_in_dim3A = arith.constant 1.000000e+00 : f32
      %broadcast_in_dim3A_169 = vector.broadcast %broadcast_in_dim3A : f32 to vector<16xf32>
      %swap3A = arith.index_cast %scan3A_167 : i32 to index
      %swap3A_170 = arith.constant 0 : index
      %swap3A_171 = tpu.vector_load %arg11[%swap3A, %swap3A_170] {strides = array<i32>} : memref<512x16xf32, #tpu.memory_space<vmem>>, vector<1x16xf32>,
      %swap3A_172 = vector.shape_cast %swap3A_171 : vector<1x16xf32> to vector<16xf32>
      %swap3A_173 = vector.shape_cast %broadcast_in_dim3A_169 : vector<16xf32> to vector<1x16xf32>
      tpu.vector_store %arg11[%swap3A, %swap3A_170], %swap3A_173 {strides = array<i32>} : memref<512x16xf32, #tpu.memory_space<vmem>>, vector<1x16xf32>,
      %scan3A_174 = arith.constant 0 : i32
      scf.yield %scan3A_174 : i32
    }
    %scan3A_105 = arith.constant 512 : i32
    %eq3A = arith.constant 0 : i32
    %eq3A_106 = arith.cmpi eq, %arg0, %eq3A : i32
    %convert_element_type3A = arith.extui %eq3A_106 : i1 to i32
    %cond3A = arith.constant 0 : i32
    %cond3A_107 = arith.cmpi ne, %convert_element_type3A, %cond3A : i32
    scf.if %cond3A_107 {
      %mul3A_167 = arith.constant 39 : i32
      %mul3A_168 = arith.muli %mul3A_167, %arg1 : i32
      %run_scoped3A_169 = arith.constant 0 : i32
      "tpu.region"() ({
        %run_scoped3A_175 = tpu.sem_alloc : memref<!tpu.dma_semaphore, #tpu.memory_space<semaphore_mem>>
        %dma_start3A_176 = arith.constant 0 : i32
        %dma_start3A_177 = arith.constant 0 : i32
        %dma_start3A_178 = tpu.memref_slice %arg7[%dma_start3A_176, %dma_start3A_177] : memref<40x512xi32, #tpu.memory_space<vmem>> -> memref<39x512xi32, #tpu.memory_space<vmem>>
        %dma_start3A_179 = arith.constant 0 : i32
        %dma_start3A_180 = tpu.memref_slice %arg3[%run_scoped3A_169, %mul3A_168, %dma_start3A_179] : memref<2x625x512xi32, #tpu.memory_space<hbm>> -> memref<1x39x512xi32, #tpu.memory_space<hbm>>
        %dma_start3A_181 = tpu.memref_squeeze %dma_start3A_180 : memref<1x39x512xi32, #tpu.memory_space<hbm>> -> memref<39x512xi32, #tpu.memory_space<hbm>>
        %dma_start3A_182 = arith.constant 0 : i32
        %dma_start3A_183 = arith.constant 0 : i32
        %dma_start3A_184 = tpu.memref_slice %arg7[%dma_start3A_182, %dma_start3A_183] : memref<40x512xi32, #tpu.memory_space<vmem>> -> memref<39x512xi32, #tpu.memory_space<vmem>>
        %dma_start3A_185 = arith.constant 0 : i32
        %dma_start3A_186 = tpu.memref_slice %arg3[%run_scoped3A_169, %mul3A_168, %dma_start3A_185] : memref<2x625x512xi32, #tpu.memory_space<hbm>> -> memref<1x39x512xi32, #tpu.memory_space<hbm>>
        %dma_start3A_187 = tpu.memref_squeeze %dma_start3A_186 : memref<1x39x512xi32, #tpu.memory_space<hbm>> -> memref<39x512xi32, #tpu.memory_space<hbm>>
        tpu.enqueue_dma source(%dma_start3A_187 : memref<39x512xi32, #tpu.memory_space<hbm>>) target(%dma_start3A_184 : memref<39x512xi32, #tpu.memory_space<vmem>>) target_semaphore(%run_scoped3A_175 : memref<!tpu.dma_semaphore, #tpu.memory_space<semaphore_mem>>)
        %dma_wait3A_188 = arith.constant 0 : i32
        %dma_wait3A_189 = arith.constant 0 : i32
        %dma_wait3A_190 = tpu.memref_slice %arg7[%dma_wait3A_188, %dma_wait3A_189] : memref<40x512xi32, #tpu.memory_space<vmem>> -> memref<39x512xi32, #tpu.memory_space<vmem>>
        %dma_wait3A_191 = arith.constant 0 : i32
        %dma_wait3A_192 = tpu.memref_slice %arg3[%run_scoped3A_169, %mul3A_168, %dma_wait3A_191] : memref<2x625x512xi32, #tpu.memory_space<hbm>> -> memref<1x39x512xi32, #tpu.memory_space<hbm>>
        %dma_wait3A_193 = tpu.memref_squeeze %dma_wait3A_192 : memref<1x39x512xi32, #tpu.memory_space<hbm>> -> memref<39x512xi32, #tpu.memory_space<hbm>>
        %dma_wait3A_194 = arith.constant 0 : i32
        %dma_wait3A_195 = arith.constant 0 : i32
        %dma_wait3A_196 = tpu.memref_slice %arg7[%dma_wait3A_194, %dma_wait3A_195] : memref<40x512xi32, #tpu.memory_space<vmem>> -> memref<39x512xi32, #tpu.memory_space<vmem>>
        %dma_wait3A_197 = arith.constant 0 : i32
        %dma_wait3A_198 = tpu.memref_slice %arg3[%run_scoped3A_169, %mul3A_168, %dma_wait3A_197] : memref<2x625x512xi32, #tpu.memory_space<hbm>> -> memref<1x39x512xi32, #tpu.memory_space<hbm>>
        %dma_wait3A_199 = tpu.memref_squeeze %dma_wait3A_198 : memref<1x39x512xi32, #tpu.memory_space<hbm>> -> memref<39x512xi32, #tpu.memory_space<hbm>>
        tpu.wait_dma2 semaphore(%run_scoped3A_175 : memref<!tpu.dma_semaphore, #tpu.memory_space<semaphore_mem>>) src(%dma_wait3A_199 : memref<39x512xi32, #tpu.memory_space<hbm>>) dst(%dma_wait3A_196 : memref<39x512xi32, #tpu.memory_space<vmem>>)
        tpu.yield
      }) : () -> ()
      %mul3A_170 = arith.constant 39 : i32
      %mul3A_171 = arith.muli %mul3A_170, %arg1 : i32
      %run_scoped3A_172 = arith.constant 1 : i32
      "tpu.region"() ({
        %run_scoped3A_175 = tpu.sem_alloc : memref<!tpu.dma_semaphore, #tpu.memory_space<semaphore_mem>>
        %dma_start3A_176 = arith.constant 0 : i32
        %dma_start3A_177 = arith.constant 0 : i32
        %dma_start3A_178 = tpu.memref_slice %arg8[%dma_start3A_176, %dma_start3A_177] : memref<40x512xi32, #tpu.memory_space<vmem>> -> memref<39x512xi32, #tpu.memory_space<vmem>>
        %dma_start3A_179 = arith.constant 0 : i32
        %dma_start3A_180 = tpu.memref_slice %arg3[%run_scoped3A_172, %mul3A_171, %dma_start3A_179] : memref<2x625x512xi32, #tpu.memory_space<hbm>> -> memref<1x39x512xi32, #tpu.memory_space<hbm>>
        %dma_start3A_181 = tpu.memref_squeeze %dma_start3A_180 : memref<1x39x512xi32, #tpu.memory_space<hbm>> -> memref<39x512xi32, #tpu.memory_space<hbm>>
        %dma_start3A_182 = arith.constant 0 : i32
        %dma_start3A_183 = arith.constant 0 : i32
        %dma_start3A_184 = tpu.memref_slice %arg8[%dma_start3A_182, %dma_start3A_183] : memref<40x512xi32, #tpu.memory_space<vmem>> -> memref<39x512xi32, #tpu.memory_space<vmem>>
        %dma_start3A_185 = arith.constant 0 : i32
        %dma_start3A_186 = tpu.memref_slice %arg3[%run_scoped3A_172, %mul3A_171, %dma_start3A_185] : memref<2x625x512xi32, #tpu.memory_space<hbm>> -> memref<1x39x512xi32, #tpu.memory_space<hbm>>
        %dma_start3A_187 = tpu.memref_squeeze %dma_start3A_186 : memref<1x39x512xi32, #tpu.memory_space<hbm>> -> memref<39x512xi32, #tpu.memory_space<hbm>>
        tpu.enqueue_dma source(%dma_start3A_187 : memref<39x512xi32, #tpu.memory_space<hbm>>) target(%dma_start3A_184 : memref<39x512xi32, #tpu.memory_space<vmem>>) target_semaphore(%run_scoped3A_175 : memref<!tpu.dma_semaphore, #tpu.memory_space<semaphore_mem>>)
        %dma_wait3A_188 = arith.constant 0 : i32
        %dma_wait3A_189 = arith.constant 0 : i32
        %dma_wait3A_190 = tpu.memref_slice %arg8[%dma_wait3A_188, %dma_wait3A_189] : memref<40x512xi32, #tpu.memory_space<vmem>> -> memref<39x512xi32, #tpu.memory_space<vmem>>
        %dma_wait3A_191 = arith.constant 0 : i32
        %dma_wait3A_192 = tpu.memref_slice %arg3[%run_scoped3A_172, %mul3A_171, %dma_wait3A_191] : memref<2x625x512xi32, #tpu.memory_space<hbm>> -> memref<1x39x512xi32, #tpu.memory_space<hbm>>
        %dma_wait3A_193 = tpu.memref_squeeze %dma_wait3A_192 : memref<1x39x512xi32, #tpu.memory_space<hbm>> -> memref<39x512xi32, #tpu.memory_space<hbm>>
        %dma_wait3A_194 = arith.constant 0 : i32
        %dma_wait3A_195 = arith.constant 0 : i32
        %dma_wait3A_196 = tpu.memref_slice %arg8[%dma_wait3A_194, %dma_wait3A_195] : memref<40x512xi32, #tpu.memory_space<vmem>> -> memref<39x512xi32, #tpu.memory_space<vmem>>
        %dma_wait3A_197 = arith.constant 0 : i32
        %dma_wait3A_198 = tpu.memref_slice %arg3[%run_scoped3A_172, %mul3A_171, %dma_wait3A_197] : memref<2x625x512xi32, #tpu.memory_space<hbm>> -> memref<1x39x512xi32, #tpu.memory_space<hbm>>
        %dma_wait3A_199 = tpu.memref_squeeze %dma_wait3A_198 : memref<1x39x512xi32, #tpu.memory_space<hbm>> -> memref<39x512xi32, #tpu.memory_space<hbm>>
        tpu.wait_dma2 semaphore(%run_scoped3A_175 : memref<!tpu.dma_semaphore, #tpu.memory_space<semaphore_mem>>) src(%dma_wait3A_199 : memref<39x512xi32, #tpu.memory_space<hbm>>) dst(%dma_wait3A_196 : memref<39x512xi32, #tpu.memory_space<vmem>>)
        tpu.yield
      }) : () -> ()
      %run_scoped3A_173 = arith.constant 0 : i32
      "tpu.region"() ({
        %run_scoped3A_175 = tpu.sem_alloc : memref<!tpu.dma_semaphore, #tpu.memory_space<semaphore_mem>>
        %dma_start3A_176 = arith.constant 39 : i32
        %dma_start3A_177 = arith.constant 0 : i32
        %dma_start3A_178 = tpu.memref_slice %arg7[%dma_start3A_176, %dma_start3A_177] : memref<40x512xi32, #tpu.memory_space<vmem>> -> memref<1x512xi32, #tpu.memory_space<vmem>>
        %dma_start3A_179 = arith.constant 624 : i32
        %dma_start3A_180 = arith.constant 0 : i32
        %dma_start3A_181 = tpu.memref_slice %arg3[%run_scoped3A_173, %dma_start3A_179, %dma_start3A_180] : memref<2x625x512xi32, #tpu.memory_space<hbm>> -> memref<1x1x512xi32, #tpu.memory_space<hbm>>
        %dma_start3A_182 = tpu.memref_squeeze %dma_start3A_181 : memref<1x1x512xi32, #tpu.memory_space<hbm>> -> memref<1x512xi32, #tpu.memory_space<hbm>>
        %dma_start3A_183 = arith.constant 39 : i32
        %dma_start3A_184 = arith.constant 0 : i32
        %dma_start3A_185 = tpu.memref_slice %arg7[%dma_start3A_183, %dma_start3A_184] : memref<40x512xi32, #tpu.memory_space<vmem>> -> memref<1x512xi32, #tpu.memory_space<vmem>>
        %dma_start3A_186 = arith.constant 624 : i32
        %dma_start3A_187 = arith.constant 0 : i32
        %dma_start3A_188 = tpu.memref_slice %arg3[%run_scoped3A_173, %dma_start3A_186, %dma_start3A_187] : memref<2x625x512xi32, #tpu.memory_space<hbm>> -> memref<1x1x512xi32, #tpu.memory_space<hbm>>
        %dma_start3A_189 = tpu.memref_squeeze %dma_start3A_188 : memref<1x1x512xi32, #tpu.memory_space<hbm>> -> memref<1x512xi32, #tpu.memory_space<hbm>>
        tpu.enqueue_dma source(%dma_start3A_189 : memref<1x512xi32, #tpu.memory_space<hbm>>) target(%dma_start3A_185 : memref<1x512xi32, #tpu.memory_space<vmem>>) target_semaphore(%run_scoped3A_175 : memref<!tpu.dma_semaphore, #tpu.memory_space<semaphore_mem>>)
        %dma_wait3A_190 = arith.constant 39 : i32
        %dma_wait3A_191 = arith.constant 0 : i32
        %dma_wait3A_192 = tpu.memref_slice %arg7[%dma_wait3A_190, %dma_wait3A_191] : memref<40x512xi32, #tpu.memory_space<vmem>> -> memref<1x512xi32, #tpu.memory_space<vmem>>
        %dma_wait3A_193 = arith.constant 624 : i32
        %dma_wait3A_194 = arith.constant 0 : i32
        %dma_wait3A_195 = tpu.memref_slice %arg3[%run_scoped3A_173, %dma_wait3A_193, %dma_wait3A_194] : memref<2x625x512xi32, #tpu.memory_space<hbm>> -> memref<1x1x512xi32, #tpu.memory_space<hbm>>
        %dma_wait3A_196 = tpu.memref_squeeze %dma_wait3A_195 : memref<1x1x512xi32, #tpu.memory_space<hbm>> -> memref<1x512xi32, #tpu.memory_space<hbm>>
        %dma_wait3A_197 = arith.constant 39 : i32
        %dma_wait3A_198 = arith.constant 0 : i32
        %dma_wait3A_199 = tpu.memref_slice %arg7[%dma_wait3A_197, %dma_wait3A_198] : memref<40x512xi32, #tpu.memory_space<vmem>> -> memref<1x512xi32, #tpu.memory_space<vmem>>
        %dma_wait3A_200 = arith.constant 624 : i32
        %dma_wait3A_201 = arith.constant 0 : i32
        %dma_wait3A_202 = tpu.memref_slice %arg3[%run_scoped3A_173, %dma_wait3A_200, %dma_wait3A_201] : memref<2x625x512xi32, #tpu.memory_space<hbm>> -> memref<1x1x512xi32, #tpu.memory_space<hbm>>
        %dma_wait3A_203 = tpu.memref_squeeze %dma_wait3A_202 : memref<1x1x512xi32, #tpu.memory_space<hbm>> -> memref<1x512xi32, #tpu.memory_space<hbm>>
        tpu.wait_dma2 semaphore(%run_scoped3A_175 : memref<!tpu.dma_semaphore, #tpu.memory_space<semaphore_mem>>) src(%dma_wait3A_203 : memref<1x512xi32, #tpu.memory_space<hbm>>) dst(%dma_wait3A_199 : memref<1x512xi32, #tpu.memory_space<vmem>>)
        tpu.yield
      }) : () -> ()
      %run_scoped3A_174 = arith.constant 1 : i32
      "tpu.region"() ({
        %run_scoped3A_175 = tpu.sem_alloc : memref<!tpu.dma_semaphore, #tpu.memory_space<semaphore_mem>>
        %dma_start3A_176 = arith.constant 39 : i32
        %dma_start3A_177 = arith.constant 0 : i32
        %dma_start3A_178 = tpu.memref_slice %arg8[%dma_start3A_176, %dma_start3A_177] : memref<40x512xi32, #tpu.memory_space<vmem>> -> memref<1x512xi32, #tpu.memory_space<vmem>>
        %dma_start3A_179 = arith.constant 624 : i32
        %dma_start3A_180 = arith.constant 0 : i32
        %dma_start3A_181 = tpu.memref_slice %arg3[%run_scoped3A_174, %dma_start3A_179, %dma_start3A_180] : memref<2x625x512xi32, #tpu.memory_space<hbm>> -> memref<1x1x512xi32, #tpu.memory_space<hbm>>
        %dma_start3A_182 = tpu.memref_squeeze %dma_start3A_181 : memref<1x1x512xi32, #tpu.memory_space<hbm>> -> memref<1x512xi32, #tpu.memory_space<hbm>>
        %dma_start3A_183 = arith.constant 39 : i32
        %dma_start3A_184 = arith.constant 0 : i32
        %dma_start3A_185 = tpu.memref_slice %arg8[%dma_start3A_183, %dma_start3A_184] : memref<40x512xi32, #tpu.memory_space<vmem>> -> memref<1x512xi32, #tpu.memory_space<vmem>>
        %dma_start3A_186 = arith.constant 624 : i32
        %dma_start3A_187 = arith.constant 0 : i32
        %dma_start3A_188 = tpu.memref_slice %arg3[%run_scoped3A_174, %dma_start3A_186, %dma_start3A_187] : memref<2x625x512xi32, #tpu.memory_space<hbm>> -> memref<1x1x512xi32, #tpu.memory_space<hbm>>
        %dma_start3A_189 = tpu.memref_squeeze %dma_start3A_188 : memref<1x1x512xi32, #tpu.memory_space<hbm>> -> memref<1x512xi32, #tpu.memory_space<hbm>>
        tpu.enqueue_dma source(%dma_start3A_189 : memref<1x512xi32, #tpu.memory_space<hbm>>) target(%dma_start3A_185 : memref<1x512xi32, #tpu.memory_space<vmem>>) target_semaphore(%run_scoped3A_175 : memref<!tpu.dma_semaphore, #tpu.memory_space<semaphore_mem>>)
        %dma_wait3A_190 = arith.constant 39 : i32
        %dma_wait3A_191 = arith.constant 0 : i32
        %dma_wait3A_192 = tpu.memref_slice %arg8[%dma_wait3A_190, %dma_wait3A_191] : memref<40x512xi32, #tpu.memory_space<vmem>> -> memref<1x512xi32, #tpu.memory_space<vmem>>
        %dma_wait3A_193 = arith.constant 624 : i32
        %dma_wait3A_194 = arith.constant 0 : i32
        %dma_wait3A_195 = tpu.memref_slice %arg3[%run_scoped3A_174, %dma_wait3A_193, %dma_wait3A_194] : memref<2x625x512xi32, #tpu.memory_space<hbm>> -> memref<1x1x512xi32, #tpu.memory_space<hbm>>
        %dma_wait3A_196 = tpu.memref_squeeze %dma_wait3A_195 : memref<1x1x512xi32, #tpu.memory_space<hbm>> -> memref<1x512xi32, #tpu.memory_space<hbm>>
        %dma_wait3A_197 = arith.constant 39 : i32
        %dma_wait3A_198 = arith.constant 0 : i32
        %dma_wait3A_199 = tpu.memref_slice %arg8[%dma_wait3A_197, %dma_wait3A_198] : memref<40x512xi32, #tpu.memory_space<vmem>> -> memref<1x512xi32, #tpu.memory_space<vmem>>
        %dma_wait3A_200 = arith.constant 624 : i32
        %dma_wait3A_201 = arith.constant 0 : i32
        %dma_wait3A_202 = tpu.memref_slice %arg3[%run_scoped3A_174, %dma_wait3A_200, %dma_wait3A_201] : memref<2x625x512xi32, #tpu.memory_space<hbm>> -> memref<1x1x512xi32, #tpu.memory_space<hbm>>
        %dma_wait3A_203 = tpu.memref_squeeze %dma_wait3A_202 : memref<1x1x512xi32, #tpu.memory_space<hbm>> -> memref<1x512xi32, #tpu.memory_space<hbm>>
        tpu.wait_dma2 semaphore(%run_scoped3A_175 : memref<!tpu.dma_semaphore, #tpu.memory_space<semaphore_mem>>) src(%dma_wait3A_203 : memref<1x512xi32, #tpu.memory_space<hbm>>) dst(%dma_wait3A_199 : memref<1x512xi32, #tpu.memory_space<vmem>>)
        tpu.yield
      }) : () -> ()
    } else {
    }
    %eq3A_108 = arith.constant 1 : i32
    %eq3A_109 = arith.cmpi eq, %arg0, %eq3A_108 : i32
    %convert_element_type3A_110 = arith.extui %eq3A_109 : i1 to i32
    %cond3A_111 = arith.constant 0 : i32
    %cond3A_112 = arith.cmpi ne, %convert_element_type3A_110, %cond3A_111 : i32
    scf.if %cond3A_112 {
      %mul3A_167 = arith.constant 39 : i32
      %mul3A_168 = arith.muli %mul3A_167, %arg1 : i32
      %run_scoped3A_169 = arith.constant 0 : i32
      "tpu.region"() ({
        %run_scoped3A_175 = tpu.sem_alloc : memref<!tpu.dma_semaphore, #tpu.memory_space<semaphore_mem>>
        %dma_start3A_176 = arith.constant 0 : i32
        %dma_start3A_177 = arith.constant 0 : i32
        %dma_start3A_178 = tpu.memref_slice %arg7[%dma_start3A_176, %dma_start3A_177] : memref<40x512xi32, #tpu.memory_space<vmem>> -> memref<39x512xi32, #tpu.memory_space<vmem>>
        %dma_start3A_179 = arith.constant 0 : i32
        %dma_start3A_180 = tpu.memref_slice %arg4[%run_scoped3A_169, %mul3A_168, %dma_start3A_179] : memref<2x625x512xi32, #tpu.memory_space<hbm>> -> memref<1x39x512xi32, #tpu.memory_space<hbm>>
        %dma_start3A_181 = tpu.memref_squeeze %dma_start3A_180 : memref<1x39x512xi32, #tpu.memory_space<hbm>> -> memref<39x512xi32, #tpu.memory_space<hbm>>
        %dma_start3A_182 = arith.constant 0 : i32
        %dma_start3A_183 = arith.constant 0 : i32
        %dma_start3A_184 = tpu.memref_slice %arg7[%dma_start3A_182, %dma_start3A_183] : memref<40x512xi32, #tpu.memory_space<vmem>> -> memref<39x512xi32, #tpu.memory_space<vmem>>
        %dma_start3A_185 = arith.constant 0 : i32
        %dma_start3A_186 = tpu.memref_slice %arg4[%run_scoped3A_169, %mul3A_168, %dma_start3A_185] : memref<2x625x512xi32, #tpu.memory_space<hbm>> -> memref<1x39x512xi32, #tpu.memory_space<hbm>>
        %dma_start3A_187 = tpu.memref_squeeze %dma_start3A_186 : memref<1x39x512xi32, #tpu.memory_space<hbm>> -> memref<39x512xi32, #tpu.memory_space<hbm>>
        tpu.enqueue_dma source(%dma_start3A_187 : memref<39x512xi32, #tpu.memory_space<hbm>>) target(%dma_start3A_184 : memref<39x512xi32, #tpu.memory_space<vmem>>) target_semaphore(%run_scoped3A_175 : memref<!tpu.dma_semaphore, #tpu.memory_space<semaphore_mem>>)
        %dma_wait3A_188 = arith.constant 0 : i32
        %dma_wait3A_189 = arith.constant 0 : i32
        %dma_wait3A_190 = tpu.memref_slice %arg7[%dma_wait3A_188, %dma_wait3A_189] : memref<40x512xi32, #tpu.memory_space<vmem>> -> memref<39x512xi32, #tpu.memory_space<vmem>>
        %dma_wait3A_191 = arith.constant 0 : i32
        %dma_wait3A_192 = tpu.memref_slice %arg4[%run_scoped3A_169, %mul3A_168, %dma_wait3A_191] : memref<2x625x512xi32, #tpu.memory_space<hbm>> -> memref<1x39x512xi32, #tpu.memory_space<hbm>>
        %dma_wait3A_193 = tpu.memref_squeeze %dma_wait3A_192 : memref<1x39x512xi32, #tpu.memory_space<hbm>> -> memref<39x512xi32, #tpu.memory_space<hbm>>
        %dma_wait3A_194 = arith.constant 0 : i32
        %dma_wait3A_195 = arith.constant 0 : i32
        %dma_wait3A_196 = tpu.memref_slice %arg7[%dma_wait3A_194, %dma_wait3A_195] : memref<40x512xi32, #tpu.memory_space<vmem>> -> memref<39x512xi32, #tpu.memory_space<vmem>>
        %dma_wait3A_197 = arith.constant 0 : i32
        %dma_wait3A_198 = tpu.memref_slice %arg4[%run_scoped3A_169, %mul3A_168, %dma_wait3A_197] : memref<2x625x512xi32, #tpu.memory_space<hbm>> -> memref<1x39x512xi32, #tpu.memory_space<hbm>>
        %dma_wait3A_199 = tpu.memref_squeeze %dma_wait3A_198 : memref<1x39x512xi32, #tpu.memory_space<hbm>> -> memref<39x512xi32, #tpu.memory_space<hbm>>
        tpu.wait_dma2 semaphore(%run_scoped3A_175 : memref<!tpu.dma_semaphore, #tpu.memory_space<semaphore_mem>>) src(%dma_wait3A_199 : memref<39x512xi32, #tpu.memory_space<hbm>>) dst(%dma_wait3A_196 : memref<39x512xi32, #tpu.memory_space<vmem>>)
        tpu.yield
      }) : () -> ()
      %mul3A_170 = arith.constant 39 : i32
      %mul3A_171 = arith.muli %mul3A_170, %arg1 : i32
      %run_scoped3A_172 = arith.constant 1 : i32
      "tpu.region"() ({
        %run_scoped3A_175 = tpu.sem_alloc : memref<!tpu.dma_semaphore, #tpu.memory_space<semaphore_mem>>
        %dma_start3A_176 = arith.constant 0 : i32
        %dma_start3A_177 = arith.constant 0 : i32
        %dma_start3A_178 = tpu.memref_slice %arg8[%dma_start3A_176, %dma_start3A_177] : memref<40x512xi32, #tpu.memory_space<vmem>> -> memref<39x512xi32, #tpu.memory_space<vmem>>
        %dma_start3A_179 = arith.constant 0 : i32
        %dma_start3A_180 = tpu.memref_slice %arg4[%run_scoped3A_172, %mul3A_171, %dma_start3A_179] : memref<2x625x512xi32, #tpu.memory_space<hbm>> -> memref<1x39x512xi32, #tpu.memory_space<hbm>>
        %dma_start3A_181 = tpu.memref_squeeze %dma_start3A_180 : memref<1x39x512xi32, #tpu.memory_space<hbm>> -> memref<39x512xi32, #tpu.memory_space<hbm>>
        %dma_start3A_182 = arith.constant 0 : i32
        %dma_start3A_183 = arith.constant 0 : i32
        %dma_start3A_184 = tpu.memref_slice %arg8[%dma_start3A_182, %dma_start3A_183] : memref<40x512xi32, #tpu.memory_space<vmem>> -> memref<39x512xi32, #tpu.memory_space<vmem>>
        %dma_start3A_185 = arith.constant 0 : i32
        %dma_start3A_186 = tpu.memref_slice %arg4[%run_scoped3A_172, %mul3A_171, %dma_start3A_185] : memref<2x625x512xi32, #tpu.memory_space<hbm>> -> memref<1x39x512xi32, #tpu.memory_space<hbm>>
        %dma_start3A_187 = tpu.memref_squeeze %dma_start3A_186 : memref<1x39x512xi32, #tpu.memory_space<hbm>> -> memref<39x512xi32, #tpu.memory_space<hbm>>
        tpu.enqueue_dma source(%dma_start3A_187 : memref<39x512xi32, #tpu.memory_space<hbm>>) target(%dma_start3A_184 : memref<39x512xi32, #tpu.memory_space<vmem>>) target_semaphore(%run_scoped3A_175 : memref<!tpu.dma_semaphore, #tpu.memory_space<semaphore_mem>>)
        %dma_wait3A_188 = arith.constant 0 : i32
        %dma_wait3A_189 = arith.constant 0 : i32
        %dma_wait3A_190 = tpu.memref_slice %arg8[%dma_wait3A_188, %dma_wait3A_189] : memref<40x512xi32, #tpu.memory_space<vmem>> -> memref<39x512xi32, #tpu.memory_space<vmem>>
        %dma_wait3A_191 = arith.constant 0 : i32
        %dma_wait3A_192 = tpu.memref_slice %arg4[%run_scoped3A_172, %mul3A_171, %dma_wait3A_191] : memref<2x625x512xi32, #tpu.memory_space<hbm>> -> memref<1x39x512xi32, #tpu.memory_space<hbm>>
        %dma_wait3A_193 = tpu.memref_squeeze %dma_wait3A_192 : memref<1x39x512xi32, #tpu.memory_space<hbm>> -> memref<39x512xi32, #tpu.memory_space<hbm>>
        %dma_wait3A_194 = arith.constant 0 : i32
        %dma_wait3A_195 = arith.constant 0 : i32
        %dma_wait3A_196 = tpu.memref_slice %arg8[%dma_wait3A_194, %dma_wait3A_195] : memref<40x512xi32, #tpu.memory_space<vmem>> -> memref<39x512xi32, #tpu.memory_space<vmem>>
        %dma_wait3A_197 = arith.constant 0 : i32
        %dma_wait3A_198 = tpu.memref_slice %arg4[%run_scoped3A_172, %mul3A_171, %dma_wait3A_197] : memref<2x625x512xi32, #tpu.memory_space<hbm>> -> memref<1x39x512xi32, #tpu.memory_space<hbm>>
        %dma_wait3A_199 = tpu.memref_squeeze %dma_wait3A_198 : memref<1x39x512xi32, #tpu.memory_space<hbm>> -> memref<39x512xi32, #tpu.memory_space<hbm>>
        tpu.wait_dma2 semaphore(%run_scoped3A_175 : memref<!tpu.dma_semaphore, #tpu.memory_space<semaphore_mem>>) src(%dma_wait3A_199 : memref<39x512xi32, #tpu.memory_space<hbm>>) dst(%dma_wait3A_196 : memref<39x512xi32, #tpu.memory_space<vmem>>)
        tpu.yield
      }) : () -> ()
      %run_scoped3A_173 = arith.constant 0 : i32
      "tpu.region"() ({
        %run_scoped3A_175 = tpu.sem_alloc : memref<!tpu.dma_semaphore, #tpu.memory_space<semaphore_mem>>
        %dma_start3A_176 = arith.constant 39 : i32
        %dma_start3A_177 = arith.constant 0 : i32
        %dma_start3A_178 = tpu.memref_slice %arg7[%dma_start3A_176, %dma_start3A_177] : memref<40x512xi32, #tpu.memory_space<vmem>> -> memref<1x512xi32, #tpu.memory_space<vmem>>
        %dma_start3A_179 = arith.constant 624 : i32
        %dma_start3A_180 = arith.constant 0 : i32
        %dma_start3A_181 = tpu.memref_slice %arg4[%run_scoped3A_173, %dma_start3A_179, %dma_start3A_180] : memref<2x625x512xi32, #tpu.memory_space<hbm>> -> memref<1x1x512xi32, #tpu.memory_space<hbm>>
        %dma_start3A_182 = tpu.memref_squeeze %dma_start3A_181 : memref<1x1x512xi32, #tpu.memory_space<hbm>> -> memref<1x512xi32, #tpu.memory_space<hbm>>
        %dma_start3A_183 = arith.constant 39 : i32
        %dma_start3A_184 = arith.constant 0 : i32
        %dma_start3A_185 = tpu.memref_slice %arg7[%dma_start3A_183, %dma_start3A_184] : memref<40x512xi32, #tpu.memory_space<vmem>> -> memref<1x512xi32, #tpu.memory_space<vmem>>
        %dma_start3A_186 = arith.constant 624 : i32
        %dma_start3A_187 = arith.constant 0 : i32
        %dma_start3A_188 = tpu.memref_slice %arg4[%run_scoped3A_173, %dma_start3A_186, %dma_start3A_187] : memref<2x625x512xi32, #tpu.memory_space<hbm>> -> memref<1x1x512xi32, #tpu.memory_space<hbm>>
        %dma_start3A_189 = tpu.memref_squeeze %dma_start3A_188 : memref<1x1x512xi32, #tpu.memory_space<hbm>> -> memref<1x512xi32, #tpu.memory_space<hbm>>
        tpu.enqueue_dma source(%dma_start3A_189 : memref<1x512xi32, #tpu.memory_space<hbm>>) target(%dma_start3A_185 : memref<1x512xi32, #tpu.memory_space<vmem>>) target_semaphore(%run_scoped3A_175 : memref<!tpu.dma_semaphore, #tpu.memory_space<semaphore_mem>>)
        %dma_wait3A_190 = arith.constant 39 : i32
        %dma_wait3A_191 = arith.constant 0 : i32
        %dma_wait3A_192 = tpu.memref_slice %arg7[%dma_wait3A_190, %dma_wait3A_191] : memref<40x512xi32, #tpu.memory_space<vmem>> -> memref<1x512xi32, #tpu.memory_space<vmem>>
        %dma_wait3A_193 = arith.constant 624 : i32
        %dma_wait3A_194 = arith.constant 0 : i32
        %dma_wait3A_195 = tpu.memref_slice %arg4[%run_scoped3A_173, %dma_wait3A_193, %dma_wait3A_194] : memref<2x625x512xi32, #tpu.memory_space<hbm>> -> memref<1x1x512xi32, #tpu.memory_space<hbm>>
        %dma_wait3A_196 = tpu.memref_squeeze %dma_wait3A_195 : memref<1x1x512xi32, #tpu.memory_space<hbm>> -> memref<1x512xi32, #tpu.memory_space<hbm>>
        %dma_wait3A_197 = arith.constant 39 : i32
        %dma_wait3A_198 = arith.constant 0 : i32
        %dma_wait3A_199 = tpu.memref_slice %arg7[%dma_wait3A_197, %dma_wait3A_198] : memref<40x512xi32, #tpu.memory_space<vmem>> -> memref<1x512xi32, #tpu.memory_space<vmem>>
        %dma_wait3A_200 = arith.constant 624 : i32
        %dma_wait3A_201 = arith.constant 0 : i32
        %dma_wait3A_202 = tpu.memref_slice %arg4[%run_scoped3A_173, %dma_wait3A_200, %dma_wait3A_201] : memref<2x625x512xi32, #tpu.memory_space<hbm>> -> memref<1x1x512xi32, #tpu.memory_space<hbm>>
        %dma_wait3A_203 = tpu.memref_squeeze %dma_wait3A_202 : memref<1x1x512xi32, #tpu.memory_space<hbm>> -> memref<1x512xi32, #tpu.memory_space<hbm>>
        tpu.wait_dma2 semaphore(%run_scoped3A_175 : memref<!tpu.dma_semaphore, #tpu.memory_space<semaphore_mem>>) src(%dma_wait3A_203 : memref<1x512xi32, #tpu.memory_space<hbm>>) dst(%dma_wait3A_199 : memref<1x512xi32, #tpu.memory_space<vmem>>)
        tpu.yield
      }) : () -> ()
      %run_scoped3A_174 = arith.constant 1 : i32
      "tpu.region"() ({
        %run_scoped3A_175 = tpu.sem_alloc : memref<!tpu.dma_semaphore, #tpu.memory_space<semaphore_mem>>
        %dma_start3A_176 = arith.constant 39 : i32
        %dma_start3A_177 = arith.constant 0 : i32
        %dma_start3A_178 = tpu.memref_slice %arg8[%dma_start3A_176, %dma_start3A_177] : memref<40x512xi32, #tpu.memory_space<vmem>> -> memref<1x512xi32, #tpu.memory_space<vmem>>
        %dma_start3A_179 = arith.constant 624 : i32
        %dma_start3A_180 = arith.constant 0 : i32
        %dma_start3A_181 = tpu.memref_slice %arg4[%run_scoped3A_174, %dma_start3A_179, %dma_start3A_180] : memref<2x625x512xi32, #tpu.memory_space<hbm>> -> memref<1x1x512xi32, #tpu.memory_space<hbm>>
        %dma_start3A_182 = tpu.memref_squeeze %dma_start3A_181 : memref<1x1x512xi32, #tpu.memory_space<hbm>> -> memref<1x512xi32, #tpu.memory_space<hbm>>
        %dma_start3A_183 = arith.constant 39 : i32
        %dma_start3A_184 = arith.constant 0 : i32
        %dma_start3A_185 = tpu.memref_slice %arg8[%dma_start3A_183, %dma_start3A_184] : memref<40x512xi32, #tpu.memory_space<vmem>> -> memref<1x512xi32, #tpu.memory_space<vmem>>
        %dma_start3A_186 = arith.constant 624 : i32
        %dma_start3A_187 = arith.constant 0 : i32
        %dma_start3A_188 = tpu.memref_slice %arg4[%run_scoped3A_174, %dma_start3A_186, %dma_start3A_187] : memref<2x625x512xi32, #tpu.memory_space<hbm>> -> memref<1x1x512xi32, #tpu.memory_space<hbm>>
        %dma_start3A_189 = tpu.memref_squeeze %dma_start3A_188 : memref<1x1x512xi32, #tpu.memory_space<hbm>> -> memref<1x512xi32, #tpu.memory_space<hbm>>
        tpu.enqueue_dma source(%dma_start3A_189 : memref<1x512xi32, #tpu.memory_space<hbm>>) target(%dma_start3A_185 : memref<1x512xi32, #tpu.memory_space<vmem>>) target_semaphore(%run_scoped3A_175 : memref<!tpu.dma_semaphore, #tpu.memory_space<semaphore_mem>>)
        %dma_wait3A_190 = arith.constant 39 : i32
        %dma_wait3A_191 = arith.constant 0 : i32
        %dma_wait3A_192 = tpu.memref_slice %arg8[%dma_wait3A_190, %dma_wait3A_191] : memref<40x512xi32, #tpu.memory_space<vmem>> -> memref<1x512xi32, #tpu.memory_space<vmem>>
        %dma_wait3A_193 = arith.constant 624 : i32
        %dma_wait3A_194 = arith.constant 0 : i32
        %dma_wait3A_195 = tpu.memref_slice %arg4[%run_scoped3A_174, %dma_wait3A_193, %dma_wait3A_194] : memref<2x625x512xi32, #tpu.memory_space<hbm>> -> memref<1x1x512xi32, #tpu.memory_space<hbm>>
        %dma_wait3A_196 = tpu.memref_squeeze %dma_wait3A_195 : memref<1x1x512xi32, #tpu.memory_space<hbm>> -> memref<1x512xi32, #tpu.memory_space<hbm>>
        %dma_wait3A_197 = arith.constant 39 : i32
        %dma_wait3A_198 = arith.constant 0 : i32
        %dma_wait3A_199 = tpu.memref_slice %arg8[%dma_wait3A_197, %dma_wait3A_198] : memref<40x512xi32, #tpu.memory_space<vmem>> -> memref<1x512xi32, #tpu.memory_space<vmem>>
        %dma_wait3A_200 = arith.constant 624 : i32
        %dma_wait3A_201 = arith.constant 0 : i32
        %dma_wait3A_202 = tpu.memref_slice %arg4[%run_scoped3A_174, %dma_wait3A_200, %dma_wait3A_201] : memref<2x625x512xi32, #tpu.memory_space<hbm>> -> memref<1x1x512xi32, #tpu.memory_space<hbm>>
        %dma_wait3A_203 = tpu.memref_squeeze %dma_wait3A_202 : memref<1x1x512xi32, #tpu.memory_space<hbm>> -> memref<1x512xi32, #tpu.memory_space<hbm>>
        tpu.wait_dma2 semaphore(%run_scoped3A_175 : memref<!tpu.dma_semaphore, #tpu.memory_space<semaphore_mem>>) src(%dma_wait3A_203 : memref<1x512xi32, #tpu.memory_space<hbm>>) dst(%dma_wait3A_199 : memref<1x512xi32, #tpu.memory_space<vmem>>)
        tpu.yield
      }) : () -> ()
    } else {
    }
    %barrier3A = arith.constant 0 : index
    tpu.barrier barrier_id(%barrier3A)
    %dma_start3A_113 = arith.constant 0 : i32
    %dma_start3A_114 = arith.constant 0 : i32
    %dma_start3A_115 = tpu.memref_slice %arg7[%dma_start3A_113, %dma_start3A_114] : memref<40x512xi32, #tpu.memory_space<vmem>> -> memref<1x512xi32, #tpu.memory_space<vmem>>
    %dma_start3A_116 = tpu.memref_squeeze %dma_start3A_115 : memref<1x512xi32, #tpu.memory_space<vmem>> -> memref<512xi32, #tpu.memory_space<vmem>>
    %dma_start3A_117 = arith.constant 0 : i32
    %dma_start3A_118 = arith.constant 0 : i32
    %dma_start3A_119 = tpu.memref_slice %arg2[%arg0, %dma_start3A_117, %dma_start3A_118] : memref<2x10240x64xbf16, #tpu.memory_space<hbm>> -> memref<1x10240x64xbf16, #tpu.memory_space<hbm>>
    %dma_start3A_120 = tpu.memref_squeeze %dma_start3A_119 : memref<1x10240x64xbf16, #tpu.memory_space<hbm>> -> memref<10240x64xbf16, #tpu.memory_space<hbm>>
    %dma_start3A_121 = arith.constant 0 : i32
    %dma_start3A_122 = arith.constant 0 : i32
    %dma_start3A_123 = tpu.memref_slice %dma_start3A_120[%dma_start3A_121, %dma_start3A_122] : memref<10240x64xbf16, #tpu.memory_space<hbm>> -> memref<10240x64xbf16, #tpu.memory_space<hbm>>
    tpu.enqueue_indirect_dma source(%dma_start3A_123 : memref<10240x64xbf16, #tpu.memory_space<hbm>>) target(%arg9 : memref<512x64xbf16, #tpu.memory_space<vmem>>) offsets(%dma_start3A_116 : memref<512xi32, #tpu.memory_space<vmem>>) semaphore(%arg14 : memref<!tpu.dma_semaphore, #tpu.memory_space<semaphore_mem>>)
    %scan3A_124 = arith.constant 0 : i32
    %scan3A_125 = arith.constant 0 : i32
    %scan3A_126 = arith.constant 19 : i32
    %scan3A_127 = arith.addi %scan3A_125, %scan3A_126 : i32
    %scan3A_128 = arith.constant 1 : i32
    %scan3A_129 = scf.for %scan3A_167 = %scan3A_125 to %scan3A_127 step %scan3A_128 iter_args(%scan3A_168 = %scan3A_124) -> (i32)  : i32 {
      %mul3A_169 = arith.constant 2 : i32
      %mul3A_170 = arith.muli %mul3A_169, %scan3A_167 : i32
      %dma_wait3A_171 = arith.constant 0 : i32
      %dma_wait3A_172 = tpu.memref_slice %arg7[%mul3A_170, %dma_wait3A_171] : memref<40x512xi32, #tpu.memory_space<vmem>> -> memref<1x512xi32, #tpu.memory_space<vmem>>
      %dma_wait3A_173 = tpu.memref_squeeze %dma_wait3A_172 : memref<1x512xi32, #tpu.memory_space<vmem>> -> memref<512xi32, #tpu.memory_space<vmem>>
      %dma_wait3A_174 = arith.constant 0 : i32
      %dma_wait3A_175 = arith.constant 0 : i32
      %dma_wait3A_176 = tpu.memref_slice %arg2[%arg0, %dma_wait3A_174, %dma_wait3A_175] : memref<2x10240x64xbf16, #tpu.memory_space<hbm>> -> memref<1x10240x64xbf16, #tpu.memory_space<hbm>>
      %dma_wait3A_177 = tpu.memref_squeeze %dma_wait3A_176 : memref<1x10240x64xbf16, #tpu.memory_space<hbm>> -> memref<10240x64xbf16, #tpu.memory_space<hbm>>
      %dma_wait3A_178 = arith.constant 0 : i32
      %dma_wait3A_179 = arith.constant 0 : i32
      %dma_wait3A_180 = tpu.memref_slice %dma_wait3A_177[%dma_wait3A_178, %dma_wait3A_179] : memref<10240x64xbf16, #tpu.memory_space<hbm>> -> memref<10240x64xbf16, #tpu.memory_space<hbm>>
      tpu.wait_indirect_dma semaphore(%arg14 : memref<!tpu.dma_semaphore, #tpu.memory_space<semaphore_mem>>) src(%dma_wait3A_180 : memref<10240x64xbf16, #tpu.memory_space<hbm>>) dst(%arg9 : memref<512x64xbf16, #tpu.memory_space<vmem>>)
      %add3A_181 = arith.constant 1 : i32
      %add3A_182 = arith.addi %mul3A_170, %add3A_181 : i32
      %dma_start3A_183 = arith.constant 0 : i32
      %dma_start3A_184 = tpu.memref_slice %arg7[%add3A_182, %dma_start3A_183] : memref<40x512xi32, #tpu.memory_space<vmem>> -> memref<1x512xi32, #tpu.memory_space<vmem>>
      %dma_start3A_185 = tpu.memref_squeeze %dma_start3A_184 : memref<1x512xi32, #tpu.memory_space<vmem>> -> memref<512xi32, #tpu.memory_space<vmem>>
      %dma_start3A_186 = arith.constant 0 : i32
      %dma_start3A_187 = arith.constant 0 : i32
      %dma_start3A_188 = tpu.memref_slice %arg2[%arg0, %dma_start3A_186, %dma_start3A_187] : memref<2x10240x64xbf16, #tpu.memory_space<hbm>> -> memref<1x10240x64xbf16, #tpu.memory_space<hbm>>
      %dma_start3A_189 = tpu.memref_squeeze %dma_start3A_188 : memref<1x10240x64xbf16, #tpu.memory_space<hbm>> -> memref<10240x64xbf16, #tpu.memory_space<hbm>>
      %dma_start3A_190 = arith.constant 0 : i32
      %dma_start3A_191 = arith.constant 0 : i32
      %dma_start3A_192 = tpu.memref_slice %dma_start3A_189[%dma_start3A_190, %dma_start3A_191] : memref<10240x64xbf16, #tpu.memory_space<hbm>> -> memref<10240x64xbf16, #tpu.memory_space<hbm>>
      tpu.enqueue_indirect_dma source(%dma_start3A_192 : memref<10240x64xbf16, #tpu.memory_space<hbm>>) target(%arg10 : memref<512x64xbf16, #tpu.memory_space<vmem>>) offsets(%dma_start3A_185 : memref<512xi32, #tpu.memory_space<vmem>>) semaphore(%arg15 : memref<!tpu.dma_semaphore, #tpu.memory_space<semaphore_mem>>)
      "tpu.region"() ({
        %run_scoped3A_232 = tpu.sem_alloc : memref<!tpu.dma_semaphore, #tpu.memory_space<semaphore_mem>>
        %dma_start3A_233 = arith.constant 0 : i32
        %dma_start3A_234 = tpu.memref_slice %arg8[%mul3A_170, %dma_start3A_233] : memref<40x512xi32, #tpu.memory_space<vmem>> -> memref<1x512xi32, #tpu.memory_space<vmem>>
        %dma_start3A_235 = tpu.memref_squeeze %dma_start3A_234 : memref<1x512xi32, #tpu.memory_space<vmem>> -> memref<512xi32, #tpu.memory_space<vmem>>
        %dma_start3A_236 = arith.constant 0 : i32
        %dma_start3A_237 = arith.constant 0 : i32
        %dma_start3A_238 = tpu.memref_slice %arg12[%dma_start3A_236, %dma_start3A_237] : memref<10240x64xbf16, #tpu.memory_space<vmem_shared>> -> memref<10240x64xbf16, #tpu.memory_space<vmem_shared>>
        tpu.enqueue_indirect_dma source(%arg9 : memref<512x64xbf16, #tpu.memory_space<vmem>>) target(%dma_start3A_238 : memref<10240x64xbf16, #tpu.memory_space<vmem_shared>>) offsets(%dma_start3A_235 : memref<512xi32, #tpu.memory_space<vmem>>) semaphore(%run_scoped3A_232 : memref<!tpu.dma_semaphore, #tpu.memory_space<semaphore_mem>>) {add = true}
        %dma_wait3A_239 = arith.constant 0 : i32
        %dma_wait3A_240 = tpu.memref_slice %arg8[%mul3A_170, %dma_wait3A_239] : memref<40x512xi32, #tpu.memory_space<vmem>> -> memref<1x512xi32, #tpu.memory_space<vmem>>
        %dma_wait3A_241 = tpu.memref_squeeze %dma_wait3A_240 : memref<1x512xi32, #tpu.memory_space<vmem>> -> memref<512xi32, #tpu.memory_space<vmem>>
        %dma_wait3A_242 = arith.constant 0 : i32
        %dma_wait3A_243 = arith.constant 0 : i32
        %dma_wait3A_244 = tpu.memref_slice %arg12[%dma_wait3A_242, %dma_wait3A_243] : memref<10240x64xbf16, #tpu.memory_space<vmem_shared>> -> memref<10240x64xbf16, #tpu.memory_space<vmem_shared>>
        tpu.wait_indirect_dma semaphore(%run_scoped3A_232 : memref<!tpu.dma_semaphore, #tpu.memory_space<semaphore_mem>>) src(%arg9 : memref<512x64xbf16, #tpu.memory_space<vmem>>) dst(%dma_wait3A_244 : memref<10240x64xbf16, #tpu.memory_space<vmem_shared>>)
        tpu.yield
      }) : () -> ()
      %dma_start3A_193 = arith.constant 0 : i32
      %dma_start3A_194 = tpu.memref_slice %arg8[%mul3A_170, %dma_start3A_193] : memref<40x512xi32, #tpu.memory_space<vmem>> -> memref<1x512xi32, #tpu.memory_space<vmem>>
      %dma_start3A_195 = tpu.memref_squeeze %dma_start3A_194 : memref<1x512xi32, #tpu.memory_space<vmem>> -> memref<512xi32, #tpu.memory_space<vmem>>
      %dma_start3A_196 = arith.constant 0 : i32
      %dma_start3A_197 = arith.constant 0 : i32
      %dma_start3A_198 = tpu.memref_slice %arg13[%dma_start3A_196, %dma_start3A_197] : memref<10240x16xf32, #tpu.memory_space<vmem_shared>> -> memref<10240x16xf32, #tpu.memory_space<vmem_shared>>
      tpu.enqueue_indirect_dma source(%arg11 : memref<512x16xf32, #tpu.memory_space<vmem>>) target(%dma_start3A_198 : memref<10240x16xf32, #tpu.memory_space<vmem_shared>>) offsets(%dma_start3A_195 : memref<512xi32, #tpu.memory_space<vmem>>) semaphore(%arg16 : memref<!tpu.dma_semaphore, #tpu.memory_space<semaphore_mem>>) {add = true}
      %add3A_199 = arith.constant 1 : i32
      %add3A_200 = arith.addi %mul3A_170, %add3A_199 : i32
      %dma_wait3A_201 = arith.constant 0 : i32
      %dma_wait3A_202 = tpu.memref_slice %arg7[%add3A_200, %dma_wait3A_201] : memref<40x512xi32, #tpu.memory_space<vmem>> -> memref<1x512xi32, #tpu.memory_space<vmem>>
      %dma_wait3A_203 = tpu.memref_squeeze %dma_wait3A_202 : memref<1x512xi32, #tpu.memory_space<vmem>> -> memref<512xi32, #tpu.memory_space<vmem>>
      %dma_wait3A_204 = arith.constant 0 : i32
      %dma_wait3A_205 = arith.constant 0 : i32
      %dma_wait3A_206 = tpu.memref_slice %arg2[%arg0, %dma_wait3A_204, %dma_wait3A_205] : memref<2x10240x64xbf16, #tpu.memory_space<hbm>> -> memref<1x10240x64xbf16, #tpu.memory_space<hbm>>
      %dma_wait3A_207 = tpu.memref_squeeze %dma_wait3A_206 : memref<1x10240x64xbf16, #tpu.memory_space<hbm>> -> memref<10240x64xbf16, #tpu.memory_space<hbm>>
      %dma_wait3A_208 = arith.constant 0 : i32
      %dma_wait3A_209 = arith.constant 0 : i32
      %dma_wait3A_210 = tpu.memref_slice %dma_wait3A_207[%dma_wait3A_208, %dma_wait3A_209] : memref<10240x64xbf16, #tpu.memory_space<hbm>> -> memref<10240x64xbf16, #tpu.memory_space<hbm>>
      tpu.wait_indirect_dma semaphore(%arg15 : memref<!tpu.dma_semaphore, #tpu.memory_space<semaphore_mem>>) src(%dma_wait3A_210 : memref<10240x64xbf16, #tpu.memory_space<hbm>>) dst(%arg10 : memref<512x64xbf16, #tpu.memory_space<vmem>>)
      %add3A_211 = arith.constant 2 : i32
      %add3A_212 = arith.addi %mul3A_170, %add3A_211 : i32
      %dma_start3A_213 = arith.constant 0 : i32
      %dma_start3A_214 = tpu.memref_slice %arg7[%add3A_212, %dma_start3A_213] : memref<40x512xi32, #tpu.memory_space<vmem>> -> memref<1x512xi32, #tpu.memory_space<vmem>>
      %dma_start3A_215 = tpu.memref_squeeze %dma_start3A_214 : memref<1x512xi32, #tpu.memory_space<vmem>> -> memref<512xi32, #tpu.memory_space<vmem>>
      %dma_start3A_216 = arith.constant 0 : i32
      %dma_start3A_217 = arith.constant 0 : i32
      %dma_start3A_218 = tpu.memref_slice %arg2[%arg0, %dma_start3A_216, %dma_start3A_217] : memref<2x10240x64xbf16, #tpu.memory_space<hbm>> -> memref<1x10240x64xbf16, #tpu.memory_space<hbm>>
      %dma_start3A_219 = tpu.memref_squeeze %dma_start3A_218 : memref<1x10240x64xbf16, #tpu.memory_space<hbm>> -> memref<10240x64xbf16, #tpu.memory_space<hbm>>
      %dma_start3A_220 = arith.constant 0 : i32
      %dma_start3A_221 = arith.constant 0 : i32
      %dma_start3A_222 = tpu.memref_slice %dma_start3A_219[%dma_start3A_220, %dma_start3A_221] : memref<10240x64xbf16, #tpu.memory_space<hbm>> -> memref<10240x64xbf16, #tpu.memory_space<hbm>>
      tpu.enqueue_indirect_dma source(%dma_start3A_222 : memref<10240x64xbf16, #tpu.memory_space<hbm>>) target(%arg9 : memref<512x64xbf16, #tpu.memory_space<vmem>>) offsets(%dma_start3A_215 : memref<512xi32, #tpu.memory_space<vmem>>) semaphore(%arg14 : memref<!tpu.dma_semaphore, #tpu.memory_space<semaphore_mem>>)
      %add3A_223 = arith.constant 1 : i32
      %add3A_224 = arith.addi %mul3A_170, %add3A_223 : i32
      "tpu.region"() ({
        %run_scoped3A_232 = tpu.sem_alloc : memref<!tpu.dma_semaphore, #tpu.memory_space<semaphore_mem>>
        %dma_start3A_233 = arith.constant 0 : i32
        %dma_start3A_234 = tpu.memref_slice %arg8[%add3A_224, %dma_start3A_233] : memref<40x512xi32, #tpu.memory_space<vmem>> -> memref<1x512xi32, #tpu.memory_space<vmem>>
        %dma_start3A_235 = tpu.memref_squeeze %dma_start3A_234 : memref<1x512xi32, #tpu.memory_space<vmem>> -> memref<512xi32, #tpu.memory_space<vmem>>
        %dma_start3A_236 = arith.constant 0 : i32
        %dma_start3A_237 = arith.constant 0 : i32
        %dma_start3A_238 = tpu.memref_slice %arg12[%dma_start3A_236, %dma_start3A_237] : memref<10240x64xbf16, #tpu.memory_space<vmem_shared>> -> memref<10240x64xbf16, #tpu.memory_space<vmem_shared>>
        tpu.enqueue_indirect_dma source(%arg10 : memref<512x64xbf16, #tpu.memory_space<vmem>>) target(%dma_start3A_238 : memref<10240x64xbf16, #tpu.memory_space<vmem_shared>>) offsets(%dma_start3A_235 : memref<512xi32, #tpu.memory_space<vmem>>) semaphore(%run_scoped3A_232 : memref<!tpu.dma_semaphore, #tpu.memory_space<semaphore_mem>>) {add = true}
        %dma_wait3A_239 = arith.constant 0 : i32
        %dma_wait3A_240 = tpu.memref_slice %arg8[%add3A_224, %dma_wait3A_239] : memref<40x512xi32, #tpu.memory_space<vmem>> -> memref<1x512xi32, #tpu.memory_space<vmem>>
        %dma_wait3A_241 = tpu.memref_squeeze %dma_wait3A_240 : memref<1x512xi32, #tpu.memory_space<vmem>> -> memref<512xi32, #tpu.memory_space<vmem>>
        %dma_wait3A_242 = arith.constant 0 : i32
        %dma_wait3A_243 = arith.constant 0 : i32
        %dma_wait3A_244 = tpu.memref_slice %arg12[%dma_wait3A_242, %dma_wait3A_243] : memref<10240x64xbf16, #tpu.memory_space<vmem_shared>> -> memref<10240x64xbf16, #tpu.memory_space<vmem_shared>>
        tpu.wait_indirect_dma semaphore(%run_scoped3A_232 : memref<!tpu.dma_semaphore, #tpu.memory_space<semaphore_mem>>) src(%arg10 : memref<512x64xbf16, #tpu.memory_space<vmem>>) dst(%dma_wait3A_244 : memref<10240x64xbf16, #tpu.memory_space<vmem_shared>>)
        tpu.yield
      }) : () -> ()
      %dma_start3A_225 = arith.constant 0 : i32
      %dma_start3A_226 = tpu.memref_slice %arg8[%add3A_224, %dma_start3A_225] : memref<40x512xi32, #tpu.memory_space<vmem>> -> memref<1x512xi32, #tpu.memory_space<vmem>>
      %dma_start3A_227 = tpu.memref_squeeze %dma_start3A_226 : memref<1x512xi32, #tpu.memory_space<vmem>> -> memref<512xi32, #tpu.memory_space<vmem>>
      %dma_start3A_228 = arith.constant 0 : i32
      %dma_start3A_229 = arith.constant 0 : i32
      %dma_start3A_230 = tpu.memref_slice %arg13[%dma_start3A_228, %dma_start3A_229] : memref<10240x16xf32, #tpu.memory_space<vmem_shared>> -> memref<10240x16xf32, #tpu.memory_space<vmem_shared>>
      tpu.enqueue_indirect_dma source(%arg11 : memref<512x16xf32, #tpu.memory_space<vmem>>) target(%dma_start3A_230 : memref<10240x16xf32, #tpu.memory_space<vmem_shared>>) offsets(%dma_start3A_227 : memref<512xi32, #tpu.memory_space<vmem>>) semaphore(%arg16 : memref<!tpu.dma_semaphore, #tpu.memory_space<semaphore_mem>>) {add = true}
      %scan3A_231 = arith.constant 0 : i32
      scf.yield %scan3A_231 : i32
    }
    %scan3A_130 = arith.constant 19 : i32
    %dma_wait3A_131 = arith.constant 38 : i32
    %dma_wait3A_132 = arith.constant 0 : i32
    %dma_wait3A_133 = tpu.memref_slice %arg7[%dma_wait3A_131, %dma_wait3A_132] : memref<40x512xi32, #tpu.memory_space<vmem>> -> memref<1x512xi32, #tpu.memory_space<vmem>>
    %dma_wait3A_134 = tpu.memref_squeeze %dma_wait3A_133 : memref<1x512xi32, #tpu.memory_space<vmem>> -> memref<512xi32, #tpu.memory_space<vmem>>
    %dma_wait3A_135 = arith.constant 0 : i32
    %dma_wait3A_136 = arith.constant 0 : i32
    %dma_wait3A_137 = tpu.memref_slice %arg2[%arg0, %dma_wait3A_135, %dma_wait3A_136] : memref<2x10240x64xbf16, #tpu.memory_space<hbm>> -> memref<1x10240x64xbf16, #tpu.memory_space<hbm>>
    %dma_wait3A_138 = tpu.memref_squeeze %dma_wait3A_137 : memref<1x10240x64xbf16, #tpu.memory_space<hbm>> -> memref<10240x64xbf16, #tpu.memory_space<hbm>>
    %dma_wait3A_139 = arith.constant 0 : i32
    %dma_wait3A_140 = arith.constant 0 : i32
    %dma_wait3A_141 = tpu.memref_slice %dma_wait3A_138[%dma_wait3A_139, %dma_wait3A_140] : memref<10240x64xbf16, #tpu.memory_space<hbm>> -> memref<10240x64xbf16, #tpu.memory_space<hbm>>
    tpu.wait_indirect_dma semaphore(%arg14 : memref<!tpu.dma_semaphore, #tpu.memory_space<semaphore_mem>>) src(%dma_wait3A_141 : memref<10240x64xbf16, #tpu.memory_space<hbm>>) dst(%arg9 : memref<512x64xbf16, #tpu.memory_space<vmem>>)
    %run_scoped3A = arith.constant 38 : i32
    "tpu.region"() ({
      %run_scoped3A_167 = tpu.sem_alloc : memref<!tpu.dma_semaphore, #tpu.memory_space<semaphore_mem>>
      %dma_start3A_168 = arith.constant 0 : i32
      %dma_start3A_169 = tpu.memref_slice %arg8[%run_scoped3A, %dma_start3A_168] : memref<40x512xi32, #tpu.memory_space<vmem>> -> memref<1x512xi32, #tpu.memory_space<vmem>>
      %dma_start3A_170 = tpu.memref_squeeze %dma_start3A_169 : memref<1x512xi32, #tpu.memory_space<vmem>> -> memref<512xi32, #tpu.memory_space<vmem>>
      %dma_start3A_171 = arith.constant 0 : i32
      %dma_start3A_172 = arith.constant 0 : i32
      %dma_start3A_173 = tpu.memref_slice %arg12[%dma_start3A_171, %dma_start3A_172] : memref<10240x64xbf16, #tpu.memory_space<vmem_shared>> -> memref<10240x64xbf16, #tpu.memory_space<vmem_shared>>
      tpu.enqueue_indirect_dma source(%arg9 : memref<512x64xbf16, #tpu.memory_space<vmem>>) target(%dma_start3A_173 : memref<10240x64xbf16, #tpu.memory_space<vmem_shared>>) offsets(%dma_start3A_170 : memref<512xi32, #tpu.memory_space<vmem>>) semaphore(%run_scoped3A_167 : memref<!tpu.dma_semaphore, #tpu.memory_space<semaphore_mem>>) {add = true}
      %dma_wait3A_174 = arith.constant 0 : i32
      %dma_wait3A_175 = tpu.memref_slice %arg8[%run_scoped3A, %dma_wait3A_174] : memref<40x512xi32, #tpu.memory_space<vmem>> -> memref<1x512xi32, #tpu.memory_space<vmem>>
      %dma_wait3A_176 = tpu.memref_squeeze %dma_wait3A_175 : memref<1x512xi32, #tpu.memory_space<vmem>> -> memref<512xi32, #tpu.memory_space<vmem>>
      %dma_wait3A_177 = arith.constant 0 : i32
      %dma_wait3A_178 = arith.constant 0 : i32
      %dma_wait3A_179 = tpu.memref_slice %arg12[%dma_wait3A_177, %dma_wait3A_178] : memref<10240x64xbf16, #tpu.memory_space<vmem_shared>> -> memref<10240x64xbf16, #tpu.memory_space<vmem_shared>>
      tpu.wait_indirect_dma semaphore(%run_scoped3A_167 : memref<!tpu.dma_semaphore, #tpu.memory_space<semaphore_mem>>) src(%arg9 : memref<512x64xbf16, #tpu.memory_space<vmem>>) dst(%dma_wait3A_179 : memref<10240x64xbf16, #tpu.memory_space<vmem_shared>>)
      tpu.yield
    }) : () -> ()
    %dma_start3A_142 = arith.constant 38 : i32
    %dma_start3A_143 = arith.constant 0 : i32
    %dma_start3A_144 = tpu.memref_slice %arg8[%dma_start3A_142, %dma_start3A_143] : memref<40x512xi32, #tpu.memory_space<vmem>> -> memref<1x512xi32, #tpu.memory_space<vmem>>
    %dma_start3A_145 = tpu.memref_squeeze %dma_start3A_144 : memref<1x512xi32, #tpu.memory_space<vmem>> -> memref<512xi32, #tpu.memory_space<vmem>>
    %dma_start3A_146 = arith.constant 0 : i32
    %dma_start3A_147 = arith.constant 0 : i32
    %dma_start3A_148 = tpu.memref_slice %arg13[%dma_start3A_146, %dma_start3A_147] : memref<10240x16xf32, #tpu.memory_space<vmem_shared>> -> memref<10240x16xf32, #tpu.memory_space<vmem_shared>>
    tpu.enqueue_indirect_dma source(%arg11 : memref<512x16xf32, #tpu.memory_space<vmem>>) target(%dma_start3A_148 : memref<10240x16xf32, #tpu.memory_space<vmem_shared>>) offsets(%dma_start3A_145 : memref<512xi32, #tpu.memory_space<vmem>>) semaphore(%arg16 : memref<!tpu.dma_semaphore, #tpu.memory_space<semaphore_mem>>) {add = true}
    %eq3A_149 = arith.constant 0 : i32
    %eq3A_150 = arith.cmpi eq, %arg1, %eq3A_149 : i32
    %convert_element_type3A_151 = arith.extui %eq3A_150 : i1 to i32
    %cond3A_152 = arith.constant 0 : i32
    %cond3A_153 = arith.cmpi ne, %convert_element_type3A_151, %cond3A_152 : i32
    scf.if %cond3A_153 {
      %dma_start3A_167 = arith.constant 39 : i32
      %dma_start3A_168 = arith.constant 0 : i32
      %dma_start3A_169 = tpu.memref_slice %arg7[%dma_start3A_167, %dma_start3A_168] : memref<40x512xi32, #tpu.memory_space<vmem>> -> memref<1x512xi32, #tpu.memory_space<vmem>>
      %dma_start3A_170 = tpu.memref_squeeze %dma_start3A_169 : memref<1x512xi32, #tpu.memory_space<vmem>> -> memref<512xi32, #tpu.memory_space<vmem>>
      %dma_start3A_171 = arith.constant 0 : i32
      %dma_start3A_172 = arith.constant 0 : i32
      %dma_start3A_173 = tpu.memref_slice %arg2[%arg0, %dma_start3A_171, %dma_start3A_172] : memref<2x10240x64xbf16, #tpu.memory_space<hbm>> -> memref<1x10240x64xbf16, #tpu.memory_space<hbm>>
      %dma_start3A_174 = tpu.memref_squeeze %dma_start3A_173 : memref<1x10240x64xbf16, #tpu.memory_space<hbm>> -> memref<10240x64xbf16, #tpu.memory_space<hbm>>
      %dma_start3A_175 = arith.constant 0 : i32
      %dma_start3A_176 = arith.constant 0 : i32
      %dma_start3A_177 = tpu.memref_slice %dma_start3A_174[%dma_start3A_175, %dma_start3A_176] : memref<10240x64xbf16, #tpu.memory_space<hbm>> -> memref<10240x64xbf16, #tpu.memory_space<hbm>>
      tpu.enqueue_indirect_dma source(%dma_start3A_177 : memref<10240x64xbf16, #tpu.memory_space<hbm>>) target(%arg10 : memref<512x64xbf16, #tpu.memory_space<vmem>>) offsets(%dma_start3A_170 : memref<512xi32, #tpu.memory_space<vmem>>) semaphore(%arg15 : memref<!tpu.dma_semaphore, #tpu.memory_space<semaphore_mem>>)
      %dma_wait3A_178 = arith.constant 39 : i32
      %dma_wait3A_179 = arith.constant 0 : i32
      %dma_wait3A_180 = tpu.memref_slice %arg7[%dma_wait3A_178, %dma_wait3A_179] : memref<40x512xi32, #tpu.memory_space<vmem>> -> memref<1x512xi32, #tpu.memory_space<vmem>>
      %dma_wait3A_181 = tpu.memref_squeeze %dma_wait3A_180 : memref<1x512xi32, #tpu.memory_space<vmem>> -> memref<512xi32, #tpu.memory_space<vmem>>
      %dma_wait3A_182 = arith.constant 0 : i32
      %dma_wait3A_183 = arith.constant 0 : i32
      %dma_wait3A_184 = tpu.memref_slice %arg2[%arg0, %dma_wait3A_182, %dma_wait3A_183] : memref<2x10240x64xbf16, #tpu.memory_space<hbm>> -> memref<1x10240x64xbf16, #tpu.memory_space<hbm>>
      %dma_wait3A_185 = tpu.memref_squeeze %dma_wait3A_184 : memref<1x10240x64xbf16, #tpu.memory_space<hbm>> -> memref<10240x64xbf16, #tpu.memory_space<hbm>>
      %dma_wait3A_186 = arith.constant 0 : i32
      %dma_wait3A_187 = arith.constant 0 : i32
      %dma_wait3A_188 = tpu.memref_slice %dma_wait3A_185[%dma_wait3A_186, %dma_wait3A_187] : memref<10240x64xbf16, #tpu.memory_space<hbm>> -> memref<10240x64xbf16, #tpu.memory_space<hbm>>
      tpu.wait_indirect_dma semaphore(%arg15 : memref<!tpu.dma_semaphore, #tpu.memory_space<semaphore_mem>>) src(%dma_wait3A_188 : memref<10240x64xbf16, #tpu.memory_space<hbm>>) dst(%arg10 : memref<512x64xbf16, #tpu.memory_space<vmem>>)
      %run_scoped3A_189 = arith.constant 39 : i32
      "tpu.region"() ({
        %run_scoped3A_197 = tpu.sem_alloc : memref<!tpu.dma_semaphore, #tpu.memory_space<semaphore_mem>>
        %dma_start3A_198 = arith.constant 0 : i32
        %dma_start3A_199 = tpu.memref_slice %arg8[%run_scoped3A_189, %dma_start3A_198] : memref<40x512xi32, #tpu.memory_space<vmem>> -> memref<1x512xi32, #tpu.memory_space<vmem>>
        %dma_start3A_200 = tpu.memref_squeeze %dma_start3A_199 : memref<1x512xi32, #tpu.memory_space<vmem>> -> memref<512xi32, #tpu.memory_space<vmem>>
        %dma_start3A_201 = arith.constant 0 : i32
        %dma_start3A_202 = arith.constant 0 : i32
        %dma_start3A_203 = tpu.memref_slice %arg12[%dma_start3A_201, %dma_start3A_202] : memref<10240x64xbf16, #tpu.memory_space<vmem_shared>> -> memref<10240x64xbf16, #tpu.memory_space<vmem_shared>>
        tpu.enqueue_indirect_dma source(%arg10 : memref<512x64xbf16, #tpu.memory_space<vmem>>) target(%dma_start3A_203 : memref<10240x64xbf16, #tpu.memory_space<vmem_shared>>) offsets(%dma_start3A_200 : memref<512xi32, #tpu.memory_space<vmem>>) semaphore(%run_scoped3A_197 : memref<!tpu.dma_semaphore, #tpu.memory_space<semaphore_mem>>) {add = true}
        %dma_wait3A_204 = arith.constant 0 : i32
        %dma_wait3A_205 = tpu.memref_slice %arg8[%run_scoped3A_189, %dma_wait3A_204] : memref<40x512xi32, #tpu.memory_space<vmem>> -> memref<1x512xi32, #tpu.memory_space<vmem>>
        %dma_wait3A_206 = tpu.memref_squeeze %dma_wait3A_205 : memref<1x512xi32, #tpu.memory_space<vmem>> -> memref<512xi32, #tpu.memory_space<vmem>>
        %dma_wait3A_207 = arith.constant 0 : i32
        %dma_wait3A_208 = arith.constant 0 : i32
        %dma_wait3A_209 = tpu.memref_slice %arg12[%dma_wait3A_207, %dma_wait3A_208] : memref<10240x64xbf16, #tpu.memory_space<vmem_shared>> -> memref<10240x64xbf16, #tpu.memory_space<vmem_shared>>
        tpu.wait_indirect_dma semaphore(%run_scoped3A_197 : memref<!tpu.dma_semaphore, #tpu.memory_space<semaphore_mem>>) src(%arg10 : memref<512x64xbf16, #tpu.memory_space<vmem>>) dst(%dma_wait3A_209 : memref<10240x64xbf16, #tpu.memory_space<vmem_shared>>)
        tpu.yield
      }) : () -> ()
      %dma_start3A_190 = arith.constant 39 : i32
      %dma_start3A_191 = arith.constant 0 : i32
      %dma_start3A_192 = tpu.memref_slice %arg8[%dma_start3A_190, %dma_start3A_191] : memref<40x512xi32, #tpu.memory_space<vmem>> -> memref<1x512xi32, #tpu.memory_space<vmem>>
      %dma_start3A_193 = tpu.memref_squeeze %dma_start3A_192 : memref<1x512xi32, #tpu.memory_space<vmem>> -> memref<512xi32, #tpu.memory_space<vmem>>
      %dma_start3A_194 = arith.constant 0 : i32
      %dma_start3A_195 = arith.constant 0 : i32
      %dma_start3A_196 = tpu.memref_slice %arg13[%dma_start3A_194, %dma_start3A_195] : memref<10240x16xf32, #tpu.memory_space<vmem_shared>> -> memref<10240x16xf32, #tpu.memory_space<vmem_shared>>
      tpu.enqueue_indirect_dma source(%arg11 : memref<512x16xf32, #tpu.memory_space<vmem>>) target(%dma_start3A_196 : memref<10240x16xf32, #tpu.memory_space<vmem_shared>>) offsets(%dma_start3A_193 : memref<512xi32, #tpu.memory_space<vmem>>) semaphore(%arg16 : memref<!tpu.dma_semaphore, #tpu.memory_space<semaphore_mem>>) {add = true}
    } else {
    }
    %scan3A_154 = arith.constant 0 : i32
    %scan3A_155 = arith.constant 0 : i32
    %scan3A_156 = arith.constant 39 : i32
    %scan3A_157 = arith.addi %scan3A_155, %scan3A_156 : i32
    %scan3A_158 = arith.constant 1 : i32
    %scan3A_159 = scf.for %scan3A_167 = %scan3A_155 to %scan3A_157 step %scan3A_158 iter_args(%scan3A_168 = %scan3A_154) -> (i32)  : i32 {
      %dma_wait3A_169 = arith.constant 0 : i32
      %dma_wait3A_170 = tpu.memref_slice %arg8[%scan3A_167, %dma_wait3A_169] : memref<40x512xi32, #tpu.memory_space<vmem>> -> memref<1x512xi32, #tpu.memory_space<vmem>>
      %dma_wait3A_171 = tpu.memref_squeeze %dma_wait3A_170 : memref<1x512xi32, #tpu.memory_space<vmem>> -> memref<512xi32, #tpu.memory_space<vmem>>
      %dma_wait3A_172 = arith.constant 0 : i32
      %dma_wait3A_173 = arith.constant 0 : i32
      %dma_wait3A_174 = tpu.memref_slice %arg13[%dma_wait3A_172, %dma_wait3A_173] : memref<10240x16xf32, #tpu.memory_space<vmem_shared>> -> memref<10240x16xf32, #tpu.memory_space<vmem_shared>>
      tpu.wait_indirect_dma semaphore(%arg16 : memref<!tpu.dma_semaphore, #tpu.memory_space<semaphore_mem>>) src(%arg11 : memref<512x16xf32, #tpu.memory_space<vmem>>) dst(%dma_wait3A_174 : memref<10240x16xf32, #tpu.memory_space<vmem_shared>>)
      %scan3A_175 = arith.constant 0 : i32
      scf.yield %scan3A_175 : i32
    }
    %scan3A_160 = arith.constant 39 : i32
    %eq3A_161 = arith.constant 0 : i32
    %eq3A_162 = arith.cmpi eq, %arg1, %eq3A_161 : i32
    %convert_element_type3A_163 = arith.extui %eq3A_162 : i1 to i32
    %cond3A_164 = arith.constant 0 : i32
    %cond3A_165 = arith.cmpi ne, %convert_element_type3A_163, %cond3A_164 : i32
    scf.if %cond3A_165 {
      %dma_wait3A_167 = arith.constant 39 : i32
      %dma_wait3A_168 = arith.constant 0 : i32
      %dma_wait3A_169 = tpu.memref_slice %arg8[%dma_wait3A_167, %dma_wait3A_168] : memref<40x512xi32, #tpu.memory_space<vmem>> -> memref<1x512xi32, #tpu.memory_space<vmem>>
      %dma_wait3A_170 = tpu.memref_squeeze %dma_wait3A_169 : memref<1x512xi32, #tpu.memory_space<vmem>> -> memref<512xi32, #tpu.memory_space<vmem>>
      %dma_wait3A_171 = arith.constant 0 : i32
      %dma_wait3A_172 = arith.constant 0 : i32
      %dma_wait3A_173 = tpu.memref_slice %arg13[%dma_wait3A_171, %dma_wait3A_172] : memref<10240x16xf32, #tpu.memory_space<vmem_shared>> -> memref<10240x16xf32, #tpu.memory_space<vmem_shared>>
      tpu.wait_indirect_dma semaphore(%arg16 : memref<!tpu.dma_semaphore, #tpu.memory_space<semaphore_mem>>) src(%arg11 : memref<512x16xf32, #tpu.memory_space<vmem>>) dst(%dma_wait3A_173 : memref<10240x16xf32, #tpu.memory_space<vmem_shared>>)
    } else {
    }
    %barrier3A_166 = arith.constant 0 : index
    tpu.barrier barrier_id(%barrier3A_166)
    "tpu.region"() ({
      %run_scoped3A_167 = tpu.sem_alloc : memref<!tpu.dma_semaphore, #tpu.memory_space<semaphore_mem>>
      %dma_start3A_168 = arith.constant 0 : i32
      %dma_start3A_169 = tpu.memref_slice %arg5[%arg0, %mul3A_0, %dma_start3A_168] : memref<2x10240x64xbf16, #tpu.memory_space<hbm>> -> memref<1x640x64xbf16, #tpu.memory_space<hbm>>
      %dma_start3A_170 = tpu.memref_squeeze %dma_start3A_169 : memref<1x640x64xbf16, #tpu.memory_space<hbm>> -> memref<640x64xbf16, #tpu.memory_space<hbm>>
      %dma_start3A_171 = arith.constant 0 : i32
      %dma_start3A_172 = tpu.memref_slice %arg12[%mul3A_0, %dma_start3A_171] : memref<10240x64xbf16, #tpu.memory_space<vmem_shared>> -> memref<640x64xbf16, #tpu.memory_space<vmem_shared>>
      tpu.enqueue_dma source(%dma_start3A_172 : memref<640x64xbf16, #tpu.memory_space<vmem_shared>>) target(%dma_start3A_170 : memref<640x64xbf16, #tpu.memory_space<hbm>>) target_semaphore(%run_scoped3A_167 : memref<!tpu.dma_semaphore, #tpu.memory_space<semaphore_mem>>)
      %dma_wait3A_173 = arith.constant 0 : i32
      %dma_wait3A_174 = tpu.memref_slice %arg5[%arg0, %mul3A_0, %dma_wait3A_173] : memref<2x10240x64xbf16, #tpu.memory_space<hbm>> -> memref<1x640x64xbf16, #tpu.memory_space<hbm>>
      %dma_wait3A_175 = tpu.memref_squeeze %dma_wait3A_174 : memref<1x640x64xbf16, #tpu.memory_space<hbm>> -> memref<640x64xbf16, #tpu.memory_space<hbm>>
      %dma_wait3A_176 = arith.constant 0 : i32
      %dma_wait3A_177 = tpu.memref_slice %arg12[%mul3A_0, %dma_wait3A_176] : memref<10240x64xbf16, #tpu.memory_space<vmem_shared>> -> memref<640x64xbf16, #tpu.memory_space<vmem_shared>>
      tpu.wait_dma2 semaphore(%run_scoped3A_167 : memref<!tpu.dma_semaphore, #tpu.memory_space<semaphore_mem>>) src(%dma_wait3A_177 : memref<640x64xbf16, #tpu.memory_space<vmem_shared>>) dst(%dma_wait3A_175 : memref<640x64xbf16, #tpu.memory_space<hbm>>)
      tpu.yield
    }) : () -> ()
    "tpu.region"() ({
      %run_scoped3A_167 = tpu.sem_alloc : memref<!tpu.dma_semaphore, #tpu.memory_space<semaphore_mem>>
      %dma_start3A_168 = arith.constant 0 : i32
      %dma_start3A_169 = tpu.memref_slice %arg6[%arg0, %mul3A_0, %dma_start3A_168] : memref<2x10240x16xf32, #tpu.memory_space<hbm>> -> memref<1x640x16xf32, #tpu.memory_space<hbm>>
      %dma_start3A_170 = tpu.memref_squeeze %dma_start3A_169 : memref<1x640x16xf32, #tpu.memory_space<hbm>> -> memref<640x16xf32, #tpu.memory_space<hbm>>
      %dma_start3A_171 = arith.constant 0 : i32
      %dma_start3A_172 = tpu.memref_slice %arg13[%mul3A_0, %dma_start3A_171] : memref<10240x16xf32, #tpu.memory_space<vmem_shared>> -> memref<640x16xf32, #tpu.memory_space<vmem_shared>>
      tpu.enqueue_dma source(%dma_start3A_172 : memref<640x16xf32, #tpu.memory_space<vmem_shared>>) target(%dma_start3A_170 : memref<640x16xf32, #tpu.memory_space<hbm>>) target_semaphore(%run_scoped3A_167 : memref<!tpu.dma_semaphore, #tpu.memory_space<semaphore_mem>>)
      %dma_wait3A_173 = arith.constant 0 : i32
      %dma_wait3A_174 = tpu.memref_slice %arg6[%arg0, %mul3A_0, %dma_wait3A_173] : memref<2x10240x16xf32, #tpu.memory_space<hbm>> -> memref<1x640x16xf32, #tpu.memory_space<hbm>>
      %dma_wait3A_175 = tpu.memref_squeeze %dma_wait3A_174 : memref<1x640x16xf32, #tpu.memory_space<hbm>> -> memref<640x16xf32, #tpu.memory_space<hbm>>
      %dma_wait3A_176 = arith.constant 0 : i32
      %dma_wait3A_177 = tpu.memref_slice %arg13[%mul3A_0, %dma_wait3A_176] : memref<10240x16xf32, #tpu.memory_space<vmem_shared>> -> memref<640x16xf32, #tpu.memory_space<vmem_shared>>
      tpu.wait_dma2 semaphore(%run_scoped3A_167 : memref<!tpu.dma_semaphore, #tpu.memory_space<semaphore_mem>>) src(%dma_wait3A_177 : memref<640x16xf32, #tpu.memory_space<vmem_shared>>) dst(%dma_wait3A_175 : memref<640x16xf32, #tpu.memory_space<hbm>>)
      tpu.yield
    }) : () -> ()
    return
  }
}

#map = affine_map<(d0, d1) -> (0, 0, 0)>
module attributes {stable_mosaic.version = 14 : i64} {
  func.func @body(%arg0: i32, %arg1: i32, %arg2: memref<2x10240x64xbf16, #tpu.memory_space<hbm>>, %arg3: memref<2x625x512xi32, #tpu.memory_space<hbm>>, %arg4: memref<2x625x512xi32, #tpu.memory_space<hbm>>, %arg5: memref<2x10240x64xbf16, #tpu.memory_space<hbm>>, %arg6: memref<40x512xi32, #tpu.memory_space<vmem>>, %arg7: memref<40x512xi32, #tpu.memory_space<vmem>>, %arg8: memref<512x64xbf16, #tpu.memory_space<vmem>>, %arg9: memref<512x64xbf16, #tpu.memory_space<vmem>>, %arg10: memref<512x16xf32, #tpu.memory_space<vmem>>, %arg11: memref<10240x64xbf16, #tpu.memory_space<vmem_shared>>, %arg12: memref<10240x16xf32, #tpu.memory_space<vmem_shared>>, %arg13: memref<!tpu.dma_semaphore, #tpu.memory_space<semaphore_mem>>, %arg14: memref<!tpu.dma_semaphore, #tpu.memory_space<semaphore_mem>>, %arg15: memref<!tpu.dma_semaphore, #tpu.memory_space<semaphore_mem>>) attributes {dimension_semantics = [#tpu.dimension_semantics<core_parallel>, #tpu.dimension_semantics<subcore_parallel>], iteration_bounds = array<i64: 2, 16>, scalar_prefetch = 0 : i64, scratch_operands = 10 : i64, tpu.core_type = #tpu.core_type<sc_vector_subcore>, window_params = [{transform_indices = #map}, {transform_indices = #map}, {transform_indices = #map}, {transform_indices = #map}]} {
    %mul3A = arith.constant 640 : i32
    %mul3A_0 = arith.muli %arg1, %mul3A : i32
    %scan3A = arith.constant 0 : i32
    %scan3A_1 = arith.constant 0 : i32
    %scan3A_2 = arith.constant 512 : i32
    %scan3A_3 = arith.addi %scan3A_1, %scan3A_2 : i32
    %scan3A_4 = arith.constant 1 : i32
    %scan3A_5 = scf.for %scan3A_90 = %scan3A_1 to %scan3A_3 step %scan3A_4 iter_args(%scan3A_91 = %scan3A) -> (i32)  : i32 {
      %broadcast_in_dim3A = arith.constant 0.000000e+00 : bf16
      %broadcast_in_dim3A_92 = vector.broadcast %broadcast_in_dim3A : bf16 to vector<32xbf16>
      %swap3A = arith.index_cast %scan3A_90 : i32 to index
      %swap3A_93 = arith.constant 0 : index
      %swap3A_94 = tpu.vector_load %arg8[%swap3A, %swap3A_93] {strides = array<i32>} : memref<512x64xbf16, #tpu.memory_space<vmem>>, vector<1x32xbf16>,
      %swap3A_95 = vector.shape_cast %swap3A_94 : vector<1x32xbf16> to vector<32xbf16>
      %swap3A_96 = vector.shape_cast %broadcast_in_dim3A_92 : vector<32xbf16> to vector<1x32xbf16>
      tpu.vector_store %arg8[%swap3A, %swap3A_93], %swap3A_96 {strides = array<i32>} : memref<512x64xbf16, #tpu.memory_space<vmem>>, vector<1x32xbf16>,
      %broadcast_in_dim3A_97 = arith.constant 0.000000e+00 : bf16
      %broadcast_in_dim3A_98 = vector.broadcast %broadcast_in_dim3A_97 : bf16 to vector<32xbf16>
      %swap3A_99 = arith.index_cast %scan3A_90 : i32 to index
      %swap3A_100 = arith.constant 32 : index
      %swap3A_101 = tpu.vector_load %arg8[%swap3A_99, %swap3A_100] {strides = array<i32>} : memref<512x64xbf16, #tpu.memory_space<vmem>>, vector<1x32xbf16>,
      %swap3A_102 = vector.shape_cast %swap3A_101 : vector<1x32xbf16> to vector<32xbf16>
      %swap3A_103 = vector.shape_cast %broadcast_in_dim3A_98 : vector<32xbf16> to vector<1x32xbf16>
      tpu.vector_store %arg8[%swap3A_99, %swap3A_100], %swap3A_103 {strides = array<i32>} : memref<512x64xbf16, #tpu.memory_space<vmem>>, vector<1x32xbf16>,
      %scan3A_104 = arith.constant 0 : i32
      scf.yield %scan3A_104 : i32
    }
    %scan3A_6 = arith.constant 512 : i32
    %add3A = arith.constant 0 : i32
    %add3A_7 = arith.addi %mul3A_0, %add3A : i32
    %dma_start3A = arith.constant 0 : i32
    %dma_start3A_8 = arith.constant 0 : i32
    %dma_start3A_9 = tpu.memref_slice %arg8[%dma_start3A, %dma_start3A_8] : memref<512x64xbf16, #tpu.memory_space<vmem>> -> memref<512x64xbf16, #tpu.memory_space<vmem>>
    %dma_start3A_10 = arith.constant 0 : i32
    %dma_start3A_11 = tpu.memref_slice %arg11[%add3A_7, %dma_start3A_10] : memref<10240x64xbf16, #tpu.memory_space<vmem_shared>> -> memref<512x64xbf16, #tpu.memory_space<vmem_shared>>
    %dma_start3A_12 = arith.constant 0 : i32
    %dma_start3A_13 = tpu.memref_slice %arg11[%add3A_7, %dma_start3A_12] : memref<10240x64xbf16, #tpu.memory_space<vmem_shared>> -> memref<512x64xbf16, #tpu.memory_space<vmem_shared>>
    %dma_start3A_14 = arith.constant 0 : i32
    %dma_start3A_15 = arith.constant 0 : i32
    %dma_start3A_16 = tpu.memref_slice %arg8[%dma_start3A_14, %dma_start3A_15] : memref<512x64xbf16, #tpu.memory_space<vmem>> -> memref<512x64xbf16, #tpu.memory_space<vmem>>
    tpu.enqueue_dma source(%dma_start3A_16 : memref<512x64xbf16, #tpu.memory_space<vmem>>) target(%dma_start3A_13 : memref<512x64xbf16, #tpu.memory_space<vmem_shared>>) target_semaphore(%arg15 : memref<!tpu.dma_semaphore, #tpu.memory_space<semaphore_mem>>)
    %add3A_17 = arith.constant 512 : i32
    %add3A_18 = arith.addi %mul3A_0, %add3A_17 : i32
    %dma_start3A_19 = arith.constant 0 : i32
    %dma_start3A_20 = arith.constant 0 : i32
    %dma_start3A_21 = tpu.memref_slice %arg8[%dma_start3A_19, %dma_start3A_20] : memref<512x64xbf16, #tpu.memory_space<vmem>> -> memref<128x64xbf16, #tpu.memory_space<vmem>>
    %dma_start3A_22 = arith.constant 0 : i32
    %dma_start3A_23 = tpu.memref_slice %arg11[%add3A_18, %dma_start3A_22] : memref<10240x64xbf16, #tpu.memory_space<vmem_shared>> -> memref<128x64xbf16, #tpu.memory_space<vmem_shared>>
    %dma_start3A_24 = arith.constant 0 : i32
    %dma_start3A_25 = tpu.memref_slice %arg11[%add3A_18, %dma_start3A_24] : memref<10240x64xbf16, #tpu.memory_space<vmem_shared>> -> memref<128x64xbf16, #tpu.memory_space<vmem_shared>>
    %dma_start3A_26 = arith.constant 0 : i32
    %dma_start3A_27 = arith.constant 0 : i32
    %dma_start3A_28 = tpu.memref_slice %arg8[%dma_start3A_26, %dma_start3A_27] : memref<512x64xbf16, #tpu.memory_space<vmem>> -> memref<128x64xbf16, #tpu.memory_space<vmem>>
    tpu.enqueue_dma source(%dma_start3A_28 : memref<128x64xbf16, #tpu.memory_space<vmem>>) target(%dma_start3A_25 : memref<128x64xbf16, #tpu.memory_space<vmem_shared>>) target_semaphore(%arg15 : memref<!tpu.dma_semaphore, #tpu.memory_space<semaphore_mem>>)
    %dma_wait3A = arith.constant 0 : i32
    %dma_wait3A_29 = arith.constant 0 : i32
    %dma_wait3A_30 = tpu.memref_slice %arg8[%dma_wait3A, %dma_wait3A_29] : memref<512x64xbf16, #tpu.memory_space<vmem>> -> memref<512x64xbf16, #tpu.memory_space<vmem>>
    %dma_wait3A_31 = arith.constant 0 : i32
    %dma_wait3A_32 = tpu.memref_slice %arg11[%mul3A_0, %dma_wait3A_31] : memref<10240x64xbf16, #tpu.memory_space<vmem_shared>> -> memref<512x64xbf16, #tpu.memory_space<vmem_shared>>
    %dma_wait3A_33 = arith.constant 0 : i32
    %dma_wait3A_34 = tpu.memref_slice %arg11[%mul3A_0, %dma_wait3A_33] : memref<10240x64xbf16, #tpu.memory_space<vmem_shared>> -> memref<512x64xbf16, #tpu.memory_space<vmem_shared>>
    %dma_wait3A_35 = arith.constant 0 : i32
    %dma_wait3A_36 = arith.constant 0 : i32
    %dma_wait3A_37 = tpu.memref_slice %arg8[%dma_wait3A_35, %dma_wait3A_36] : memref<512x64xbf16, #tpu.memory_space<vmem>> -> memref<512x64xbf16, #tpu.memory_space<vmem>>
    tpu.wait_dma2 semaphore(%arg15 : memref<!tpu.dma_semaphore, #tpu.memory_space<semaphore_mem>>) src(%dma_wait3A_37 : memref<512x64xbf16, #tpu.memory_space<vmem>>) dst(%dma_wait3A_34 : memref<512x64xbf16, #tpu.memory_space<vmem_shared>>)
    %dma_wait3A_38 = arith.constant 0 : i32
    %dma_wait3A_39 = arith.constant 0 : i32
    %dma_wait3A_40 = tpu.memref_slice %arg8[%dma_wait3A_38, %dma_wait3A_39] : memref<512x64xbf16, #tpu.memory_space<vmem>> -> memref<128x64xbf16, #tpu.memory_space<vmem>>
    %dma_wait3A_41 = arith.constant 0 : i32
    %dma_wait3A_42 = tpu.memref_slice %arg11[%mul3A_0, %dma_wait3A_41] : memref<10240x64xbf16, #tpu.memory_space<vmem_shared>> -> memref<128x64xbf16, #tpu.memory_space<vmem_shared>>
    %dma_wait3A_43 = arith.constant 0 : i32
    %dma_wait3A_44 = tpu.memref_slice %arg11[%mul3A_0, %dma_wait3A_43] : memref<10240x64xbf16, #tpu.memory_space<vmem_shared>> -> memref<128x64xbf16, #tpu.memory_space<vmem_shared>>
    %dma_wait3A_45 = arith.constant 0 : i32
    %dma_wait3A_46 = arith.constant 0 : i32
    %dma_wait3A_47 = tpu.memref_slice %arg8[%dma_wait3A_45, %dma_wait3A_46] : memref<512x64xbf16, #tpu.memory_space<vmem>> -> memref<128x64xbf16, #tpu.memory_space<vmem>>
    tpu.wait_dma2 semaphore(%arg15 : memref<!tpu.dma_semaphore, #tpu.memory_space<semaphore_mem>>) src(%dma_wait3A_47 : memref<128x64xbf16, #tpu.memory_space<vmem>>) dst(%dma_wait3A_44 : memref<128x64xbf16, #tpu.memory_space<vmem_shared>>)
    %eq3A = arith.constant 0 : i32
    %eq3A_48 = arith.cmpi eq, %arg0, %eq3A : i32
    %convert_element_type3A = arith.extui %eq3A_48 : i1 to i32
    %cond3A = arith.constant 0 : i32
    %cond3A_49 = arith.cmpi ne, %convert_element_type3A, %cond3A : i32
    scf.if %cond3A_49 {
      %mul3A_90 = arith.constant 39 : i32
      %mul3A_91 = arith.muli %mul3A_90, %arg1 : i32
      %run_scoped3A_92 = arith.constant 0 : i32
      "tpu.region"() ({
        %run_scoped3A_98 = tpu.sem_alloc : memref<!tpu.dma_semaphore, #tpu.memory_space<semaphore_mem>>
        %dma_start3A_99 = arith.constant 0 : i32
        %dma_start3A_100 = arith.constant 0 : i32
        %dma_start3A_101 = tpu.memref_slice %arg6[%dma_start3A_99, %dma_start3A_100] : memref<40x512xi32, #tpu.memory_space<vmem>> -> memref<39x512xi32, #tpu.memory_space<vmem>>
        %dma_start3A_102 = arith.constant 0 : i32
        %dma_start3A_103 = tpu.memref_slice %arg3[%run_scoped3A_92, %mul3A_91, %dma_start3A_102] : memref<2x625x512xi32, #tpu.memory_space<hbm>> -> memref<1x39x512xi32, #tpu.memory_space<hbm>>
        %dma_start3A_104 = tpu.memref_squeeze %dma_start3A_103 : memref<1x39x512xi32, #tpu.memory_space<hbm>> -> memref<39x512xi32, #tpu.memory_space<hbm>>
        %dma_start3A_105 = arith.constant 0 : i32
        %dma_start3A_106 = arith.constant 0 : i32
        %dma_start3A_107 = tpu.memref_slice %arg6[%dma_start3A_105, %dma_start3A_106] : memref<40x512xi32, #tpu.memory_space<vmem>> -> memref<39x512xi32, #tpu.memory_space<vmem>>
        %dma_start3A_108 = arith.constant 0 : i32
        %dma_start3A_109 = tpu.memref_slice %arg3[%run_scoped3A_92, %mul3A_91, %dma_start3A_108] : memref<2x625x512xi32, #tpu.memory_space<hbm>> -> memref<1x39x512xi32, #tpu.memory_space<hbm>>
        %dma_start3A_110 = tpu.memref_squeeze %dma_start3A_109 : memref<1x39x512xi32, #tpu.memory_space<hbm>> -> memref<39x512xi32, #tpu.memory_space<hbm>>
        tpu.enqueue_dma source(%dma_start3A_110 : memref<39x512xi32, #tpu.memory_space<hbm>>) target(%dma_start3A_107 : memref<39x512xi32, #tpu.memory_space<vmem>>) target_semaphore(%run_scoped3A_98 : memref<!tpu.dma_semaphore, #tpu.memory_space<semaphore_mem>>)
        %dma_wait3A_111 = arith.constant 0 : i32
        %dma_wait3A_112 = arith.constant 0 : i32
        %dma_wait3A_113 = tpu.memref_slice %arg6[%dma_wait3A_111, %dma_wait3A_112] : memref<40x512xi32, #tpu.memory_space<vmem>> -> memref<39x512xi32, #tpu.memory_space<vmem>>
        %dma_wait3A_114 = arith.constant 0 : i32
        %dma_wait3A_115 = tpu.memref_slice %arg3[%run_scoped3A_92, %mul3A_91, %dma_wait3A_114] : memref<2x625x512xi32, #tpu.memory_space<hbm>> -> memref<1x39x512xi32, #tpu.memory_space<hbm>>
        %dma_wait3A_116 = tpu.memref_squeeze %dma_wait3A_115 : memref<1x39x512xi32, #tpu.memory_space<hbm>> -> memref<39x512xi32, #tpu.memory_space<hbm>>
        %dma_wait3A_117 = arith.constant 0 : i32
        %dma_wait3A_118 = arith.constant 0 : i32
        %dma_wait3A_119 = tpu.memref_slice %arg6[%dma_wait3A_117, %dma_wait3A_118] : memref<40x512xi32, #tpu.memory_space<vmem>> -> memref<39x512xi32, #tpu.memory_space<vmem>>
        %dma_wait3A_120 = arith.constant 0 : i32
        %dma_wait3A_121 = tpu.memref_slice %arg3[%run_scoped3A_92, %mul3A_91, %dma_wait3A_120] : memref<2x625x512xi32, #tpu.memory_space<hbm>> -> memref<1x39x512xi32, #tpu.memory_space<hbm>>
        %dma_wait3A_122 = tpu.memref_squeeze %dma_wait3A_121 : memref<1x39x512xi32, #tpu.memory_space<hbm>> -> memref<39x512xi32, #tpu.memory_space<hbm>>
        tpu.wait_dma2 semaphore(%run_scoped3A_98 : memref<!tpu.dma_semaphore, #tpu.memory_space<semaphore_mem>>) src(%dma_wait3A_122 : memref<39x512xi32, #tpu.memory_space<hbm>>) dst(%dma_wait3A_119 : memref<39x512xi32, #tpu.memory_space<vmem>>)
        tpu.yield
      }) : () -> ()
      %mul3A_93 = arith.constant 39 : i32
      %mul3A_94 = arith.muli %mul3A_93, %arg1 : i32
      %run_scoped3A_95 = arith.constant 1 : i32
      "tpu.region"() ({
        %run_scoped3A_98 = tpu.sem_alloc : memref<!tpu.dma_semaphore, #tpu.memory_space<semaphore_mem>>
        %dma_start3A_99 = arith.constant 0 : i32
        %dma_start3A_100 = arith.constant 0 : i32
        %dma_start3A_101 = tpu.memref_slice %arg7[%dma_start3A_99, %dma_start3A_100] : memref<40x512xi32, #tpu.memory_space<vmem>> -> memref<39x512xi32, #tpu.memory_space<vmem>>
        %dma_start3A_102 = arith.constant 0 : i32
        %dma_start3A_103 = tpu.memref_slice %arg3[%run_scoped3A_95, %mul3A_94, %dma_start3A_102] : memref<2x625x512xi32, #tpu.memory_space<hbm>> -> memref<1x39x512xi32, #tpu.memory_space<hbm>>
        %dma_start3A_104 = tpu.memref_squeeze %dma_start3A_103 : memref<1x39x512xi32, #tpu.memory_space<hbm>> -> memref<39x512xi32, #tpu.memory_space<hbm>>
        %dma_start3A_105 = arith.constant 0 : i32
        %dma_start3A_106 = arith.constant 0 : i32
        %dma_start3A_107 = tpu.memref_slice %arg7[%dma_start3A_105, %dma_start3A_106] : memref<40x512xi32, #tpu.memory_space<vmem>> -> memref<39x512xi32, #tpu.memory_space<vmem>>
        %dma_start3A_108 = arith.constant 0 : i32
        %dma_start3A_109 = tpu.memref_slice %arg3[%run_scoped3A_95, %mul3A_94, %dma_start3A_108] : memref<2x625x512xi32, #tpu.memory_space<hbm>> -> memref<1x39x512xi32, #tpu.memory_space<hbm>>
        %dma_start3A_110 = tpu.memref_squeeze %dma_start3A_109 : memref<1x39x512xi32, #tpu.memory_space<hbm>> -> memref<39x512xi32, #tpu.memory_space<hbm>>
        tpu.enqueue_dma source(%dma_start3A_110 : memref<39x512xi32, #tpu.memory_space<hbm>>) target(%dma_start3A_107 : memref<39x512xi32, #tpu.memory_space<vmem>>) target_semaphore(%run_scoped3A_98 : memref<!tpu.dma_semaphore, #tpu.memory_space<semaphore_mem>>)
        %dma_wait3A_111 = arith.constant 0 : i32
        %dma_wait3A_112 = arith.constant 0 : i32
        %dma_wait3A_113 = tpu.memref_slice %arg7[%dma_wait3A_111, %dma_wait3A_112] : memref<40x512xi32, #tpu.memory_space<vmem>> -> memref<39x512xi32, #tpu.memory_space<vmem>>
        %dma_wait3A_114 = arith.constant 0 : i32
        %dma_wait3A_115 = tpu.memref_slice %arg3[%run_scoped3A_95, %mul3A_94, %dma_wait3A_114] : memref<2x625x512xi32, #tpu.memory_space<hbm>> -> memref<1x39x512xi32, #tpu.memory_space<hbm>>
        %dma_wait3A_116 = tpu.memref_squeeze %dma_wait3A_115 : memref<1x39x512xi32, #tpu.memory_space<hbm>> -> memref<39x512xi32, #tpu.memory_space<hbm>>
        %dma_wait3A_117 = arith.constant 0 : i32
        %dma_wait3A_118 = arith.constant 0 : i32
        %dma_wait3A_119 = tpu.memref_slice %arg7[%dma_wait3A_117, %dma_wait3A_118] : memref<40x512xi32, #tpu.memory_space<vmem>> -> memref<39x512xi32, #tpu.memory_space<vmem>>
        %dma_wait3A_120 = arith.constant 0 : i32
        %dma_wait3A_121 = tpu.memref_slice %arg3[%run_scoped3A_95, %mul3A_94, %dma_wait3A_120] : memref<2x625x512xi32, #tpu.memory_space<hbm>> -> memref<1x39x512xi32, #tpu.memory_space<hbm>>
        %dma_wait3A_122 = tpu.memref_squeeze %dma_wait3A_121 : memref<1x39x512xi32, #tpu.memory_space<hbm>> -> memref<39x512xi32, #tpu.memory_space<hbm>>
        tpu.wait_dma2 semaphore(%run_scoped3A_98 : memref<!tpu.dma_semaphore, #tpu.memory_space<semaphore_mem>>) src(%dma_wait3A_122 : memref<39x512xi32, #tpu.memory_space<hbm>>) dst(%dma_wait3A_119 : memref<39x512xi32, #tpu.memory_space<vmem>>)
        tpu.yield
      }) : () -> ()
      %run_scoped3A_96 = arith.constant 0 : i32
      "tpu.region"() ({
        %run_scoped3A_98 = tpu.sem_alloc : memref<!tpu.dma_semaphore, #tpu.memory_space<semaphore_mem>>
        %dma_start3A_99 = arith.constant 39 : i32
        %dma_start3A_100 = arith.constant 0 : i32
        %dma_start3A_101 = tpu.memref_slice %arg6[%dma_start3A_99, %dma_start3A_100] : memref<40x512xi32, #tpu.memory_space<vmem>> -> memref<1x512xi32, #tpu.memory_space<vmem>>
        %dma_start3A_102 = arith.constant 624 : i32
        %dma_start3A_103 = arith.constant 0 : i32
        %dma_start3A_104 = tpu.memref_slice %arg3[%run_scoped3A_96, %dma_start3A_102, %dma_start3A_103] : memref<2x625x512xi32, #tpu.memory_space<hbm>> -> memref<1x1x512xi32, #tpu.memory_space<hbm>>
        %dma_start3A_105 = tpu.memref_squeeze %dma_start3A_104 : memref<1x1x512xi32, #tpu.memory_space<hbm>> -> memref<1x512xi32, #tpu.memory_space<hbm>>
        %dma_start3A_106 = arith.constant 39 : i32
        %dma_start3A_107 = arith.constant 0 : i32
        %dma_start3A_108 = tpu.memref_slice %arg6[%dma_start3A_106, %dma_start3A_107] : memref<40x512xi32, #tpu.memory_space<vmem>> -> memref<1x512xi32, #tpu.memory_space<vmem>>
        %dma_start3A_109 = arith.constant 624 : i32
        %dma_start3A_110 = arith.constant 0 : i32
        %dma_start3A_111 = tpu.memref_slice %arg3[%run_scoped3A_96, %dma_start3A_109, %dma_start3A_110] : memref<2x625x512xi32, #tpu.memory_space<hbm>> -> memref<1x1x512xi32, #tpu.memory_space<hbm>>
        %dma_start3A_112 = tpu.memref_squeeze %dma_start3A_111 : memref<1x1x512xi32, #tpu.memory_space<hbm>> -> memref<1x512xi32, #tpu.memory_space<hbm>>
        tpu.enqueue_dma source(%dma_start3A_112 : memref<1x512xi32, #tpu.memory_space<hbm>>) target(%dma_start3A_108 : memref<1x512xi32, #tpu.memory_space<vmem>>) target_semaphore(%run_scoped3A_98 : memref<!tpu.dma_semaphore, #tpu.memory_space<semaphore_mem>>)
        %dma_wait3A_113 = arith.constant 39 : i32
        %dma_wait3A_114 = arith.constant 0 : i32
        %dma_wait3A_115 = tpu.memref_slice %arg6[%dma_wait3A_113, %dma_wait3A_114] : memref<40x512xi32, #tpu.memory_space<vmem>> -> memref<1x512xi32, #tpu.memory_space<vmem>>
        %dma_wait3A_116 = arith.constant 624 : i32
        %dma_wait3A_117 = arith.constant 0 : i32
        %dma_wait3A_118 = tpu.memref_slice %arg3[%run_scoped3A_96, %dma_wait3A_116, %dma_wait3A_117] : memref<2x625x512xi32, #tpu.memory_space<hbm>> -> memref<1x1x512xi32, #tpu.memory_space<hbm>>
        %dma_wait3A_119 = tpu.memref_squeeze %dma_wait3A_118 : memref<1x1x512xi32, #tpu.memory_space<hbm>> -> memref<1x512xi32, #tpu.memory_space<hbm>>
        %dma_wait3A_120 = arith.constant 39 : i32
        %dma_wait3A_121 = arith.constant 0 : i32
        %dma_wait3A_122 = tpu.memref_slice %arg6[%dma_wait3A_120, %dma_wait3A_121] : memref<40x512xi32, #tpu.memory_space<vmem>> -> memref<1x512xi32, #tpu.memory_space<vmem>>
        %dma_wait3A_123 = arith.constant 624 : i32
        %dma_wait3A_124 = arith.constant 0 : i32
        %dma_wait3A_125 = tpu.memref_slice %arg3[%run_scoped3A_96, %dma_wait3A_123, %dma_wait3A_124] : memref<2x625x512xi32, #tpu.memory_space<hbm>> -> memref<1x1x512xi32, #tpu.memory_space<hbm>>
        %dma_wait3A_126 = tpu.memref_squeeze %dma_wait3A_125 : memref<1x1x512xi32, #tpu.memory_space<hbm>> -> memref<1x512xi32, #tpu.memory_space<hbm>>
        tpu.wait_dma2 semaphore(%run_scoped3A_98 : memref<!tpu.dma_semaphore, #tpu.memory_space<semaphore_mem>>) src(%dma_wait3A_126 : memref<1x512xi32, #tpu.memory_space<hbm>>) dst(%dma_wait3A_122 : memref<1x512xi32, #tpu.memory_space<vmem>>)
        tpu.yield
      }) : () -> ()
      %run_scoped3A_97 = arith.constant 1 : i32
      "tpu.region"() ({
        %run_scoped3A_98 = tpu.sem_alloc : memref<!tpu.dma_semaphore, #tpu.memory_space<semaphore_mem>>
        %dma_start3A_99 = arith.constant 39 : i32
        %dma_start3A_100 = arith.constant 0 : i32
        %dma_start3A_101 = tpu.memref_slice %arg7[%dma_start3A_99, %dma_start3A_100] : memref<40x512xi32, #tpu.memory_space<vmem>> -> memref<1x512xi32, #tpu.memory_space<vmem>>
        %dma_start3A_102 = arith.constant 624 : i32
        %dma_start3A_103 = arith.constant 0 : i32
        %dma_start3A_104 = tpu.memref_slice %arg3[%run_scoped3A_97, %dma_start3A_102, %dma_start3A_103] : memref<2x625x512xi32, #tpu.memory_space<hbm>> -> memref<1x1x512xi32, #tpu.memory_space<hbm>>
        %dma_start3A_105 = tpu.memref_squeeze %dma_start3A_104 : memref<1x1x512xi32, #tpu.memory_space<hbm>> -> memref<1x512xi32, #tpu.memory_space<hbm>>
        %dma_start3A_106 = arith.constant 39 : i32
        %dma_start3A_107 = arith.constant 0 : i32
        %dma_start3A_108 = tpu.memref_slice %arg7[%dma_start3A_106, %dma_start3A_107] : memref<40x512xi32, #tpu.memory_space<vmem>> -> memref<1x512xi32, #tpu.memory_space<vmem>>
        %dma_start3A_109 = arith.constant 624 : i32
        %dma_start3A_110 = arith.constant 0 : i32
        %dma_start3A_111 = tpu.memref_slice %arg3[%run_scoped3A_97, %dma_start3A_109, %dma_start3A_110] : memref<2x625x512xi32, #tpu.memory_space<hbm>> -> memref<1x1x512xi32, #tpu.memory_space<hbm>>
        %dma_start3A_112 = tpu.memref_squeeze %dma_start3A_111 : memref<1x1x512xi32, #tpu.memory_space<hbm>> -> memref<1x512xi32, #tpu.memory_space<hbm>>
        tpu.enqueue_dma source(%dma_start3A_112 : memref<1x512xi32, #tpu.memory_space<hbm>>) target(%dma_start3A_108 : memref<1x512xi32, #tpu.memory_space<vmem>>) target_semaphore(%run_scoped3A_98 : memref<!tpu.dma_semaphore, #tpu.memory_space<semaphore_mem>>)
        %dma_wait3A_113 = arith.constant 39 : i32
        %dma_wait3A_114 = arith.constant 0 : i32
        %dma_wait3A_115 = tpu.memref_slice %arg7[%dma_wait3A_113, %dma_wait3A_114] : memref<40x512xi32, #tpu.memory_space<vmem>> -> memref<1x512xi32, #tpu.memory_space<vmem>>
        %dma_wait3A_116 = arith.constant 624 : i32
        %dma_wait3A_117 = arith.constant 0 : i32
        %dma_wait3A_118 = tpu.memref_slice %arg3[%run_scoped3A_97, %dma_wait3A_116, %dma_wait3A_117] : memref<2x625x512xi32, #tpu.memory_space<hbm>> -> memref<1x1x512xi32, #tpu.memory_space<hbm>>
        %dma_wait3A_119 = tpu.memref_squeeze %dma_wait3A_118 : memref<1x1x512xi32, #tpu.memory_space<hbm>> -> memref<1x512xi32, #tpu.memory_space<hbm>>
        %dma_wait3A_120 = arith.constant 39 : i32
        %dma_wait3A_121 = arith.constant 0 : i32
        %dma_wait3A_122 = tpu.memref_slice %arg7[%dma_wait3A_120, %dma_wait3A_121] : memref<40x512xi32, #tpu.memory_space<vmem>> -> memref<1x512xi32, #tpu.memory_space<vmem>>
        %dma_wait3A_123 = arith.constant 624 : i32
        %dma_wait3A_124 = arith.constant 0 : i32
        %dma_wait3A_125 = tpu.memref_slice %arg3[%run_scoped3A_97, %dma_wait3A_123, %dma_wait3A_124] : memref<2x625x512xi32, #tpu.memory_space<hbm>> -> memref<1x1x512xi32, #tpu.memory_space<hbm>>
        %dma_wait3A_126 = tpu.memref_squeeze %dma_wait3A_125 : memref<1x1x512xi32, #tpu.memory_space<hbm>> -> memref<1x512xi32, #tpu.memory_space<hbm>>
        tpu.wait_dma2 semaphore(%run_scoped3A_98 : memref<!tpu.dma_semaphore, #tpu.memory_space<semaphore_mem>>) src(%dma_wait3A_126 : memref<1x512xi32, #tpu.memory_space<hbm>>) dst(%dma_wait3A_122 : memref<1x512xi32, #tpu.memory_space<vmem>>)
        tpu.yield
      }) : () -> ()
    } else {
    }
    %eq3A_50 = arith.constant 1 : i32
    %eq3A_51 = arith.cmpi eq, %arg0, %eq3A_50 : i32
    %convert_element_type3A_52 = arith.extui %eq3A_51 : i1 to i32
    %cond3A_53 = arith.constant 0 : i32
    %cond3A_54 = arith.cmpi ne, %convert_element_type3A_52, %cond3A_53 : i32
    scf.if %cond3A_54 {
      %mul3A_90 = arith.constant 39 : i32
      %mul3A_91 = arith.muli %mul3A_90, %arg1 : i32
      %run_scoped3A_92 = arith.constant 0 : i32
      "tpu.region"() ({
        %run_scoped3A_98 = tpu.sem_alloc : memref<!tpu.dma_semaphore, #tpu.memory_space<semaphore_mem>>
        %dma_start3A_99 = arith.constant 0 : i32
        %dma_start3A_100 = arith.constant 0 : i32
        %dma_start3A_101 = tpu.memref_slice %arg6[%dma_start3A_99, %dma_start3A_100] : memref<40x512xi32, #tpu.memory_space<vmem>> -> memref<39x512xi32, #tpu.memory_space<vmem>>
        %dma_start3A_102 = arith.constant 0 : i32
        %dma_start3A_103 = tpu.memref_slice %arg4[%run_scoped3A_92, %mul3A_91, %dma_start3A_102] : memref<2x625x512xi32, #tpu.memory_space<hbm>> -> memref<1x39x512xi32, #tpu.memory_space<hbm>>
        %dma_start3A_104 = tpu.memref_squeeze %dma_start3A_103 : memref<1x39x512xi32, #tpu.memory_space<hbm>> -> memref<39x512xi32, #tpu.memory_space<hbm>>
        %dma_start3A_105 = arith.constant 0 : i32
        %dma_start3A_106 = arith.constant 0 : i32
        %dma_start3A_107 = tpu.memref_slice %arg6[%dma_start3A_105, %dma_start3A_106] : memref<40x512xi32, #tpu.memory_space<vmem>> -> memref<39x512xi32, #tpu.memory_space<vmem>>
        %dma_start3A_108 = arith.constant 0 : i32
        %dma_start3A_109 = tpu.memref_slice %arg4[%run_scoped3A_92, %mul3A_91, %dma_start3A_108] : memref<2x625x512xi32, #tpu.memory_space<hbm>> -> memref<1x39x512xi32, #tpu.memory_space<hbm>>
        %dma_start3A_110 = tpu.memref_squeeze %dma_start3A_109 : memref<1x39x512xi32, #tpu.memory_space<hbm>> -> memref<39x512xi32, #tpu.memory_space<hbm>>
        tpu.enqueue_dma source(%dma_start3A_110 : memref<39x512xi32, #tpu.memory_space<hbm>>) target(%dma_start3A_107 : memref<39x512xi32, #tpu.memory_space<vmem>>) target_semaphore(%run_scoped3A_98 : memref<!tpu.dma_semaphore, #tpu.memory_space<semaphore_mem>>)
        %dma_wait3A_111 = arith.constant 0 : i32
        %dma_wait3A_112 = arith.constant 0 : i32
        %dma_wait3A_113 = tpu.memref_slice %arg6[%dma_wait3A_111, %dma_wait3A_112] : memref<40x512xi32, #tpu.memory_space<vmem>> -> memref<39x512xi32, #tpu.memory_space<vmem>>
        %dma_wait3A_114 = arith.constant 0 : i32
        %dma_wait3A_115 = tpu.memref_slice %arg4[%run_scoped3A_92, %mul3A_91, %dma_wait3A_114] : memref<2x625x512xi32, #tpu.memory_space<hbm>> -> memref<1x39x512xi32, #tpu.memory_space<hbm>>
        %dma_wait3A_116 = tpu.memref_squeeze %dma_wait3A_115 : memref<1x39x512xi32, #tpu.memory_space<hbm>> -> memref<39x512xi32, #tpu.memory_space<hbm>>
        %dma_wait3A_117 = arith.constant 0 : i32
        %dma_wait3A_118 = arith.constant 0 : i32
        %dma_wait3A_119 = tpu.memref_slice %arg6[%dma_wait3A_117, %dma_wait3A_118] : memref<40x512xi32, #tpu.memory_space<vmem>> -> memref<39x512xi32, #tpu.memory_space<vmem>>
        %dma_wait3A_120 = arith.constant 0 : i32
        %dma_wait3A_121 = tpu.memref_slice %arg4[%run_scoped3A_92, %mul3A_91, %dma_wait3A_120] : memref<2x625x512xi32, #tpu.memory_space<hbm>> -> memref<1x39x512xi32, #tpu.memory_space<hbm>>
        %dma_wait3A_122 = tpu.memref_squeeze %dma_wait3A_121 : memref<1x39x512xi32, #tpu.memory_space<hbm>> -> memref<39x512xi32, #tpu.memory_space<hbm>>
        tpu.wait_dma2 semaphore(%run_scoped3A_98 : memref<!tpu.dma_semaphore, #tpu.memory_space<semaphore_mem>>) src(%dma_wait3A_122 : memref<39x512xi32, #tpu.memory_space<hbm>>) dst(%dma_wait3A_119 : memref<39x512xi32, #tpu.memory_space<vmem>>)
        tpu.yield
      }) : () -> ()
      %mul3A_93 = arith.constant 39 : i32
      %mul3A_94 = arith.muli %mul3A_93, %arg1 : i32
      %run_scoped3A_95 = arith.constant 1 : i32
      "tpu.region"() ({
        %run_scoped3A_98 = tpu.sem_alloc : memref<!tpu.dma_semaphore, #tpu.memory_space<semaphore_mem>>
        %dma_start3A_99 = arith.constant 0 : i32
        %dma_start3A_100 = arith.constant 0 : i32
        %dma_start3A_101 = tpu.memref_slice %arg7[%dma_start3A_99, %dma_start3A_100] : memref<40x512xi32, #tpu.memory_space<vmem>> -> memref<39x512xi32, #tpu.memory_space<vmem>>
        %dma_start3A_102 = arith.constant 0 : i32
        %dma_start3A_103 = tpu.memref_slice %arg4[%run_scoped3A_95, %mul3A_94, %dma_start3A_102] : memref<2x625x512xi32, #tpu.memory_space<hbm>> -> memref<1x39x512xi32, #tpu.memory_space<hbm>>
        %dma_start3A_104 = tpu.memref_squeeze %dma_start3A_103 : memref<1x39x512xi32, #tpu.memory_space<hbm>> -> memref<39x512xi32, #tpu.memory_space<hbm>>
        %dma_start3A_105 = arith.constant 0 : i32
        %dma_start3A_106 = arith.constant 0 : i32
        %dma_start3A_107 = tpu.memref_slice %arg7[%dma_start3A_105, %dma_start3A_106] : memref<40x512xi32, #tpu.memory_space<vmem>> -> memref<39x512xi32, #tpu.memory_space<vmem>>
        %dma_start3A_108 = arith.constant 0 : i32
        %dma_start3A_109 = tpu.memref_slice %arg4[%run_scoped3A_95, %mul3A_94, %dma_start3A_108] : memref<2x625x512xi32, #tpu.memory_space<hbm>> -> memref<1x39x512xi32, #tpu.memory_space<hbm>>
        %dma_start3A_110 = tpu.memref_squeeze %dma_start3A_109 : memref<1x39x512xi32, #tpu.memory_space<hbm>> -> memref<39x512xi32, #tpu.memory_space<hbm>>
        tpu.enqueue_dma source(%dma_start3A_110 : memref<39x512xi32, #tpu.memory_space<hbm>>) target(%dma_start3A_107 : memref<39x512xi32, #tpu.memory_space<vmem>>) target_semaphore(%run_scoped3A_98 : memref<!tpu.dma_semaphore, #tpu.memory_space<semaphore_mem>>)
        %dma_wait3A_111 = arith.constant 0 : i32
        %dma_wait3A_112 = arith.constant 0 : i32
        %dma_wait3A_113 = tpu.memref_slice %arg7[%dma_wait3A_111, %dma_wait3A_112] : memref<40x512xi32, #tpu.memory_space<vmem>> -> memref<39x512xi32, #tpu.memory_space<vmem>>
        %dma_wait3A_114 = arith.constant 0 : i32
        %dma_wait3A_115 = tpu.memref_slice %arg4[%run_scoped3A_95, %mul3A_94, %dma_wait3A_114] : memref<2x625x512xi32, #tpu.memory_space<hbm>> -> memref<1x39x512xi32, #tpu.memory_space<hbm>>
        %dma_wait3A_116 = tpu.memref_squeeze %dma_wait3A_115 : memref<1x39x512xi32, #tpu.memory_space<hbm>> -> memref<39x512xi32, #tpu.memory_space<hbm>>
        %dma_wait3A_117 = arith.constant 0 : i32
        %dma_wait3A_118 = arith.constant 0 : i32
        %dma_wait3A_119 = tpu.memref_slice %arg7[%dma_wait3A_117, %dma_wait3A_118] : memref<40x512xi32, #tpu.memory_space<vmem>> -> memref<39x512xi32, #tpu.memory_space<vmem>>
        %dma_wait3A_120 = arith.constant 0 : i32
        %dma_wait3A_121 = tpu.memref_slice %arg4[%run_scoped3A_95, %mul3A_94, %dma_wait3A_120] : memref<2x625x512xi32, #tpu.memory_space<hbm>> -> memref<1x39x512xi32, #tpu.memory_space<hbm>>
        %dma_wait3A_122 = tpu.memref_squeeze %dma_wait3A_121 : memref<1x39x512xi32, #tpu.memory_space<hbm>> -> memref<39x512xi32, #tpu.memory_space<hbm>>
        tpu.wait_dma2 semaphore(%run_scoped3A_98 : memref<!tpu.dma_semaphore, #tpu.memory_space<semaphore_mem>>) src(%dma_wait3A_122 : memref<39x512xi32, #tpu.memory_space<hbm>>) dst(%dma_wait3A_119 : memref<39x512xi32, #tpu.memory_space<vmem>>)
        tpu.yield
      }) : () -> ()
      %run_scoped3A_96 = arith.constant 0 : i32
      "tpu.region"() ({
        %run_scoped3A_98 = tpu.sem_alloc : memref<!tpu.dma_semaphore, #tpu.memory_space<semaphore_mem>>
        %dma_start3A_99 = arith.constant 39 : i32
        %dma_start3A_100 = arith.constant 0 : i32
        %dma_start3A_101 = tpu.memref_slice %arg6[%dma_start3A_99, %dma_start3A_100] : memref<40x512xi32, #tpu.memory_space<vmem>> -> memref<1x512xi32, #tpu.memory_space<vmem>>
        %dma_start3A_102 = arith.constant 624 : i32
        %dma_start3A_103 = arith.constant 0 : i32
        %dma_start3A_104 = tpu.memref_slice %arg4[%run_scoped3A_96, %dma_start3A_102, %dma_start3A_103] : memref<2x625x512xi32, #tpu.memory_space<hbm>> -> memref<1x1x512xi32, #tpu.memory_space<hbm>>
        %dma_start3A_105 = tpu.memref_squeeze %dma_start3A_104 : memref<1x1x512xi32, #tpu.memory_space<hbm>> -> memref<1x512xi32, #tpu.memory_space<hbm>>
        %dma_start3A_106 = arith.constant 39 : i32
        %dma_start3A_107 = arith.constant 0 : i32
        %dma_start3A_108 = tpu.memref_slice %arg6[%dma_start3A_106, %dma_start3A_107] : memref<40x512xi32, #tpu.memory_space<vmem>> -> memref<1x512xi32, #tpu.memory_space<vmem>>
        %dma_start3A_109 = arith.constant 624 : i32
        %dma_start3A_110 = arith.constant 0 : i32
        %dma_start3A_111 = tpu.memref_slice %arg4[%run_scoped3A_96, %dma_start3A_109, %dma_start3A_110] : memref<2x625x512xi32, #tpu.memory_space<hbm>> -> memref<1x1x512xi32, #tpu.memory_space<hbm>>
        %dma_start3A_112 = tpu.memref_squeeze %dma_start3A_111 : memref<1x1x512xi32, #tpu.memory_space<hbm>> -> memref<1x512xi32, #tpu.memory_space<hbm>>
        tpu.enqueue_dma source(%dma_start3A_112 : memref<1x512xi32, #tpu.memory_space<hbm>>) target(%dma_start3A_108 : memref<1x512xi32, #tpu.memory_space<vmem>>) target_semaphore(%run_scoped3A_98 : memref<!tpu.dma_semaphore, #tpu.memory_space<semaphore_mem>>)
        %dma_wait3A_113 = arith.constant 39 : i32
        %dma_wait3A_114 = arith.constant 0 : i32
        %dma_wait3A_115 = tpu.memref_slice %arg6[%dma_wait3A_113, %dma_wait3A_114] : memref<40x512xi32, #tpu.memory_space<vmem>> -> memref<1x512xi32, #tpu.memory_space<vmem>>
        %dma_wait3A_116 = arith.constant 624 : i32
        %dma_wait3A_117 = arith.constant 0 : i32
        %dma_wait3A_118 = tpu.memref_slice %arg4[%run_scoped3A_96, %dma_wait3A_116, %dma_wait3A_117] : memref<2x625x512xi32, #tpu.memory_space<hbm>> -> memref<1x1x512xi32, #tpu.memory_space<hbm>>
        %dma_wait3A_119 = tpu.memref_squeeze %dma_wait3A_118 : memref<1x1x512xi32, #tpu.memory_space<hbm>> -> memref<1x512xi32, #tpu.memory_space<hbm>>
        %dma_wait3A_120 = arith.constant 39 : i32
        %dma_wait3A_121 = arith.constant 0 : i32
        %dma_wait3A_122 = tpu.memref_slice %arg6[%dma_wait3A_120, %dma_wait3A_121] : memref<40x512xi32, #tpu.memory_space<vmem>> -> memref<1x512xi32, #tpu.memory_space<vmem>>
        %dma_wait3A_123 = arith.constant 624 : i32
        %dma_wait3A_124 = arith.constant 0 : i32
        %dma_wait3A_125 = tpu.memref_slice %arg4[%run_scoped3A_96, %dma_wait3A_123, %dma_wait3A_124] : memref<2x625x512xi32, #tpu.memory_space<hbm>> -> memref<1x1x512xi32, #tpu.memory_space<hbm>>
        %dma_wait3A_126 = tpu.memref_squeeze %dma_wait3A_125 : memref<1x1x512xi32, #tpu.memory_space<hbm>> -> memref<1x512xi32, #tpu.memory_space<hbm>>
        tpu.wait_dma2 semaphore(%run_scoped3A_98 : memref<!tpu.dma_semaphore, #tpu.memory_space<semaphore_mem>>) src(%dma_wait3A_126 : memref<1x512xi32, #tpu.memory_space<hbm>>) dst(%dma_wait3A_122 : memref<1x512xi32, #tpu.memory_space<vmem>>)
        tpu.yield
      }) : () -> ()
      %run_scoped3A_97 = arith.constant 1 : i32
      "tpu.region"() ({
        %run_scoped3A_98 = tpu.sem_alloc : memref<!tpu.dma_semaphore, #tpu.memory_space<semaphore_mem>>
        %dma_start3A_99 = arith.constant 39 : i32
        %dma_start3A_100 = arith.constant 0 : i32
        %dma_start3A_101 = tpu.memref_slice %arg7[%dma_start3A_99, %dma_start3A_100] : memref<40x512xi32, #tpu.memory_space<vmem>> -> memref<1x512xi32, #tpu.memory_space<vmem>>
        %dma_start3A_102 = arith.constant 624 : i32
        %dma_start3A_103 = arith.constant 0 : i32
        %dma_start3A_104 = tpu.memref_slice %arg4[%run_scoped3A_97, %dma_start3A_102, %dma_start3A_103] : memref<2x625x512xi32, #tpu.memory_space<hbm>> -> memref<1x1x512xi32, #tpu.memory_space<hbm>>
        %dma_start3A_105 = tpu.memref_squeeze %dma_start3A_104 : memref<1x1x512xi32, #tpu.memory_space<hbm>> -> memref<1x512xi32, #tpu.memory_space<hbm>>
        %dma_start3A_106 = arith.constant 39 : i32
        %dma_start3A_107 = arith.constant 0 : i32
        %dma_start3A_108 = tpu.memref_slice %arg7[%dma_start3A_106, %dma_start3A_107] : memref<40x512xi32, #tpu.memory_space<vmem>> -> memref<1x512xi32, #tpu.memory_space<vmem>>
        %dma_start3A_109 = arith.constant 624 : i32
        %dma_start3A_110 = arith.constant 0 : i32
        %dma_start3A_111 = tpu.memref_slice %arg4[%run_scoped3A_97, %dma_start3A_109, %dma_start3A_110] : memref<2x625x512xi32, #tpu.memory_space<hbm>> -> memref<1x1x512xi32, #tpu.memory_space<hbm>>
        %dma_start3A_112 = tpu.memref_squeeze %dma_start3A_111 : memref<1x1x512xi32, #tpu.memory_space<hbm>> -> memref<1x512xi32, #tpu.memory_space<hbm>>
        tpu.enqueue_dma source(%dma_start3A_112 : memref<1x512xi32, #tpu.memory_space<hbm>>) target(%dma_start3A_108 : memref<1x512xi32, #tpu.memory_space<vmem>>) target_semaphore(%run_scoped3A_98 : memref<!tpu.dma_semaphore, #tpu.memory_space<semaphore_mem>>)
        %dma_wait3A_113 = arith.constant 39 : i32
        %dma_wait3A_114 = arith.constant 0 : i32
        %dma_wait3A_115 = tpu.memref_slice %arg7[%dma_wait3A_113, %dma_wait3A_114] : memref<40x512xi32, #tpu.memory_space<vmem>> -> memref<1x512xi32, #tpu.memory_space<vmem>>
        %dma_wait3A_116 = arith.constant 624 : i32
        %dma_wait3A_117 = arith.constant 0 : i32
        %dma_wait3A_118 = tpu.memref_slice %arg4[%run_scoped3A_97, %dma_wait3A_116, %dma_wait3A_117] : memref<2x625x512xi32, #tpu.memory_space<hbm>> -> memref<1x1x512xi32, #tpu.memory_space<hbm>>
        %dma_wait3A_119 = tpu.memref_squeeze %dma_wait3A_118 : memref<1x1x512xi32, #tpu.memory_space<hbm>> -> memref<1x512xi32, #tpu.memory_space<hbm>>
        %dma_wait3A_120 = arith.constant 39 : i32
        %dma_wait3A_121 = arith.constant 0 : i32
        %dma_wait3A_122 = tpu.memref_slice %arg7[%dma_wait3A_120, %dma_wait3A_121] : memref<40x512xi32, #tpu.memory_space<vmem>> -> memref<1x512xi32, #tpu.memory_space<vmem>>
        %dma_wait3A_123 = arith.constant 624 : i32
        %dma_wait3A_124 = arith.constant 0 : i32
        %dma_wait3A_125 = tpu.memref_slice %arg4[%run_scoped3A_97, %dma_wait3A_123, %dma_wait3A_124] : memref<2x625x512xi32, #tpu.memory_space<hbm>> -> memref<1x1x512xi32, #tpu.memory_space<hbm>>
        %dma_wait3A_126 = tpu.memref_squeeze %dma_wait3A_125 : memref<1x1x512xi32, #tpu.memory_space<hbm>> -> memref<1x512xi32, #tpu.memory_space<hbm>>
        tpu.wait_dma2 semaphore(%run_scoped3A_98 : memref<!tpu.dma_semaphore, #tpu.memory_space<semaphore_mem>>) src(%dma_wait3A_126 : memref<1x512xi32, #tpu.memory_space<hbm>>) dst(%dma_wait3A_122 : memref<1x512xi32, #tpu.memory_space<vmem>>)
        tpu.yield
      }) : () -> ()
    } else {
    }
    %barrier3A = arith.constant 0 : index
    tpu.barrier barrier_id(%barrier3A)
    %dma_start3A_55 = arith.constant 0 : i32
    %dma_start3A_56 = arith.constant 0 : i32
    %dma_start3A_57 = tpu.memref_slice %arg6[%dma_start3A_55, %dma_start3A_56] : memref<40x512xi32, #tpu.memory_space<vmem>> -> memref<1x512xi32, #tpu.memory_space<vmem>>
    %dma_start3A_58 = tpu.memref_squeeze %dma_start3A_57 : memref<1x512xi32, #tpu.memory_space<vmem>> -> memref<512xi32, #tpu.memory_space<vmem>>
    %dma_start3A_59 = arith.constant 0 : i32
    %dma_start3A_60 = arith.constant 0 : i32
    %dma_start3A_61 = tpu.memref_slice %arg2[%arg0, %dma_start3A_59, %dma_start3A_60] : memref<2x10240x64xbf16, #tpu.memory_space<hbm>> -> memref<1x10240x64xbf16, #tpu.memory_space<hbm>>
    %dma_start3A_62 = tpu.memref_squeeze %dma_start3A_61 : memref<1x10240x64xbf16, #tpu.memory_space<hbm>> -> memref<10240x64xbf16, #tpu.memory_space<hbm>>
    %dma_start3A_63 = arith.constant 0 : i32
    %dma_start3A_64 = arith.constant 0 : i32
    %dma_start3A_65 = tpu.memref_slice %dma_start3A_62[%dma_start3A_63, %dma_start3A_64] : memref<10240x64xbf16, #tpu.memory_space<hbm>> -> memref<10240x64xbf16, #tpu.memory_space<hbm>>
    tpu.enqueue_indirect_dma source(%dma_start3A_65 : memref<10240x64xbf16, #tpu.memory_space<hbm>>) target(%arg8 : memref<512x64xbf16, #tpu.memory_space<vmem>>) offsets(%dma_start3A_58 : memref<512xi32, #tpu.memory_space<vmem>>) semaphore(%arg13 : memref<!tpu.dma_semaphore, #tpu.memory_space<semaphore_mem>>)
    %scan3A_66 = arith.constant 0 : i32
    %scan3A_67 = arith.constant 0 : i32
    %scan3A_68 = arith.constant 19 : i32
    %scan3A_69 = arith.addi %scan3A_67, %scan3A_68 : i32
    %scan3A_70 = arith.constant 1 : i32
    %scan3A_71 = scf.for %scan3A_90 = %scan3A_67 to %scan3A_69 step %scan3A_70 iter_args(%scan3A_91 = %scan3A_66) -> (i32)  : i32 {
      %mul3A_92 = arith.constant 2 : i32
      %mul3A_93 = arith.muli %mul3A_92, %scan3A_90 : i32
      %dma_wait3A_94 = arith.constant 0 : i32
      %dma_wait3A_95 = tpu.memref_slice %arg6[%mul3A_93, %dma_wait3A_94] : memref<40x512xi32, #tpu.memory_space<vmem>> -> memref<1x512xi32, #tpu.memory_space<vmem>>
      %dma_wait3A_96 = tpu.memref_squeeze %dma_wait3A_95 : memref<1x512xi32, #tpu.memory_space<vmem>> -> memref<512xi32, #tpu.memory_space<vmem>>
      %dma_wait3A_97 = arith.constant 0 : i32
      %dma_wait3A_98 = arith.constant 0 : i32
      %dma_wait3A_99 = tpu.memref_slice %arg2[%arg0, %dma_wait3A_97, %dma_wait3A_98] : memref<2x10240x64xbf16, #tpu.memory_space<hbm>> -> memref<1x10240x64xbf16, #tpu.memory_space<hbm>>
      %dma_wait3A_100 = tpu.memref_squeeze %dma_wait3A_99 : memref<1x10240x64xbf16, #tpu.memory_space<hbm>> -> memref<10240x64xbf16, #tpu.memory_space<hbm>>
      %dma_wait3A_101 = arith.constant 0 : i32
      %dma_wait3A_102 = arith.constant 0 : i32
      %dma_wait3A_103 = tpu.memref_slice %dma_wait3A_100[%dma_wait3A_101, %dma_wait3A_102] : memref<10240x64xbf16, #tpu.memory_space<hbm>> -> memref<10240x64xbf16, #tpu.memory_space<hbm>>
      tpu.wait_indirect_dma semaphore(%arg13 : memref<!tpu.dma_semaphore, #tpu.memory_space<semaphore_mem>>) src(%dma_wait3A_103 : memref<10240x64xbf16, #tpu.memory_space<hbm>>) dst(%arg8 : memref<512x64xbf16, #tpu.memory_space<vmem>>)
      %add3A_104 = arith.constant 1 : i32
      %add3A_105 = arith.addi %mul3A_93, %add3A_104 : i32
      %dma_start3A_106 = arith.constant 0 : i32
      %dma_start3A_107 = tpu.memref_slice %arg6[%add3A_105, %dma_start3A_106] : memref<40x512xi32, #tpu.memory_space<vmem>> -> memref<1x512xi32, #tpu.memory_space<vmem>>
      %dma_start3A_108 = tpu.memref_squeeze %dma_start3A_107 : memref<1x512xi32, #tpu.memory_space<vmem>> -> memref<512xi32, #tpu.memory_space<vmem>>
      %dma_start3A_109 = arith.constant 0 : i32
      %dma_start3A_110 = arith.constant 0 : i32
      %dma_start3A_111 = tpu.memref_slice %arg2[%arg0, %dma_start3A_109, %dma_start3A_110] : memref<2x10240x64xbf16, #tpu.memory_space<hbm>> -> memref<1x10240x64xbf16, #tpu.memory_space<hbm>>
      %dma_start3A_112 = tpu.memref_squeeze %dma_start3A_111 : memref<1x10240x64xbf16, #tpu.memory_space<hbm>> -> memref<10240x64xbf16, #tpu.memory_space<hbm>>
      %dma_start3A_113 = arith.constant 0 : i32
      %dma_start3A_114 = arith.constant 0 : i32
      %dma_start3A_115 = tpu.memref_slice %dma_start3A_112[%dma_start3A_113, %dma_start3A_114] : memref<10240x64xbf16, #tpu.memory_space<hbm>> -> memref<10240x64xbf16, #tpu.memory_space<hbm>>
      tpu.enqueue_indirect_dma source(%dma_start3A_115 : memref<10240x64xbf16, #tpu.memory_space<hbm>>) target(%arg9 : memref<512x64xbf16, #tpu.memory_space<vmem>>) offsets(%dma_start3A_108 : memref<512xi32, #tpu.memory_space<vmem>>) semaphore(%arg14 : memref<!tpu.dma_semaphore, #tpu.memory_space<semaphore_mem>>)
      "tpu.region"() ({
        %run_scoped3A_143 = tpu.sem_alloc : memref<!tpu.dma_semaphore, #tpu.memory_space<semaphore_mem>>
        %dma_start3A_144 = arith.constant 0 : i32
        %dma_start3A_145 = tpu.memref_slice %arg7[%mul3A_93, %dma_start3A_144] : memref<40x512xi32, #tpu.memory_space<vmem>> -> memref<1x512xi32, #tpu.memory_space<vmem>>
        %dma_start3A_146 = tpu.memref_squeeze %dma_start3A_145 : memref<1x512xi32, #tpu.memory_space<vmem>> -> memref<512xi32, #tpu.memory_space<vmem>>
        %dma_start3A_147 = arith.constant 0 : i32
        %dma_start3A_148 = arith.constant 0 : i32
        %dma_start3A_149 = tpu.memref_slice %arg11[%dma_start3A_147, %dma_start3A_148] : memref<10240x64xbf16, #tpu.memory_space<vmem_shared>> -> memref<10240x64xbf16, #tpu.memory_space<vmem_shared>>
        tpu.enqueue_indirect_dma source(%arg8 : memref<512x64xbf16, #tpu.memory_space<vmem>>) target(%dma_start3A_149 : memref<10240x64xbf16, #tpu.memory_space<vmem_shared>>) offsets(%dma_start3A_146 : memref<512xi32, #tpu.memory_space<vmem>>) semaphore(%run_scoped3A_143 : memref<!tpu.dma_semaphore, #tpu.memory_space<semaphore_mem>>) {add = true}
        %dma_wait3A_150 = arith.constant 0 : i32
        %dma_wait3A_151 = tpu.memref_slice %arg7[%mul3A_93, %dma_wait3A_150] : memref<40x512xi32, #tpu.memory_space<vmem>> -> memref<1x512xi32, #tpu.memory_space<vmem>>
        %dma_wait3A_152 = tpu.memref_squeeze %dma_wait3A_151 : memref<1x512xi32, #tpu.memory_space<vmem>> -> memref<512xi32, #tpu.memory_space<vmem>>
        %dma_wait3A_153 = arith.constant 0 : i32
        %dma_wait3A_154 = arith.constant 0 : i32
        %dma_wait3A_155 = tpu.memref_slice %arg11[%dma_wait3A_153, %dma_wait3A_154] : memref<10240x64xbf16, #tpu.memory_space<vmem_shared>> -> memref<10240x64xbf16, #tpu.memory_space<vmem_shared>>
        tpu.wait_indirect_dma semaphore(%run_scoped3A_143 : memref<!tpu.dma_semaphore, #tpu.memory_space<semaphore_mem>>) src(%arg8 : memref<512x64xbf16, #tpu.memory_space<vmem>>) dst(%dma_wait3A_155 : memref<10240x64xbf16, #tpu.memory_space<vmem_shared>>)
        tpu.yield
      }) : () -> ()
      %add3A_116 = arith.constant 1 : i32
      %add3A_117 = arith.addi %mul3A_93, %add3A_116 : i32
      %dma_wait3A_118 = arith.constant 0 : i32
      %dma_wait3A_119 = tpu.memref_slice %arg6[%add3A_117, %dma_wait3A_118] : memref<40x512xi32, #tpu.memory_space<vmem>> -> memref<1x512xi32, #tpu.memory_space<vmem>>
      %dma_wait3A_120 = tpu.memref_squeeze %dma_wait3A_119 : memref<1x512xi32, #tpu.memory_space<vmem>> -> memref<512xi32, #tpu.memory_space<vmem>>
      %dma_wait3A_121 = arith.constant 0 : i32
      %dma_wait3A_122 = arith.constant 0 : i32
      %dma_wait3A_123 = tpu.memref_slice %arg2[%arg0, %dma_wait3A_121, %dma_wait3A_122] : memref<2x10240x64xbf16, #tpu.memory_space<hbm>> -> memref<1x10240x64xbf16, #tpu.memory_space<hbm>>
      %dma_wait3A_124 = tpu.memref_squeeze %dma_wait3A_123 : memref<1x10240x64xbf16, #tpu.memory_space<hbm>> -> memref<10240x64xbf16, #tpu.memory_space<hbm>>
      %dma_wait3A_125 = arith.constant 0 : i32
      %dma_wait3A_126 = arith.constant 0 : i32
      %dma_wait3A_127 = tpu.memref_slice %dma_wait3A_124[%dma_wait3A_125, %dma_wait3A_126] : memref<10240x64xbf16, #tpu.memory_space<hbm>> -> memref<10240x64xbf16, #tpu.memory_space<hbm>>
      tpu.wait_indirect_dma semaphore(%arg14 : memref<!tpu.dma_semaphore, #tpu.memory_space<semaphore_mem>>) src(%dma_wait3A_127 : memref<10240x64xbf16, #tpu.memory_space<hbm>>) dst(%arg9 : memref<512x64xbf16, #tpu.memory_space<vmem>>)
      %add3A_128 = arith.constant 2 : i32
      %add3A_129 = arith.addi %mul3A_93, %add3A_128 : i32
      %dma_start3A_130 = arith.constant 0 : i32
      %dma_start3A_131 = tpu.memref_slice %arg6[%add3A_129, %dma_start3A_130] : memref<40x512xi32, #tpu.memory_space<vmem>> -> memref<1x512xi32, #tpu.memory_space<vmem>>
      %dma_start3A_132 = tpu.memref_squeeze %dma_start3A_131 : memref<1x512xi32, #tpu.memory_space<vmem>> -> memref<512xi32, #tpu.memory_space<vmem>>
      %dma_start3A_133 = arith.constant 0 : i32
      %dma_start3A_134 = arith.constant 0 : i32
      %dma_start3A_135 = tpu.memref_slice %arg2[%arg0, %dma_start3A_133, %dma_start3A_134] : memref<2x10240x64xbf16, #tpu.memory_space<hbm>> -> memref<1x10240x64xbf16, #tpu.memory_space<hbm>>
      %dma_start3A_136 = tpu.memref_squeeze %dma_start3A_135 : memref<1x10240x64xbf16, #tpu.memory_space<hbm>> -> memref<10240x64xbf16, #tpu.memory_space<hbm>>
      %dma_start3A_137 = arith.constant 0 : i32
      %dma_start3A_138 = arith.constant 0 : i32
      %dma_start3A_139 = tpu.memref_slice %dma_start3A_136[%dma_start3A_137, %dma_start3A_138] : memref<10240x64xbf16, #tpu.memory_space<hbm>> -> memref<10240x64xbf16, #tpu.memory_space<hbm>>
      tpu.enqueue_indirect_dma source(%dma_start3A_139 : memref<10240x64xbf16, #tpu.memory_space<hbm>>) target(%arg8 : memref<512x64xbf16, #tpu.memory_space<vmem>>) offsets(%dma_start3A_132 : memref<512xi32, #tpu.memory_space<vmem>>) semaphore(%arg13 : memref<!tpu.dma_semaphore, #tpu.memory_space<semaphore_mem>>)
      %add3A_140 = arith.constant 1 : i32
      %add3A_141 = arith.addi %mul3A_93, %add3A_140 : i32
      "tpu.region"() ({
        %run_scoped3A_143 = tpu.sem_alloc : memref<!tpu.dma_semaphore, #tpu.memory_space<semaphore_mem>>
        %dma_start3A_144 = arith.constant 0 : i32
        %dma_start3A_145 = tpu.memref_slice %arg7[%add3A_141, %dma_start3A_144] : memref<40x512xi32, #tpu.memory_space<vmem>> -> memref<1x512xi32, #tpu.memory_space<vmem>>
        %dma_start3A_146 = tpu.memref_squeeze %dma_start3A_145 : memref<1x512xi32, #tpu.memory_space<vmem>> -> memref<512xi32, #tpu.memory_space<vmem>>
        %dma_start3A_147 = arith.constant 0 : i32
        %dma_start3A_148 = arith.constant 0 : i32
        %dma_start3A_149 = tpu.memref_slice %arg11[%dma_start3A_147, %dma_start3A_148] : memref<10240x64xbf16, #tpu.memory_space<vmem_shared>> -> memref<10240x64xbf16, #tpu.memory_space<vmem_shared>>
        tpu.enqueue_indirect_dma source(%arg9 : memref<512x64xbf16, #tpu.memory_space<vmem>>) target(%dma_start3A_149 : memref<10240x64xbf16, #tpu.memory_space<vmem_shared>>) offsets(%dma_start3A_146 : memref<512xi32, #tpu.memory_space<vmem>>) semaphore(%run_scoped3A_143 : memref<!tpu.dma_semaphore, #tpu.memory_space<semaphore_mem>>) {add = true}
        %dma_wait3A_150 = arith.constant 0 : i32
        %dma_wait3A_151 = tpu.memref_slice %arg7[%add3A_141, %dma_wait3A_150] : memref<40x512xi32, #tpu.memory_space<vmem>> -> memref<1x512xi32, #tpu.memory_space<vmem>>
        %dma_wait3A_152 = tpu.memref_squeeze %dma_wait3A_151 : memref<1x512xi32, #tpu.memory_space<vmem>> -> memref<512xi32, #tpu.memory_space<vmem>>
        %dma_wait3A_153 = arith.constant 0 : i32
        %dma_wait3A_154 = arith.constant 0 : i32
        %dma_wait3A_155 = tpu.memref_slice %arg11[%dma_wait3A_153, %dma_wait3A_154] : memref<10240x64xbf16, #tpu.memory_space<vmem_shared>> -> memref<10240x64xbf16, #tpu.memory_space<vmem_shared>>
        tpu.wait_indirect_dma semaphore(%run_scoped3A_143 : memref<!tpu.dma_semaphore, #tpu.memory_space<semaphore_mem>>) src(%arg9 : memref<512x64xbf16, #tpu.memory_space<vmem>>) dst(%dma_wait3A_155 : memref<10240x64xbf16, #tpu.memory_space<vmem_shared>>)
        tpu.yield
      }) : () -> ()
      %scan3A_142 = arith.constant 0 : i32
      scf.yield %scan3A_142 : i32
    }
    %scan3A_72 = arith.constant 19 : i32
    %dma_wait3A_73 = arith.constant 38 : i32
    %dma_wait3A_74 = arith.constant 0 : i32
    %dma_wait3A_75 = tpu.memref_slice %arg6[%dma_wait3A_73, %dma_wait3A_74] : memref<40x512xi32, #tpu.memory_space<vmem>> -> memref<1x512xi32, #tpu.memory_space<vmem>>
    %dma_wait3A_76 = tpu.memref_squeeze %dma_wait3A_75 : memref<1x512xi32, #tpu.memory_space<vmem>> -> memref<512xi32, #tpu.memory_space<vmem>>
    %dma_wait3A_77 = arith.constant 0 : i32
    %dma_wait3A_78 = arith.constant 0 : i32
    %dma_wait3A_79 = tpu.memref_slice %arg2[%arg0, %dma_wait3A_77, %dma_wait3A_78] : memref<2x10240x64xbf16, #tpu.memory_space<hbm>> -> memref<1x10240x64xbf16, #tpu.memory_space<hbm>>
    %dma_wait3A_80 = tpu.memref_squeeze %dma_wait3A_79 : memref<1x10240x64xbf16, #tpu.memory_space<hbm>> -> memref<10240x64xbf16, #tpu.memory_space<hbm>>
    %dma_wait3A_81 = arith.constant 0 : i32
    %dma_wait3A_82 = arith.constant 0 : i32
    %dma_wait3A_83 = tpu.memref_slice %dma_wait3A_80[%dma_wait3A_81, %dma_wait3A_82] : memref<10240x64xbf16, #tpu.memory_space<hbm>> -> memref<10240x64xbf16, #tpu.memory_space<hbm>>
    tpu.wait_indirect_dma semaphore(%arg13 : memref<!tpu.dma_semaphore, #tpu.memory_space<semaphore_mem>>) src(%dma_wait3A_83 : memref<10240x64xbf16, #tpu.memory_space<hbm>>) dst(%arg8 : memref<512x64xbf16, #tpu.memory_space<vmem>>)
    %run_scoped3A = arith.constant 38 : i32
    "tpu.region"() ({
      %run_scoped3A_90 = tpu.sem_alloc : memref<!tpu.dma_semaphore, #tpu.memory_space<semaphore_mem>>
      %dma_start3A_91 = arith.constant 0 : i32
      %dma_start3A_92 = tpu.memref_slice %arg7[%run_scoped3A, %dma_start3A_91] : memref<40x512xi32, #tpu.memory_space<vmem>> -> memref<1x512xi32, #tpu.memory_space<vmem>>
      %dma_start3A_93 = tpu.memref_squeeze %dma_start3A_92 : memref<1x512xi32, #tpu.memory_space<vmem>> -> memref<512xi32, #tpu.memory_space<vmem>>
      %dma_start3A_94 = arith.constant 0 : i32
      %dma_start3A_95 = arith.constant 0 : i32
      %dma_start3A_96 = tpu.memref_slice %arg11[%dma_start3A_94, %dma_start3A_95] : memref<10240x64xbf16, #tpu.memory_space<vmem_shared>> -> memref<10240x64xbf16, #tpu.memory_space<vmem_shared>>
      tpu.enqueue_indirect_dma source(%arg8 : memref<512x64xbf16, #tpu.memory_space<vmem>>) target(%dma_start3A_96 : memref<10240x64xbf16, #tpu.memory_space<vmem_shared>>) offsets(%dma_start3A_93 : memref<512xi32, #tpu.memory_space<vmem>>) semaphore(%run_scoped3A_90 : memref<!tpu.dma_semaphore, #tpu.memory_space<semaphore_mem>>) {add = true}
      %dma_wait3A_97 = arith.constant 0 : i32
      %dma_wait3A_98 = tpu.memref_slice %arg7[%run_scoped3A, %dma_wait3A_97] : memref<40x512xi32, #tpu.memory_space<vmem>> -> memref<1x512xi32, #tpu.memory_space<vmem>>
      %dma_wait3A_99 = tpu.memref_squeeze %dma_wait3A_98 : memref<1x512xi32, #tpu.memory_space<vmem>> -> memref<512xi32, #tpu.memory_space<vmem>>
      %dma_wait3A_100 = arith.constant 0 : i32
      %dma_wait3A_101 = arith.constant 0 : i32
      %dma_wait3A_102 = tpu.memref_slice %arg11[%dma_wait3A_100, %dma_wait3A_101] : memref<10240x64xbf16, #tpu.memory_space<vmem_shared>> -> memref<10240x64xbf16, #tpu.memory_space<vmem_shared>>
      tpu.wait_indirect_dma semaphore(%run_scoped3A_90 : memref<!tpu.dma_semaphore, #tpu.memory_space<semaphore_mem>>) src(%arg8 : memref<512x64xbf16, #tpu.memory_space<vmem>>) dst(%dma_wait3A_102 : memref<10240x64xbf16, #tpu.memory_space<vmem_shared>>)
      tpu.yield
    }) : () -> ()
    %eq3A_84 = arith.constant 0 : i32
    %eq3A_85 = arith.cmpi eq, %arg1, %eq3A_84 : i32
    %convert_element_type3A_86 = arith.extui %eq3A_85 : i1 to i32
    %cond3A_87 = arith.constant 0 : i32
    %cond3A_88 = arith.cmpi ne, %convert_element_type3A_86, %cond3A_87 : i32
    scf.if %cond3A_88 {
      %dma_start3A_90 = arith.constant 39 : i32
      %dma_start3A_91 = arith.constant 0 : i32
      %dma_start3A_92 = tpu.memref_slice %arg6[%dma_start3A_90, %dma_start3A_91] : memref<40x512xi32, #tpu.memory_space<vmem>> -> memref<1x512xi32, #tpu.memory_space<vmem>>
      %dma_start3A_93 = tpu.memref_squeeze %dma_start3A_92 : memref<1x512xi32, #tpu.memory_space<vmem>> -> memref<512xi32, #tpu.memory_space<vmem>>
      %dma_start3A_94 = arith.constant 0 : i32
      %dma_start3A_95 = arith.constant 0 : i32
      %dma_start3A_96 = tpu.memref_slice %arg2[%arg0, %dma_start3A_94, %dma_start3A_95] : memref<2x10240x64xbf16, #tpu.memory_space<hbm>> -> memref<1x10240x64xbf16, #tpu.memory_space<hbm>>
      %dma_start3A_97 = tpu.memref_squeeze %dma_start3A_96 : memref<1x10240x64xbf16, #tpu.memory_space<hbm>> -> memref<10240x64xbf16, #tpu.memory_space<hbm>>
      %dma_start3A_98 = arith.constant 0 : i32
      %dma_start3A_99 = arith.constant 0 : i32
      %dma_start3A_100 = tpu.memref_slice %dma_start3A_97[%dma_start3A_98, %dma_start3A_99] : memref<10240x64xbf16, #tpu.memory_space<hbm>> -> memref<10240x64xbf16, #tpu.memory_space<hbm>>
      tpu.enqueue_indirect_dma source(%dma_start3A_100 : memref<10240x64xbf16, #tpu.memory_space<hbm>>) target(%arg9 : memref<512x64xbf16, #tpu.memory_space<vmem>>) offsets(%dma_start3A_93 : memref<512xi32, #tpu.memory_space<vmem>>) semaphore(%arg14 : memref<!tpu.dma_semaphore, #tpu.memory_space<semaphore_mem>>)
      %dma_wait3A_101 = arith.constant 39 : i32
      %dma_wait3A_102 = arith.constant 0 : i32
      %dma_wait3A_103 = tpu.memref_slice %arg6[%dma_wait3A_101, %dma_wait3A_102] : memref<40x512xi32, #tpu.memory_space<vmem>> -> memref<1x512xi32, #tpu.memory_space<vmem>>
      %dma_wait3A_104 = tpu.memref_squeeze %dma_wait3A_103 : memref<1x512xi32, #tpu.memory_space<vmem>> -> memref<512xi32, #tpu.memory_space<vmem>>
      %dma_wait3A_105 = arith.constant 0 : i32
      %dma_wait3A_106 = arith.constant 0 : i32
      %dma_wait3A_107 = tpu.memref_slice %arg2[%arg0, %dma_wait3A_105, %dma_wait3A_106] : memref<2x10240x64xbf16, #tpu.memory_space<hbm>> -> memref<1x10240x64xbf16, #tpu.memory_space<hbm>>
      %dma_wait3A_108 = tpu.memref_squeeze %dma_wait3A_107 : memref<1x10240x64xbf16, #tpu.memory_space<hbm>> -> memref<10240x64xbf16, #tpu.memory_space<hbm>>
      %dma_wait3A_109 = arith.constant 0 : i32
      %dma_wait3A_110 = arith.constant 0 : i32
      %dma_wait3A_111 = tpu.memref_slice %dma_wait3A_108[%dma_wait3A_109, %dma_wait3A_110] : memref<10240x64xbf16, #tpu.memory_space<hbm>> -> memref<10240x64xbf16, #tpu.memory_space<hbm>>
      tpu.wait_indirect_dma semaphore(%arg14 : memref<!tpu.dma_semaphore, #tpu.memory_space<semaphore_mem>>) src(%dma_wait3A_111 : memref<10240x64xbf16, #tpu.memory_space<hbm>>) dst(%arg9 : memref<512x64xbf16, #tpu.memory_space<vmem>>)
      %run_scoped3A_112 = arith.constant 39 : i32
      "tpu.region"() ({
        %run_scoped3A_113 = tpu.sem_alloc : memref<!tpu.dma_semaphore, #tpu.memory_space<semaphore_mem>>
        %dma_start3A_114 = arith.constant 0 : i32
        %dma_start3A_115 = tpu.memref_slice %arg7[%run_scoped3A_112, %dma_start3A_114] : memref<40x512xi32, #tpu.memory_space<vmem>> -> memref<1x512xi32, #tpu.memory_space<vmem>>
        %dma_start3A_116 = tpu.memref_squeeze %dma_start3A_115 : memref<1x512xi32, #tpu.memory_space<vmem>> -> memref<512xi32, #tpu.memory_space<vmem>>
        %dma_start3A_117 = arith.constant 0 : i32
        %dma_start3A_118 = arith.constant 0 : i32
        %dma_start3A_119 = tpu.memref_slice %arg11[%dma_start3A_117, %dma_start3A_118] : memref<10240x64xbf16, #tpu.memory_space<vmem_shared>> -> memref<10240x64xbf16, #tpu.memory_space<vmem_shared>>
        tpu.enqueue_indirect_dma source(%arg9 : memref<512x64xbf16, #tpu.memory_space<vmem>>) target(%dma_start3A_119 : memref<10240x64xbf16, #tpu.memory_space<vmem_shared>>) offsets(%dma_start3A_116 : memref<512xi32, #tpu.memory_space<vmem>>) semaphore(%run_scoped3A_113 : memref<!tpu.dma_semaphore, #tpu.memory_space<semaphore_mem>>) {add = true}
        %dma_wait3A_120 = arith.constant 0 : i32
        %dma_wait3A_121 = tpu.memref_slice %arg7[%run_scoped3A_112, %dma_wait3A_120] : memref<40x512xi32, #tpu.memory_space<vmem>> -> memref<1x512xi32, #tpu.memory_space<vmem>>
        %dma_wait3A_122 = tpu.memref_squeeze %dma_wait3A_121 : memref<1x512xi32, #tpu.memory_space<vmem>> -> memref<512xi32, #tpu.memory_space<vmem>>
        %dma_wait3A_123 = arith.constant 0 : i32
        %dma_wait3A_124 = arith.constant 0 : i32
        %dma_wait3A_125 = tpu.memref_slice %arg11[%dma_wait3A_123, %dma_wait3A_124] : memref<10240x64xbf16, #tpu.memory_space<vmem_shared>> -> memref<10240x64xbf16, #tpu.memory_space<vmem_shared>>
        tpu.wait_indirect_dma semaphore(%run_scoped3A_113 : memref<!tpu.dma_semaphore, #tpu.memory_space<semaphore_mem>>) src(%arg9 : memref<512x64xbf16, #tpu.memory_space<vmem>>) dst(%dma_wait3A_125 : memref<10240x64xbf16, #tpu.memory_space<vmem_shared>>)
        tpu.yield
      }) : () -> ()
    } else {
    }
    %barrier3A_89 = arith.constant 0 : index
    tpu.barrier barrier_id(%barrier3A_89)
    "tpu.region"() ({
      %run_scoped3A_90 = tpu.sem_alloc : memref<!tpu.dma_semaphore, #tpu.memory_space<semaphore_mem>>
      %dma_start3A_91 = arith.constant 0 : i32
      %dma_start3A_92 = tpu.memref_slice %arg5[%arg0, %mul3A_0, %dma_start3A_91] : memref<2x10240x64xbf16, #tpu.memory_space<hbm>> -> memref<1x640x64xbf16, #tpu.memory_space<hbm>>
      %dma_start3A_93 = tpu.memref_squeeze %dma_start3A_92 : memref<1x640x64xbf16, #tpu.memory_space<hbm>> -> memref<640x64xbf16, #tpu.memory_space<hbm>>
      %dma_start3A_94 = arith.constant 0 : i32
      %dma_start3A_95 = tpu.memref_slice %arg11[%mul3A_0, %dma_start3A_94] : memref<10240x64xbf16, #tpu.memory_space<vmem_shared>> -> memref<640x64xbf16, #tpu.memory_space<vmem_shared>>
      tpu.enqueue_dma source(%dma_start3A_95 : memref<640x64xbf16, #tpu.memory_space<vmem_shared>>) target(%dma_start3A_93 : memref<640x64xbf16, #tpu.memory_space<hbm>>) target_semaphore(%run_scoped3A_90 : memref<!tpu.dma_semaphore, #tpu.memory_space<semaphore_mem>>)
      %dma_wait3A_96 = arith.constant 0 : i32
      %dma_wait3A_97 = tpu.memref_slice %arg5[%arg0, %mul3A_0, %dma_wait3A_96] : memref<2x10240x64xbf16, #tpu.memory_space<hbm>> -> memref<1x640x64xbf16, #tpu.memory_space<hbm>>
      %dma_wait3A_98 = tpu.memref_squeeze %dma_wait3A_97 : memref<1x640x64xbf16, #tpu.memory_space<hbm>> -> memref<640x64xbf16, #tpu.memory_space<hbm>>
      %dma_wait3A_99 = arith.constant 0 : i32
      %dma_wait3A_100 = tpu.memref_slice %arg11[%mul3A_0, %dma_wait3A_99] : memref<10240x64xbf16, #tpu.memory_space<vmem_shared>> -> memref<640x64xbf16, #tpu.memory_space<vmem_shared>>
      tpu.wait_dma2 semaphore(%run_scoped3A_90 : memref<!tpu.dma_semaphore, #tpu.memory_space<semaphore_mem>>) src(%dma_wait3A_100 : memref<640x64xbf16, #tpu.memory_space<vmem_shared>>) dst(%dma_wait3A_98 : memref<640x64xbf16, #tpu.memory_space<hbm>>)
      tpu.yield
    }) : () -> ()
    return
  }
}

module attributes {stable_mosaic.version = 14 : i64} {
  func.func @_k1a_body(%arg0: i32, %arg1: memref<5120x128xf32, #tpu.memory_space<vmem>>, %arg2: memref<1x64x128xf32, #tpu.memory_space<vmem>>, %arg3: memref<1x5120x64xbf16, #tpu.memory_space<vmem>>) attributes {dimension_semantics = [#tpu.dimension_semantics<arbitrary>], iteration_bounds = array<i64: 4>, scalar_prefetch = 0 : i64, scratch_operands = 0 : i64, tpu.core_type = #tpu.core_type<tc>, window_params = [{transform_indices = @transform_0, window_bounds = array<i64: 5120, 128>}, {transform_indices = @transform_1, window_bounds = array<i64: 1, 64, 128>}, {transform_indices = @transform_2, window_bounds = array<i64: 1, 5120, 64>}]} {
    %get3A = arith.constant 0 : index
    %get3A_0 = arith.constant 0 : index
    %get3A_1 = vector.load %arg1[%get3A, %get3A_0] : memref<5120x128xf32, #tpu.memory_space<vmem>>, vector<5120x128xf32>
    %get3A_2 = arith.constant 0 : index
    %get3A_3 = arith.constant 0 : index
    %get3A_4 = arith.constant 0 : index
    %get3A_5 = vector.load %arg2[%get3A_2, %get3A_3, %get3A_4] : memref<1x64x128xf32, #tpu.memory_space<vmem>>, vector<1x64x128xf32>
    %get3A_6 = vector.shape_cast %get3A_5 : vector<1x64x128xf32> to vector<64x128xf32>
    %transpose3A = tpu.transpose %get3A_6, [1, 0] : vector<64x128xf32> -> vector<128x64xf32>
    %dot_general3A = arith.constant dense<0.000000e+00> : vector<5120x64xf32>
    %dot_general3A_7 = tpu.matmul %get3A_1, %transpose3A, %dot_general3A {dimension_numbers = #tpu.dot_dimension_numbers<[1], [0], [0], [1], [0, 0, 1, 1], [], []>, precision = #tpu.contract_precision<fp32>, transpose_lhs_hint = false} : vector<5120x128xf32>, vector<128x64xf32>, vector<5120x64xf32> -> vector<5120x64xf32>
    %convert_element_type3A = arith.truncf %dot_general3A_7 : vector<5120x64xf32> to vector<5120x64xbf16>
    %swap3A = arith.constant 0 : index
    %swap3A_8 = arith.constant 0 : index
    %swap3A_9 = arith.constant 0 : index
    %swap3A_10 = vector.load %arg3[%swap3A, %swap3A_8, %swap3A_9] : memref<1x5120x64xbf16, #tpu.memory_space<vmem>>, vector<1x5120x64xbf16>
    %swap3A_11 = vector.shape_cast %swap3A_10 : vector<1x5120x64xbf16> to vector<5120x64xbf16>
    %swap3A_12 = vector.shape_cast %convert_element_type3A : vector<5120x64xbf16> to vector<1x5120x64xbf16>
    tpu.vector_store %arg3[%swap3A, %swap3A_8, %swap3A_9], %swap3A_12 {strides = array<i32>} : memref<1x5120x64xbf16, #tpu.memory_space<vmem>>, vector<1x5120x64xbf16>,
    return
  }
  func.func @transform_0(%arg0: i32) -> (i32, i32) {
    %jit3A = arith.constant 2 : i32
    %eq3A = arith.constant 0 : i32
    %eq3A_0 = arith.cmpi eq, %jit3A, %eq3A : i32
    %jit3A_1 = arith.constant 1 : i32
    %select_n3A = arith.select %eq3A_0, %jit3A_1, %jit3A : i32
    %rem3A = arith.remsi %arg0, %select_n3A : i32
    %ne3A = arith.constant 0 : i32
    %ne3A_2 = arith.cmpi ne, %rem3A, %ne3A : i32
    %lt3A = arith.constant 0 : i32
    %lt3A_3 = arith.cmpi slt, %rem3A, %lt3A : i32
    %lt3A_4 = arith.constant 0 : i32
    %lt3A_5 = arith.cmpi slt, %select_n3A, %lt3A_4 : i32
    %ne3A_6 = arith.xori %lt3A_3, %lt3A_5 : i1
    %and3A = arith.andi %ne3A_6, %ne3A_2 : i1
    %add3A = arith.addi %rem3A, %select_n3A : i32
    %select_n3A_7 = arith.select %and3A, %add3A, %rem3A : i32
    %c0_i32 = arith.constant 0 : i32
    %c0_i32_8 = arith.constant 0 : i32
    return %select_n3A_7, %c0_i32 : i32, i32
  }
  func.func @transform_1(%arg0: i32) -> (i32, i32, i32) {
    %jit3A = arith.constant 2 : i32
    %div3A = arith.divsi %arg0, %jit3A : i32
    %sign3A = arith.constant 0 : i32
    %sign3A_0 = arith.cmpi sgt, %arg0, %sign3A : i32
    %sign3A_1 = arith.extui %sign3A_0 : i1 to i32
    %sign3A_2 = arith.constant 0 : i32
    %sign3A_3 = arith.cmpi slt, %arg0, %sign3A_2 : i32
    %sign3A_4 = arith.extui %sign3A_3 : i1 to i32
    %sign3A_5 = arith.subi %sign3A_1, %sign3A_4 : i32
    %sign3A_6 = arith.constant 0 : i32
    %sign3A_7 = arith.cmpi sgt, %jit3A, %sign3A_6 : i32
    %sign3A_8 = arith.extui %sign3A_7 : i1 to i32
    %sign3A_9 = arith.constant 0 : i32
    %sign3A_10 = arith.cmpi slt, %jit3A, %sign3A_9 : i32
    %sign3A_11 = arith.extui %sign3A_10 : i1 to i32
    %sign3A_12 = arith.subi %sign3A_8, %sign3A_11 : i32
    %ne3A = arith.cmpi ne, %sign3A_5, %sign3A_12 : i32
    %rem3A = arith.remsi %arg0, %jit3A : i32
    %ne3A_13 = arith.constant 0 : i32
    %ne3A_14 = arith.cmpi ne, %rem3A, %ne3A_13 : i32
    %and3A = arith.andi %ne3A, %ne3A_14 : i1
    %sub3A = arith.constant 1 : i32
    %sub3A_15 = arith.subi %div3A, %sub3A : i32
    %select_n3A = arith.select %and3A, %sub3A_15, %div3A : i32
    %c0_i32 = arith.constant 0 : i32
    %c0_i32_16 = arith.constant 0 : i32
    %c0_i32_17 = arith.constant 0 : i32
    return %select_n3A, %c0_i32, %c0_i32_16 : i32, i32, i32
  }
  func.func @transform_2(%arg0: i32) -> (i32, i32, i32) {
    %jit3A = arith.constant 2 : i32
    %div3A = arith.divsi %arg0, %jit3A : i32
    %sign3A = arith.constant 0 : i32
    %sign3A_0 = arith.cmpi sgt, %arg0, %sign3A : i32
    %sign3A_1 = arith.extui %sign3A_0 : i1 to i32
    %sign3A_2 = arith.constant 0 : i32
    %sign3A_3 = arith.cmpi slt, %arg0, %sign3A_2 : i32
    %sign3A_4 = arith.extui %sign3A_3 : i1 to i32
    %sign3A_5 = arith.subi %sign3A_1, %sign3A_4 : i32
    %sign3A_6 = arith.constant 0 : i32
    %sign3A_7 = arith.cmpi sgt, %jit3A, %sign3A_6 : i32
    %sign3A_8 = arith.extui %sign3A_7 : i1 to i32
    %sign3A_9 = arith.constant 0 : i32
    %sign3A_10 = arith.cmpi slt, %jit3A, %sign3A_9 : i32
    %sign3A_11 = arith.extui %sign3A_10 : i1 to i32
    %sign3A_12 = arith.subi %sign3A_8, %sign3A_11 : i32
    %ne3A = arith.cmpi ne, %sign3A_5, %sign3A_12 : i32
    %rem3A = arith.remsi %arg0, %jit3A : i32
    %ne3A_13 = arith.constant 0 : i32
    %ne3A_14 = arith.cmpi ne, %rem3A, %ne3A_13 : i32
    %and3A = arith.andi %ne3A, %ne3A_14 : i1
    %sub3A = arith.constant 1 : i32
    %sub3A_15 = arith.subi %div3A, %sub3A : i32
    %select_n3A = arith.select %and3A, %sub3A_15, %div3A : i32
    %jit3A_16 = arith.constant 2 : i32
    %eq3A = arith.constant 0 : i32
    %eq3A_17 = arith.cmpi eq, %jit3A_16, %eq3A : i32
    %jit3A_18 = arith.constant 1 : i32
    %select_n3A_19 = arith.select %eq3A_17, %jit3A_18, %jit3A_16 : i32
    %rem3A_20 = arith.remsi %arg0, %select_n3A_19 : i32
    %ne3A_21 = arith.constant 0 : i32
    %ne3A_22 = arith.cmpi ne, %rem3A_20, %ne3A_21 : i32
    %lt3A = arith.constant 0 : i32
    %lt3A_23 = arith.cmpi slt, %rem3A_20, %lt3A : i32
    %lt3A_24 = arith.constant 0 : i32
    %lt3A_25 = arith.cmpi slt, %select_n3A_19, %lt3A_24 : i32
    %ne3A_26 = arith.xori %lt3A_23, %lt3A_25 : i1
    %and3A_27 = arith.andi %ne3A_26, %ne3A_22 : i1
    %add3A = arith.addi %rem3A_20, %select_n3A_19 : i32
    %select_n3A_28 = arith.select %and3A_27, %add3A, %rem3A_20 : i32
    %c0_i32 = arith.constant 0 : i32
    %c0_i32_29 = arith.constant 0 : i32
    return %select_n3A, %select_n3A_28, %c0_i32 : i32, i32, i32
  }
}

module attributes {stable_mosaic.version = 14 : i64} {
  func.func @_k1b_body(%arg0: i32, %arg1: memref<5120x128xf32, #tpu.memory_space<vmem>>, %arg2: memref<64x128xf32, #tpu.memory_space<vmem>>, %arg3: memref<64x128xf32, #tpu.memory_space<vmem>>, %arg4: memref<1x64xf32, #tpu.memory_space<vmem>>, %arg5: memref<1x64xf32, #tpu.memory_space<vmem>>, %arg6: memref<5120x64xf32, #tpu.memory_space<vmem>>) attributes {dimension_semantics = [#tpu.dimension_semantics<arbitrary>], iteration_bounds = array<i64: 2>, scalar_prefetch = 0 : i64, scratch_operands = 0 : i64, tpu.core_type = #tpu.core_type<tc>, window_params = [{transform_indices = @transform_0, window_bounds = array<i64: 5120, 128>}, {pipeline_mode = #tpu.pipeline_mode<synchronous>, transform_indices = @transform_1, window_bounds = array<i64: 64, 128>}, {pipeline_mode = #tpu.pipeline_mode<synchronous>, transform_indices = @transform_2, window_bounds = array<i64: 64, 128>}, {pipeline_mode = #tpu.pipeline_mode<synchronous>, transform_indices = @transform_3, window_bounds = array<i64: 1, 64>}, {pipeline_mode = #tpu.pipeline_mode<synchronous>, transform_indices = @transform_4, window_bounds = array<i64: 1, 64>}, {transform_indices = @transform_5, window_bounds = array<i64: 5120, 64>}]} {
    %get3A = arith.constant 0 : index
    %get3A_0 = arith.constant 0 : index
    %get3A_1 = vector.load %arg1[%get3A, %get3A_0] : memref<5120x128xf32, #tpu.memory_space<vmem>>, vector<5120x128xf32>
    %get3A_2 = arith.constant 0 : index
    %get3A_3 = arith.constant 0 : index
    %get3A_4 = vector.load %arg2[%get3A_2, %get3A_3] : memref<64x128xf32, #tpu.memory_space<vmem>>, vector<64x128xf32>
    %transpose3A = tpu.transpose %get3A_4, [1, 0] : vector<64x128xf32> -> vector<128x64xf32>
    %dot_general3A = arith.constant dense<0.000000e+00> : vector<5120x64xf32>
    %dot_general3A_5 = tpu.matmul %get3A_1, %transpose3A, %dot_general3A {dimension_numbers = #tpu.dot_dimension_numbers<[1], [0], [0], [1], [0, 0, 1, 1], [], []>, transpose_lhs_hint = false} : vector<5120x128xf32>, vector<128x64xf32>, vector<5120x64xf32> -> vector<5120x64xf32>
    %get3A_6 = arith.constant 0 : index
    %get3A_7 = arith.constant 0 : index
    %get3A_8 = vector.load %arg4[%get3A_6, %get3A_7] : memref<1x64xf32, #tpu.memory_space<vmem>>, vector<1x64xf32>
    %add3A = vector.broadcast %get3A_8 : vector<1x64xf32> to vector<5120x64xf32>
    %add3A_9 = arith.addf %dot_general3A_5, %add3A : vector<5120x64xf32>
    %get3A_10 = arith.constant 0 : index
    %get3A_11 = arith.constant 0 : index
    %get3A_12 = vector.load %arg3[%get3A_10, %get3A_11] : memref<64x128xf32, #tpu.memory_space<vmem>>, vector<64x128xf32>
    %transpose3A_13 = tpu.transpose %get3A_12, [1, 0] : vector<64x128xf32> -> vector<128x64xf32>
    %dot_general3A_14 = arith.constant dense<0.000000e+00> : vector<5120x64xf32>
    %dot_general3A_15 = tpu.matmul %get3A_1, %transpose3A_13, %dot_general3A_14 {dimension_numbers = #tpu.dot_dimension_numbers<[1], [0], [0], [1], [0, 0, 1, 1], [], []>, transpose_lhs_hint = false} : vector<5120x128xf32>, vector<128x64xf32>, vector<5120x64xf32> -> vector<5120x64xf32>
    %add3A_16 = arith.addf %add3A_9, %dot_general3A_15 : vector<5120x64xf32>
    %get3A_17 = arith.constant 0 : index
    %get3A_18 = arith.constant 0 : index
    %get3A_19 = vector.load %arg5[%get3A_17, %get3A_18] : memref<1x64xf32, #tpu.memory_space<vmem>>, vector<1x64xf32>
    %add3A_20 = vector.broadcast %get3A_19 : vector<1x64xf32> to vector<5120x64xf32>
    %add3A_21 = arith.addf %add3A_16, %add3A_20 : vector<5120x64xf32>
    %swap3A = arith.constant 0 : index
    %swap3A_22 = arith.constant 0 : index
    %swap3A_23 = vector.load %arg6[%swap3A, %swap3A_22] : memref<5120x64xf32, #tpu.memory_space<vmem>>, vector<5120x64xf32>
    tpu.vector_store %arg6[%swap3A, %swap3A_22], %add3A_21 {strides = array<i32>} : memref<5120x64xf32, #tpu.memory_space<vmem>>, vector<5120x64xf32>,
    return
  }
  func.func @transform_0(%arg0: i32) -> (i32, i32) {
    %c0_i32 = arith.constant 0 : i32
    %c0_i32_0 = arith.constant 0 : i32
    return %arg0, %c0_i32 : i32, i32
  }
  func.func @transform_1(%arg0: i32) -> (i32, i32) {
    %c0_i32 = arith.constant 0 : i32
    %c0_i32_0 = arith.constant 0 : i32
    %c0_i32_1 = arith.constant 0 : i32
    return %c0_i32, %c0_i32_0 : i32, i32
  }
  func.func @transform_2(%arg0: i32) -> (i32, i32) {
    %c0_i32 = arith.constant 0 : i32
    %c0_i32_0 = arith.constant 0 : i32
    %c0_i32_1 = arith.constant 0 : i32
    return %c0_i32, %c0_i32_0 : i32, i32
  }
  func.func @transform_3(%arg0: i32) -> (i32, i32) {
    %c0_i32 = arith.constant 0 : i32
    %c0_i32_0 = arith.constant 0 : i32
    %c0_i32_1 = arith.constant 0 : i32
    return %c0_i32, %c0_i32_0 : i32, i32
  }
  func.func @transform_4(%arg0: i32) -> (i32, i32) {
    %c0_i32 = arith.constant 0 : i32
    %c0_i32_0 = arith.constant 0 : i32
    %c0_i32_1 = arith.constant 0 : i32
    return %c0_i32, %c0_i32_0 : i32, i32
  }
  func.func @transform_5(%arg0: i32) -> (i32, i32) {
    %c0_i32 = arith.constant 0 : i32
    %c0_i32_0 = arith.constant 0 : i32
    return %arg0, %c0_i32 : i32, i32
  }
}

module attributes {stable_mosaic.version = 14 : i64} {
  func.func @_k2a_body(%arg0: i32, %arg1: memref<5120x64xf32, #tpu.memory_space<vmem>>, %arg2: memref<1x5120x64xbf16, #tpu.memory_space<vmem>>, %arg3: memref<1x5120x64xbf16, #tpu.memory_space<vmem>>, %arg4: memref<1x5120x16xf32, #tpu.memory_space<vmem>>, %arg5: memref<1x5120x16xf32, #tpu.memory_space<vmem>>, %arg6: memref<1x64x64xf32, #tpu.memory_space<vmem>>, %arg7: memref<1x5120x64xbf16, #tpu.memory_space<vmem>>) attributes {dimension_semantics = [#tpu.dimension_semantics<arbitrary>], iteration_bounds = array<i64: 4>, scalar_prefetch = 0 : i64, scratch_operands = 0 : i64, tpu.core_type = #tpu.core_type<tc>, window_params = [{transform_indices = @transform_0, window_bounds = array<i64: 5120, 64>}, {transform_indices = @transform_1, window_bounds = array<i64: 1, 5120, 64>}, {transform_indices = @transform_2, window_bounds = array<i64: 1, 5120, 64>}, {transform_indices = @transform_3, window_bounds = array<i64: 1, 5120, 16>}, {transform_indices = @transform_4, window_bounds = array<i64: 1, 5120, 16>}, {transform_indices = @transform_5, window_bounds = array<i64: 1, 64, 64>}, {transform_indices = @transform_6, window_bounds = array<i64: 1, 5120, 64>}]} {
    %get3A = arith.constant 0 : index
    %get3A_0 = arith.constant 0 : index
    %get3A_1 = arith.constant 0 : index
    %get3A_2 = vector.load %arg4[%get3A, %get3A_0, %get3A_1] : memref<1x5120x16xf32, #tpu.memory_space<vmem>>, vector<1x5120x16xf32>
    %get3A_3 = vector.shape_cast %get3A_2 : vector<1x5120x16xf32> to vector<5120x16xf32>
    %slice3A = vector.extract_strided_slice %get3A_3 {offsets = [0, 0], sizes = [5120, 1], strides = [1, 1]} : vector<5120x16xf32> to vector<5120x1xf32>
    %get3A_4 = arith.constant 0 : index
    %get3A_5 = arith.constant 0 : index
    %get3A_6 = arith.constant 0 : index
    %get3A_7 = vector.load %arg5[%get3A_4, %get3A_5, %get3A_6] : memref<1x5120x16xf32, #tpu.memory_space<vmem>>, vector<1x5120x16xf32>
    %get3A_8 = vector.shape_cast %get3A_7 : vector<1x5120x16xf32> to vector<5120x16xf32>
    %slice3A_9 = vector.extract_strided_slice %get3A_8 {offsets = [0, 0], sizes = [5120, 1], strides = [1, 1]} : vector<5120x16xf32> to vector<5120x1xf32>
    %get3A_10 = arith.constant 0 : index
    %get3A_11 = arith.constant 0 : index
    %get3A_12 = arith.constant 0 : index
    %get3A_13 = vector.load %arg2[%get3A_10, %get3A_11, %get3A_12] : memref<1x5120x64xbf16, #tpu.memory_space<vmem>>, vector<1x5120x64xbf16>
    %get3A_14 = vector.shape_cast %get3A_13 : vector<1x5120x64xbf16> to vector<5120x64xbf16>
    %convert_element_type3A = arith.extf %get3A_14 : vector<5120x64xbf16> to vector<5120x64xf32>
    %max3A = arith.constant 1.000000e+00 : f32
    %max3A_15 = vector.broadcast %max3A : f32 to vector<5120x1xf32>
    %max3A_16 = arith.maximumf %slice3A, %max3A_15 : vector<5120x1xf32>
    %div3A = vector.broadcast %max3A_16 : vector<5120x1xf32> to vector<5120x64xf32>
    %div3A_17 = arith.divf %convert_element_type3A, %div3A : vector<5120x64xf32>
    %get3A_18 = arith.constant 0 : index
    %get3A_19 = arith.constant 0 : index
    %get3A_20 = arith.constant 0 : index
    %get3A_21 = vector.load %arg3[%get3A_18, %get3A_19, %get3A_20] : memref<1x5120x64xbf16, #tpu.memory_space<vmem>>, vector<1x5120x64xbf16>
    %get3A_22 = vector.shape_cast %get3A_21 : vector<1x5120x64xbf16> to vector<5120x64xbf16>
    %convert_element_type3A_23 = arith.extf %get3A_22 : vector<5120x64xbf16> to vector<5120x64xf32>
    %max3A_24 = arith.constant 1.000000e+00 : f32
    %max3A_25 = vector.broadcast %max3A_24 : f32 to vector<5120x1xf32>
    %max3A_26 = arith.maximumf %slice3A_9, %max3A_25 : vector<5120x1xf32>
    %div3A_27 = vector.broadcast %max3A_26 : vector<5120x1xf32> to vector<5120x64xf32>
    %div3A_28 = arith.divf %convert_element_type3A_23, %div3A_27 : vector<5120x64xf32>
    %add3A = arith.addf %div3A_17, %div3A_28 : vector<5120x64xf32>
    %get3A_29 = arith.constant 0 : index
    %get3A_30 = arith.constant 0 : index
    %get3A_31 = vector.load %arg1[%get3A_29, %get3A_30] : memref<5120x64xf32, #tpu.memory_space<vmem>>, vector<5120x64xf32>
    %add3A_32 = arith.addf %get3A_31, %add3A : vector<5120x64xf32>
    %max3A_33 = arith.constant 0.000000e+00 : f32
    %max3A_34 = vector.broadcast %max3A_33 : f32 to vector<5120x64xf32>
    %max3A_35 = arith.maximumf %add3A_32, %max3A_34 : vector<5120x64xf32>
    %get3A_36 = arith.constant 0 : index
    %get3A_37 = arith.constant 0 : index
    %get3A_38 = arith.constant 0 : index
    %get3A_39 = vector.load %arg6[%get3A_36, %get3A_37, %get3A_38] : memref<1x64x64xf32, #tpu.memory_space<vmem>>, vector<1x64x64xf32>
    %get3A_40 = vector.shape_cast %get3A_39 : vector<1x64x64xf32> to vector<64x64xf32>
    %transpose3A = tpu.transpose %get3A_40, [1, 0] : vector<64x64xf32> -> vector<64x64xf32>
    %dot_general3A = arith.constant dense<0.000000e+00> : vector<5120x64xf32>
    %dot_general3A_41 = tpu.matmul %max3A_35, %transpose3A, %dot_general3A {dimension_numbers = #tpu.dot_dimension_numbers<[1], [0], [0], [1], [0, 0, 1, 1], [], []>, precision = #tpu.contract_precision<fp32>, transpose_lhs_hint = false} : vector<5120x64xf32>, vector<64x64xf32>, vector<5120x64xf32> -> vector<5120x64xf32>
    %convert_element_type3A_42 = arith.truncf %dot_general3A_41 : vector<5120x64xf32> to vector<5120x64xbf16>
    %swap3A = arith.constant 0 : index
    %swap3A_43 = arith.constant 0 : index
    %swap3A_44 = arith.constant 0 : index
    %swap3A_45 = vector.load %arg7[%swap3A, %swap3A_43, %swap3A_44] : memref<1x5120x64xbf16, #tpu.memory_space<vmem>>, vector<1x5120x64xbf16>
    %swap3A_46 = vector.shape_cast %swap3A_45 : vector<1x5120x64xbf16> to vector<5120x64xbf16>
    %swap3A_47 = vector.shape_cast %convert_element_type3A_42 : vector<5120x64xbf16> to vector<1x5120x64xbf16>
    tpu.vector_store %arg7[%swap3A, %swap3A_43, %swap3A_44], %swap3A_47 {strides = array<i32>} : memref<1x5120x64xbf16, #tpu.memory_space<vmem>>, vector<1x5120x64xbf16>,
    return
  }
  func.func @transform_0(%arg0: i32) -> (i32, i32) {
    %jit3A = arith.constant 2 : i32
    %eq3A = arith.constant 0 : i32
    %eq3A_0 = arith.cmpi eq, %jit3A, %eq3A : i32
    %jit3A_1 = arith.constant 1 : i32
    %select_n3A = arith.select %eq3A_0, %jit3A_1, %jit3A : i32
    %rem3A = arith.remsi %arg0, %select_n3A : i32
    %ne3A = arith.constant 0 : i32
    %ne3A_2 = arith.cmpi ne, %rem3A, %ne3A : i32
    %lt3A = arith.constant 0 : i32
    %lt3A_3 = arith.cmpi slt, %rem3A, %lt3A : i32
    %lt3A_4 = arith.constant 0 : i32
    %lt3A_5 = arith.cmpi slt, %select_n3A, %lt3A_4 : i32
    %ne3A_6 = arith.xori %lt3A_3, %lt3A_5 : i1
    %and3A = arith.andi %ne3A_6, %ne3A_2 : i1
    %add3A = arith.addi %rem3A, %select_n3A : i32
    %select_n3A_7 = arith.select %and3A, %add3A, %rem3A : i32
    %c0_i32 = arith.constant 0 : i32
    %c0_i32_8 = arith.constant 0 : i32
    return %select_n3A_7, %c0_i32 : i32, i32
  }
  func.func @transform_1(%arg0: i32) -> (i32, i32, i32) {
    %jit3A = arith.constant 2 : i32
    %eq3A = arith.constant 0 : i32
    %eq3A_0 = arith.cmpi eq, %jit3A, %eq3A : i32
    %jit3A_1 = arith.constant 1 : i32
    %select_n3A = arith.select %eq3A_0, %jit3A_1, %jit3A : i32
    %rem3A = arith.remsi %arg0, %select_n3A : i32
    %ne3A = arith.constant 0 : i32
    %ne3A_2 = arith.cmpi ne, %rem3A, %ne3A : i32
    %lt3A = arith.constant 0 : i32
    %lt3A_3 = arith.cmpi slt, %rem3A, %lt3A : i32
    %lt3A_4 = arith.constant 0 : i32
    %lt3A_5 = arith.cmpi slt, %select_n3A, %lt3A_4 : i32
    %ne3A_6 = arith.xori %lt3A_3, %lt3A_5 : i1
    %and3A = arith.andi %ne3A_6, %ne3A_2 : i1
    %add3A = arith.addi %rem3A, %select_n3A : i32
    %select_n3A_7 = arith.select %and3A, %add3A, %rem3A : i32
    %c0_i32 = arith.constant 0 : i32
    %c0_i32_8 = arith.constant 0 : i32
    %c0_i32_9 = arith.constant 0 : i32
    return %c0_i32, %select_n3A_7, %c0_i32_8 : i32, i32, i32
  }
  func.func @transform_2(%arg0: i32) -> (i32, i32, i32) {
    %jit3A = arith.constant 2 : i32
    %eq3A = arith.constant 0 : i32
    %eq3A_0 = arith.cmpi eq, %jit3A, %eq3A : i32
    %jit3A_1 = arith.constant 1 : i32
    %select_n3A = arith.select %eq3A_0, %jit3A_1, %jit3A : i32
    %rem3A = arith.remsi %arg0, %select_n3A : i32
    %ne3A = arith.constant 0 : i32
    %ne3A_2 = arith.cmpi ne, %rem3A, %ne3A : i32
    %lt3A = arith.constant 0 : i32
    %lt3A_3 = arith.cmpi slt, %rem3A, %lt3A : i32
    %lt3A_4 = arith.constant 0 : i32
    %lt3A_5 = arith.cmpi slt, %select_n3A, %lt3A_4 : i32
    %ne3A_6 = arith.xori %lt3A_3, %lt3A_5 : i1
    %and3A = arith.andi %ne3A_6, %ne3A_2 : i1
    %add3A = arith.addi %rem3A, %select_n3A : i32
    %select_n3A_7 = arith.select %and3A, %add3A, %rem3A : i32
    %c1_i32 = arith.constant 1 : i32
    %c0_i32 = arith.constant 0 : i32
    %c0_i32_8 = arith.constant 0 : i32
    return %c1_i32, %select_n3A_7, %c0_i32 : i32, i32, i32
  }
  func.func @transform_3(%arg0: i32) -> (i32, i32, i32) {
    %jit3A = arith.constant 2 : i32
    %eq3A = arith.constant 0 : i32
    %eq3A_0 = arith.cmpi eq, %jit3A, %eq3A : i32
    %jit3A_1 = arith.constant 1 : i32
    %select_n3A = arith.select %eq3A_0, %jit3A_1, %jit3A : i32
    %rem3A = arith.remsi %arg0, %select_n3A : i32
    %ne3A = arith.constant 0 : i32
    %ne3A_2 = arith.cmpi ne, %rem3A, %ne3A : i32
    %lt3A = arith.constant 0 : i32
    %lt3A_3 = arith.cmpi slt, %rem3A, %lt3A : i32
    %lt3A_4 = arith.constant 0 : i32
    %lt3A_5 = arith.cmpi slt, %select_n3A, %lt3A_4 : i32
    %ne3A_6 = arith.xori %lt3A_3, %lt3A_5 : i1
    %and3A = arith.andi %ne3A_6, %ne3A_2 : i1
    %add3A = arith.addi %rem3A, %select_n3A : i32
    %select_n3A_7 = arith.select %and3A, %add3A, %rem3A : i32
    %c0_i32 = arith.constant 0 : i32
    %c0_i32_8 = arith.constant 0 : i32
    %c0_i32_9 = arith.constant 0 : i32
    return %c0_i32, %select_n3A_7, %c0_i32_8 : i32, i32, i32
  }
  func.func @transform_4(%arg0: i32) -> (i32, i32, i32) {
    %jit3A = arith.constant 2 : i32
    %eq3A = arith.constant 0 : i32
    %eq3A_0 = arith.cmpi eq, %jit3A, %eq3A : i32
    %jit3A_1 = arith.constant 1 : i32
    %select_n3A = arith.select %eq3A_0, %jit3A_1, %jit3A : i32
    %rem3A = arith.remsi %arg0, %select_n3A : i32
    %ne3A = arith.constant 0 : i32
    %ne3A_2 = arith.cmpi ne, %rem3A, %ne3A : i32
    %lt3A = arith.constant 0 : i32
    %lt3A_3 = arith.cmpi slt, %rem3A, %lt3A : i32
    %lt3A_4 = arith.constant 0 : i32
    %lt3A_5 = arith.cmpi slt, %select_n3A, %lt3A_4 : i32
    %ne3A_6 = arith.xori %lt3A_3, %lt3A_5 : i1
    %and3A = arith.andi %ne3A_6, %ne3A_2 : i1
    %add3A = arith.addi %rem3A, %select_n3A : i32
    %select_n3A_7 = arith.select %and3A, %add3A, %rem3A : i32
    %c1_i32 = arith.constant 1 : i32
    %c0_i32 = arith.constant 0 : i32
    %c0_i32_8 = arith.constant 0 : i32
    return %c1_i32, %select_n3A_7, %c0_i32 : i32, i32, i32
  }
  func.func @transform_5(%arg0: i32) -> (i32, i32, i32) {
    %jit3A = arith.constant 2 : i32
    %div3A = arith.divsi %arg0, %jit3A : i32
    %sign3A = arith.constant 0 : i32
    %sign3A_0 = arith.cmpi sgt, %arg0, %sign3A : i32
    %sign3A_1 = arith.extui %sign3A_0 : i1 to i32
    %sign3A_2 = arith.constant 0 : i32
    %sign3A_3 = arith.cmpi slt, %arg0, %sign3A_2 : i32
    %sign3A_4 = arith.extui %sign3A_3 : i1 to i32
    %sign3A_5 = arith.subi %sign3A_1, %sign3A_4 : i32
    %sign3A_6 = arith.constant 0 : i32
    %sign3A_7 = arith.cmpi sgt, %jit3A, %sign3A_6 : i32
    %sign3A_8 = arith.extui %sign3A_7 : i1 to i32
    %sign3A_9 = arith.constant 0 : i32
    %sign3A_10 = arith.cmpi slt, %jit3A, %sign3A_9 : i32
    %sign3A_11 = arith.extui %sign3A_10 : i1 to i32
    %sign3A_12 = arith.subi %sign3A_8, %sign3A_11 : i32
    %ne3A = arith.cmpi ne, %sign3A_5, %sign3A_12 : i32
    %rem3A = arith.remsi %arg0, %jit3A : i32
    %ne3A_13 = arith.constant 0 : i32
    %ne3A_14 = arith.cmpi ne, %rem3A, %ne3A_13 : i32
    %and3A = arith.andi %ne3A, %ne3A_14 : i1
    %sub3A = arith.constant 1 : i32
    %sub3A_15 = arith.subi %div3A, %sub3A : i32
    %select_n3A = arith.select %and3A, %sub3A_15, %div3A : i32
    %c0_i32 = arith.constant 0 : i32
    %c0_i32_16 = arith.constant 0 : i32
    %c0_i32_17 = arith.constant 0 : i32
    return %select_n3A, %c0_i32, %c0_i32_16 : i32, i32, i32
  }
  func.func @transform_6(%arg0: i32) -> (i32, i32, i32) {
    %jit3A = arith.constant 2 : i32
    %div3A = arith.divsi %arg0, %jit3A : i32
    %sign3A = arith.constant 0 : i32
    %sign3A_0 = arith.cmpi sgt, %arg0, %sign3A : i32
    %sign3A_1 = arith.extui %sign3A_0 : i1 to i32
    %sign3A_2 = arith.constant 0 : i32
    %sign3A_3 = arith.cmpi slt, %arg0, %sign3A_2 : i32
    %sign3A_4 = arith.extui %sign3A_3 : i1 to i32
    %sign3A_5 = arith.subi %sign3A_1, %sign3A_4 : i32
    %sign3A_6 = arith.constant 0 : i32
    %sign3A_7 = arith.cmpi sgt, %jit3A, %sign3A_6 : i32
    %sign3A_8 = arith.extui %sign3A_7 : i1 to i32
    %sign3A_9 = arith.constant 0 : i32
    %sign3A_10 = arith.cmpi slt, %jit3A, %sign3A_9 : i32
    %sign3A_11 = arith.extui %sign3A_10 : i1 to i32
    %sign3A_12 = arith.subi %sign3A_8, %sign3A_11 : i32
    %ne3A = arith.cmpi ne, %sign3A_5, %sign3A_12 : i32
    %rem3A = arith.remsi %arg0, %jit3A : i32
    %ne3A_13 = arith.constant 0 : i32
    %ne3A_14 = arith.cmpi ne, %rem3A, %ne3A_13 : i32
    %and3A = arith.andi %ne3A, %ne3A_14 : i1
    %sub3A = arith.constant 1 : i32
    %sub3A_15 = arith.subi %div3A, %sub3A : i32
    %select_n3A = arith.select %and3A, %sub3A_15, %div3A : i32
    %jit3A_16 = arith.constant 2 : i32
    %eq3A = arith.constant 0 : i32
    %eq3A_17 = arith.cmpi eq, %jit3A_16, %eq3A : i32
    %jit3A_18 = arith.constant 1 : i32
    %select_n3A_19 = arith.select %eq3A_17, %jit3A_18, %jit3A_16 : i32
    %rem3A_20 = arith.remsi %arg0, %select_n3A_19 : i32
    %ne3A_21 = arith.constant 0 : i32
    %ne3A_22 = arith.cmpi ne, %rem3A_20, %ne3A_21 : i32
    %lt3A = arith.constant 0 : i32
    %lt3A_23 = arith.cmpi slt, %rem3A_20, %lt3A : i32
    %lt3A_24 = arith.constant 0 : i32
    %lt3A_25 = arith.cmpi slt, %select_n3A_19, %lt3A_24 : i32
    %ne3A_26 = arith.xori %lt3A_23, %lt3A_25 : i1
    %and3A_27 = arith.andi %ne3A_26, %ne3A_22 : i1
    %add3A = arith.addi %rem3A_20, %select_n3A_19 : i32
    %select_n3A_28 = arith.select %and3A_27, %add3A, %rem3A_20 : i32
    %c0_i32 = arith.constant 0 : i32
    %c0_i32_29 = arith.constant 0 : i32
    return %select_n3A, %select_n3A_28, %c0_i32 : i32, i32, i32
  }
}

module attributes {stable_mosaic.version = 14 : i64} {
  func.func @_k2b_body(%arg0: i32, %arg1: memref<5120x64xf32, #tpu.memory_space<vmem>>, %arg2: memref<1x5120x64xbf16, #tpu.memory_space<vmem>>, %arg3: memref<1x5120x64xbf16, #tpu.memory_space<vmem>>, %arg4: memref<1x5120x16xf32, #tpu.memory_space<vmem>>, %arg5: memref<1x5120x16xf32, #tpu.memory_space<vmem>>, %arg6: memref<64x64xf32, #tpu.memory_space<vmem>>, %arg7: memref<64x64xf32, #tpu.memory_space<vmem>>, %arg8: memref<1x64xf32, #tpu.memory_space<vmem>>, %arg9: memref<1x64xf32, #tpu.memory_space<vmem>>, %arg10: memref<5120x64xf32, #tpu.memory_space<vmem>>) attributes {dimension_semantics = [#tpu.dimension_semantics<arbitrary>], iteration_bounds = array<i64: 2>, scalar_prefetch = 0 : i64, scratch_operands = 0 : i64, tpu.core_type = #tpu.core_type<tc>, window_params = [{transform_indices = @transform_0, window_bounds = array<i64: 5120, 64>}, {transform_indices = @transform_1, window_bounds = array<i64: 1, 5120, 64>}, {transform_indices = @transform_2, window_bounds = array<i64: 1, 5120, 64>}, {transform_indices = @transform_3, window_bounds = array<i64: 1, 5120, 16>}, {transform_indices = @transform_4, window_bounds = array<i64: 1, 5120, 16>}, {pipeline_mode = #tpu.pipeline_mode<synchronous>, transform_indices = @transform_5, window_bounds = array<i64: 64, 64>}, {pipeline_mode = #tpu.pipeline_mode<synchronous>, transform_indices = @transform_6, window_bounds = array<i64: 64, 64>}, {pipeline_mode = #tpu.pipeline_mode<synchronous>, transform_indices = @transform_7, window_bounds = array<i64: 1, 64>}, {pipeline_mode = #tpu.pipeline_mode<synchronous>, transform_indices = @transform_8, window_bounds = array<i64: 1, 64>}, {transform_indices = @transform_9, window_bounds = array<i64: 5120, 64>}]} {
    %get3A = arith.constant 0 : index
    %get3A_0 = arith.constant 0 : index
    %get3A_1 = arith.constant 0 : index
    %get3A_2 = vector.load %arg4[%get3A, %get3A_0, %get3A_1] : memref<1x5120x16xf32, #tpu.memory_space<vmem>>, vector<1x5120x16xf32>
    %get3A_3 = vector.shape_cast %get3A_2 : vector<1x5120x16xf32> to vector<5120x16xf32>
    %slice3A = vector.extract_strided_slice %get3A_3 {offsets = [0, 0], sizes = [5120, 1], strides = [1, 1]} : vector<5120x16xf32> to vector<5120x1xf32>
    %get3A_4 = arith.constant 0 : index
    %get3A_5 = arith.constant 0 : index
    %get3A_6 = arith.constant 0 : index
    %get3A_7 = vector.load %arg5[%get3A_4, %get3A_5, %get3A_6] : memref<1x5120x16xf32, #tpu.memory_space<vmem>>, vector<1x5120x16xf32>
    %get3A_8 = vector.shape_cast %get3A_7 : vector<1x5120x16xf32> to vector<5120x16xf32>
    %slice3A_9 = vector.extract_strided_slice %get3A_8 {offsets = [0, 0], sizes = [5120, 1], strides = [1, 1]} : vector<5120x16xf32> to vector<5120x1xf32>
    %get3A_10 = arith.constant 0 : index
    %get3A_11 = arith.constant 0 : index
    %get3A_12 = arith.constant 0 : index
    %get3A_13 = vector.load %arg2[%get3A_10, %get3A_11, %get3A_12] : memref<1x5120x64xbf16, #tpu.memory_space<vmem>>, vector<1x5120x64xbf16>
    %get3A_14 = vector.shape_cast %get3A_13 : vector<1x5120x64xbf16> to vector<5120x64xbf16>
    %convert_element_type3A = arith.extf %get3A_14 : vector<5120x64xbf16> to vector<5120x64xf32>
    %max3A = arith.constant 1.000000e+00 : f32
    %max3A_15 = vector.broadcast %max3A : f32 to vector<5120x1xf32>
    %max3A_16 = arith.maximumf %slice3A, %max3A_15 : vector<5120x1xf32>
    %div3A = vector.broadcast %max3A_16 : vector<5120x1xf32> to vector<5120x64xf32>
    %div3A_17 = arith.divf %convert_element_type3A, %div3A : vector<5120x64xf32>
    %get3A_18 = arith.constant 0 : index
    %get3A_19 = arith.constant 0 : index
    %get3A_20 = arith.constant 0 : index
    %get3A_21 = vector.load %arg3[%get3A_18, %get3A_19, %get3A_20] : memref<1x5120x64xbf16, #tpu.memory_space<vmem>>, vector<1x5120x64xbf16>
    %get3A_22 = vector.shape_cast %get3A_21 : vector<1x5120x64xbf16> to vector<5120x64xbf16>
    %convert_element_type3A_23 = arith.extf %get3A_22 : vector<5120x64xbf16> to vector<5120x64xf32>
    %max3A_24 = arith.constant 1.000000e+00 : f32
    %max3A_25 = vector.broadcast %max3A_24 : f32 to vector<5120x1xf32>
    %max3A_26 = arith.maximumf %slice3A_9, %max3A_25 : vector<5120x1xf32>
    %div3A_27 = vector.broadcast %max3A_26 : vector<5120x1xf32> to vector<5120x64xf32>
    %div3A_28 = arith.divf %convert_element_type3A_23, %div3A_27 : vector<5120x64xf32>
    %add3A = arith.addf %div3A_17, %div3A_28 : vector<5120x64xf32>
    %get3A_29 = arith.constant 0 : index
    %get3A_30 = arith.constant 0 : index
    %get3A_31 = vector.load %arg1[%get3A_29, %get3A_30] : memref<5120x64xf32, #tpu.memory_space<vmem>>, vector<5120x64xf32>
    %add3A_32 = arith.addf %get3A_31, %add3A : vector<5120x64xf32>
    %max3A_33 = arith.constant 0.000000e+00 : f32
    %max3A_34 = vector.broadcast %max3A_33 : f32 to vector<5120x64xf32>
    %max3A_35 = arith.maximumf %add3A_32, %max3A_34 : vector<5120x64xf32>
    %get3A_36 = arith.constant 0 : index
    %get3A_37 = arith.constant 0 : index
    %get3A_38 = vector.load %arg6[%get3A_36, %get3A_37] : memref<64x64xf32, #tpu.memory_space<vmem>>, vector<64x64xf32>
    %transpose3A = tpu.transpose %get3A_38, [1, 0] : vector<64x64xf32> -> vector<64x64xf32>
    %dot_general3A = arith.constant dense<0.000000e+00> : vector<5120x64xf32>
    %dot_general3A_39 = tpu.matmul %max3A_35, %transpose3A, %dot_general3A {dimension_numbers = #tpu.dot_dimension_numbers<[1], [0], [0], [1], [0, 0, 1, 1], [], []>, transpose_lhs_hint = false} : vector<5120x64xf32>, vector<64x64xf32>, vector<5120x64xf32> -> vector<5120x64xf32>
    %get3A_40 = arith.constant 0 : index
    %get3A_41 = arith.constant 0 : index
    %get3A_42 = vector.load %arg8[%get3A_40, %get3A_41] : memref<1x64xf32, #tpu.memory_space<vmem>>, vector<1x64xf32>
    %add3A_43 = vector.broadcast %get3A_42 : vector<1x64xf32> to vector<5120x64xf32>
    %add3A_44 = arith.addf %dot_general3A_39, %add3A_43 : vector<5120x64xf32>
    %get3A_45 = arith.constant 0 : index
    %get3A_46 = arith.constant 0 : index
    %get3A_47 = vector.load %arg7[%get3A_45, %get3A_46] : memref<64x64xf32, #tpu.memory_space<vmem>>, vector<64x64xf32>
    %transpose3A_48 = tpu.transpose %get3A_47, [1, 0] : vector<64x64xf32> -> vector<64x64xf32>
    %dot_general3A_49 = arith.constant dense<0.000000e+00> : vector<5120x64xf32>
    %dot_general3A_50 = tpu.matmul %max3A_35, %transpose3A_48, %dot_general3A_49 {dimension_numbers = #tpu.dot_dimension_numbers<[1], [0], [0], [1], [0, 0, 1, 1], [], []>, transpose_lhs_hint = false} : vector<5120x64xf32>, vector<64x64xf32>, vector<5120x64xf32> -> vector<5120x64xf32>
    %add3A_51 = arith.addf %add3A_44, %dot_general3A_50 : vector<5120x64xf32>
    %get3A_52 = arith.constant 0 : index
    %get3A_53 = arith.constant 0 : index
    %get3A_54 = vector.load %arg9[%get3A_52, %get3A_53] : memref<1x64xf32, #tpu.memory_space<vmem>>, vector<1x64xf32>
    %add3A_55 = vector.broadcast %get3A_54 : vector<1x64xf32> to vector<5120x64xf32>
    %add3A_56 = arith.addf %add3A_51, %add3A_55 : vector<5120x64xf32>
    %swap3A = arith.constant 0 : index
    %swap3A_57 = arith.constant 0 : index
    %swap3A_58 = vector.load %arg10[%swap3A, %swap3A_57] : memref<5120x64xf32, #tpu.memory_space<vmem>>, vector<5120x64xf32>
    tpu.vector_store %arg10[%swap3A, %swap3A_57], %add3A_56 {strides = array<i32>} : memref<5120x64xf32, #tpu.memory_space<vmem>>, vector<5120x64xf32>,
    return
  }
  func.func @transform_0(%arg0: i32) -> (i32, i32) {
    %c0_i32 = arith.constant 0 : i32
    %c0_i32_0 = arith.constant 0 : i32
    return %arg0, %c0_i32 : i32, i32
  }
  func.func @transform_1(%arg0: i32) -> (i32, i32, i32) {
    %c0_i32 = arith.constant 0 : i32
    %c0_i32_0 = arith.constant 0 : i32
    %c0_i32_1 = arith.constant 0 : i32
    return %c0_i32, %arg0, %c0_i32_0 : i32, i32, i32
  }
  func.func @transform_2(%arg0: i32) -> (i32, i32, i32) {
    %c1_i32 = arith.constant 1 : i32
    %c0_i32 = arith.constant 0 : i32
    %c0_i32_0 = arith.constant 0 : i32
    return %c1_i32, %arg0, %c0_i32 : i32, i32, i32
  }
  func.func @transform_3(%arg0: i32) -> (i32, i32, i32) {
    %c0_i32 = arith.constant 0 : i32
    %c0_i32_0 = arith.constant 0 : i32
    %c0_i32_1 = arith.constant 0 : i32
    return %c0_i32, %arg0, %c0_i32_0 : i32, i32, i32
  }
  func.func @transform_4(%arg0: i32) -> (i32, i32, i32) {
    %c1_i32 = arith.constant 1 : i32
    %c0_i32 = arith.constant 0 : i32
    %c0_i32_0 = arith.constant 0 : i32
    return %c1_i32, %arg0, %c0_i32 : i32, i32, i32
  }
  func.func @transform_5(%arg0: i32) -> (i32, i32) {
    %c0_i32 = arith.constant 0 : i32
    %c0_i32_0 = arith.constant 0 : i32
    %c0_i32_1 = arith.constant 0 : i32
    return %c0_i32, %c0_i32_0 : i32, i32
  }
  func.func @transform_6(%arg0: i32) -> (i32, i32) {
    %c0_i32 = arith.constant 0 : i32
    %c0_i32_0 = arith.constant 0 : i32
    %c0_i32_1 = arith.constant 0 : i32
    return %c0_i32, %c0_i32_0 : i32, i32
  }
  func.func @transform_7(%arg0: i32) -> (i32, i32) {
    %c0_i32 = arith.constant 0 : i32
    %c0_i32_0 = arith.constant 0 : i32
    %c0_i32_1 = arith.constant 0 : i32
    return %c0_i32, %c0_i32_0 : i32, i32
  }
  func.func @transform_8(%arg0: i32) -> (i32, i32) {
    %c0_i32 = arith.constant 0 : i32
    %c0_i32_0 = arith.constant 0 : i32
    %c0_i32_1 = arith.constant 0 : i32
    return %c0_i32, %c0_i32_0 : i32, i32
  }
  func.func @transform_9(%arg0: i32) -> (i32, i32) {
    %c0_i32 = arith.constant 0 : i32
    %c0_i32_0 = arith.constant 0 : i32
    return %arg0, %c0_i32 : i32, i32
  }
}

module attributes {stable_mosaic.version = 14 : i64} {
  func.func @_k3_body(%arg0: i32, %arg1: memref<5120x64xf32, #tpu.memory_space<vmem>>, %arg2: memref<1x5120x64xbf16, #tpu.memory_space<vmem>>, %arg3: memref<1x5120x64xbf16, #tpu.memory_space<vmem>>, %arg4: memref<1x5120x16xf32, #tpu.memory_space<vmem>>, %arg5: memref<1x5120x16xf32, #tpu.memory_space<vmem>>, %arg6: memref<2x64xf32, #tpu.memory_space<vmem>>, %arg7: memref<1x2xf32, #tpu.memory_space<vmem>>, %arg8: memref<5120x2xf32, #tpu.memory_space<vmem>>) attributes {dimension_semantics = [#tpu.dimension_semantics<arbitrary>], iteration_bounds = array<i64: 2>, scalar_prefetch = 0 : i64, scratch_operands = 0 : i64, tpu.core_type = #tpu.core_type<tc>, window_params = [{transform_indices = @transform_0, window_bounds = array<i64: 5120, 64>}, {transform_indices = @transform_1, window_bounds = array<i64: 1, 5120, 64>}, {transform_indices = @transform_2, window_bounds = array<i64: 1, 5120, 64>}, {transform_indices = @transform_3, window_bounds = array<i64: 1, 5120, 16>}, {transform_indices = @transform_4, window_bounds = array<i64: 1, 5120, 16>}, {pipeline_mode = #tpu.pipeline_mode<synchronous>, transform_indices = @transform_5, window_bounds = array<i64: 2, 64>}, {pipeline_mode = #tpu.pipeline_mode<synchronous>, transform_indices = @transform_6, window_bounds = array<i64: 1, 2>}, {transform_indices = @transform_7, window_bounds = array<i64: 5120, 2>}]} {
    %get3A = arith.constant 0 : index
    %get3A_0 = arith.constant 0 : index
    %get3A_1 = arith.constant 0 : index
    %get3A_2 = vector.load %arg4[%get3A, %get3A_0, %get3A_1] : memref<1x5120x16xf32, #tpu.memory_space<vmem>>, vector<1x5120x16xf32>
    %get3A_3 = vector.shape_cast %get3A_2 : vector<1x5120x16xf32> to vector<5120x16xf32>
    %slice3A = vector.extract_strided_slice %get3A_3 {offsets = [0, 0], sizes = [5120, 1], strides = [1, 1]} : vector<5120x16xf32> to vector<5120x1xf32>
    %get3A_4 = arith.constant 0 : index
    %get3A_5 = arith.constant 0 : index
    %get3A_6 = arith.constant 0 : index
    %get3A_7 = vector.load %arg5[%get3A_4, %get3A_5, %get3A_6] : memref<1x5120x16xf32, #tpu.memory_space<vmem>>, vector<1x5120x16xf32>
    %get3A_8 = vector.shape_cast %get3A_7 : vector<1x5120x16xf32> to vector<5120x16xf32>
    %slice3A_9 = vector.extract_strided_slice %get3A_8 {offsets = [0, 0], sizes = [5120, 1], strides = [1, 1]} : vector<5120x16xf32> to vector<5120x1xf32>
    %get3A_10 = arith.constant 0 : index
    %get3A_11 = arith.constant 0 : index
    %get3A_12 = arith.constant 0 : index
    %get3A_13 = vector.load %arg2[%get3A_10, %get3A_11, %get3A_12] : memref<1x5120x64xbf16, #tpu.memory_space<vmem>>, vector<1x5120x64xbf16>
    %get3A_14 = vector.shape_cast %get3A_13 : vector<1x5120x64xbf16> to vector<5120x64xbf16>
    %convert_element_type3A = arith.extf %get3A_14 : vector<5120x64xbf16> to vector<5120x64xf32>
    %max3A = arith.constant 1.000000e+00 : f32
    %max3A_15 = vector.broadcast %max3A : f32 to vector<5120x1xf32>
    %max3A_16 = arith.maximumf %slice3A, %max3A_15 : vector<5120x1xf32>
    %div3A = vector.broadcast %max3A_16 : vector<5120x1xf32> to vector<5120x64xf32>
    %div3A_17 = arith.divf %convert_element_type3A, %div3A : vector<5120x64xf32>
    %get3A_18 = arith.constant 0 : index
    %get3A_19 = arith.constant 0 : index
    %get3A_20 = arith.constant 0 : index
    %get3A_21 = vector.load %arg3[%get3A_18, %get3A_19, %get3A_20] : memref<1x5120x64xbf16, #tpu.memory_space<vmem>>, vector<1x5120x64xbf16>
    %get3A_22 = vector.shape_cast %get3A_21 : vector<1x5120x64xbf16> to vector<5120x64xbf16>
    %convert_element_type3A_23 = arith.extf %get3A_22 : vector<5120x64xbf16> to vector<5120x64xf32>
    %max3A_24 = arith.constant 1.000000e+00 : f32
    %max3A_25 = vector.broadcast %max3A_24 : f32 to vector<5120x1xf32>
    %max3A_26 = arith.maximumf %slice3A_9, %max3A_25 : vector<5120x1xf32>
    %div3A_27 = vector.broadcast %max3A_26 : vector<5120x1xf32> to vector<5120x64xf32>
    %div3A_28 = arith.divf %convert_element_type3A_23, %div3A_27 : vector<5120x64xf32>
    %add3A = arith.addf %div3A_17, %div3A_28 : vector<5120x64xf32>
    %get3A_29 = arith.constant 0 : index
    %get3A_30 = arith.constant 0 : index
    %get3A_31 = vector.load %arg1[%get3A_29, %get3A_30] : memref<5120x64xf32, #tpu.memory_space<vmem>>, vector<5120x64xf32>
    %add3A_32 = arith.addf %get3A_31, %add3A : vector<5120x64xf32>
    %get3A_33 = arith.constant 0 : index
    %get3A_34 = arith.constant 0 : index
    %get3A_35 = vector.load %arg6[%get3A_33, %get3A_34] : memref<2x64xf32, #tpu.memory_space<vmem>>, vector<2x64xf32>
    %transpose3A = tpu.transpose %get3A_35, [1, 0] : vector<2x64xf32> -> vector<64x2xf32>
    %dot_general3A = arith.constant dense<0.000000e+00> : vector<5120x2xf32>
    %dot_general3A_36 = tpu.matmul %add3A_32, %transpose3A, %dot_general3A {dimension_numbers = #tpu.dot_dimension_numbers<[1], [0], [0], [1], [0, 0, 1, 1], [], []>, transpose_lhs_hint = false} : vector<5120x64xf32>, vector<64x2xf32>, vector<5120x2xf32> -> vector<5120x2xf32>
    %get3A_37 = arith.constant 0 : index
    %get3A_38 = arith.constant 0 : index
    %get3A_39 = vector.load %arg7[%get3A_37, %get3A_38] : memref<1x2xf32, #tpu.memory_space<vmem>>, vector<1x2xf32>
    %add3A_40 = vector.broadcast %get3A_39 : vector<1x2xf32> to vector<5120x2xf32>
    %add3A_41 = arith.addf %dot_general3A_36, %add3A_40 : vector<5120x2xf32>
    %swap3A = arith.constant 0 : index
    %swap3A_42 = arith.constant 0 : index
    %swap3A_43 = vector.load %arg8[%swap3A, %swap3A_42] : memref<5120x2xf32, #tpu.memory_space<vmem>>, vector<5120x2xf32>
    tpu.vector_store %arg8[%swap3A, %swap3A_42], %add3A_41 {strides = array<i32>} : memref<5120x2xf32, #tpu.memory_space<vmem>>, vector<5120x2xf32>,
    return
  }
  func.func @transform_0(%arg0: i32) -> (i32, i32) {
    %c0_i32 = arith.constant 0 : i32
    %c0_i32_0 = arith.constant 0 : i32
    return %arg0, %c0_i32 : i32, i32
  }
  func.func @transform_1(%arg0: i32) -> (i32, i32, i32) {
    %c0_i32 = arith.constant 0 : i32
    %c0_i32_0 = arith.constant 0 : i32
    %c0_i32_1 = arith.constant 0 : i32
    return %c0_i32, %arg0, %c0_i32_0 : i32, i32, i32
  }
  func.func @transform_2(%arg0: i32) -> (i32, i32, i32) {
    %c1_i32 = arith.constant 1 : i32
    %c0_i32 = arith.constant 0 : i32
    %c0_i32_0 = arith.constant 0 : i32
    return %c1_i32, %arg0, %c0_i32 : i32, i32, i32
  }
  func.func @transform_3(%arg0: i32) -> (i32, i32, i32) {
    %c0_i32 = arith.constant 0 : i32
    %c0_i32_0 = arith.constant 0 : i32
    %c0_i32_1 = arith.constant 0 : i32
    return %c0_i32, %arg0, %c0_i32_0 : i32, i32, i32
  }
  func.func @transform_4(%arg0: i32) -> (i32, i32, i32) {
    %c1_i32 = arith.constant 1 : i32
    %c0_i32 = arith.constant 0 : i32
    %c0_i32_0 = arith.constant 0 : i32
    return %c1_i32, %arg0, %c0_i32 : i32, i32, i32
  }
  func.func @transform_5(%arg0: i32) -> (i32, i32) {
    %c0_i32 = arith.constant 0 : i32
    %c0_i32_0 = arith.constant 0 : i32
    %c0_i32_1 = arith.constant 0 : i32
    return %c0_i32, %c0_i32_0 : i32, i32
  }
  func.func @transform_6(%arg0: i32) -> (i32, i32) {
    %c0_i32 = arith.constant 0 : i32
    %c0_i32_0 = arith.constant 0 : i32
    %c0_i32_1 = arith.constant 0 : i32
    return %c0_i32, %c0_i32_0 : i32, i32
  }
  func.func @transform_7(%arg0: i32) -> (i32, i32) {
    %c0_i32 = arith.constant 0 : i32
    %c0_i32_0 = arith.constant 0 : i32
    return %arg0, %c0_i32 : i32, i32
  }
}

</mosaic_0001>

<sc_bundles>
// kernel: kernel.12.cloned.1.call-start
scs
__scs_entry_jumppad:
0x0: {  	(pc) =	sbr.rel $0x88, $3  }
0x1: {  	(tag) =	ssettag $0x0;
	lr =	simm.s32 $0x1  }
0x2: {  	[smem:$0x3F90] =	sst lr;
	_ =	strace $0xD0000000  }
0x3: {  	_ = 	snop  }
0x4: {  	_ = 	snop  }
0x5: {  	_ = 	snop  }
0x6: {  	_ = 	snop  }
0x7: {  	_ = 	snop  }
__scs_overlays_trampoline_lowered:
0x8: {  	[smem:$0x3F9F] =	sst s0  }
0x9: {  	[smem:$0x3FA0] =	sst s1  }
0xa: {  	[smem:$0x3FA1] =	sst s2  }
0xb: {  	[smem:$0x3FA2] =	sst s3  }
0xc: {  	[smem:$0x3FA3] =	sst s4  }
0xd: {  	[smem:$0x3FA4] =	sst s5  }
0xe: {  	[smem:$0x3FA5] =	sst s6  }
0xf: {  	[smem:$0x3FA6] =	sst s7  }
0x10: {  	[smem:$0x3FA7] =	sst s8  }
0x11: {  	[smem:$0x3FA8] =	sst s9;
	s0 =	simm.s32 @!p0 $0x0  }
0x12: {  	s1 =	sld [smem:$0x3F8E];
	s0 =	simm.s32 @p0 $0x1  }
0x13: {  	[smem:$0x3FA9] =	sst s0;
	s0 =	simm.s32 @!p1 $0x0  }
0x14: {  	s2 =	sld [smem:$0x3F8D];
	s0 =	simm.s32 @p1 $0x1  }
0x15: {  	[smem:$0x3FAA] =	sst s0;
	s0 =	simm.s32 @!p2 $0x0  }
0x16: {  	s3 =	sld [smem:$0x3FDB];
	s0 =	simm.s32 @p2 $0x1  }
0x17: {  	s4 =	simm.s32 $0x1BF5;
	[smem:$0x3FAC] =	sst s0  }
0x18: {  	s0 =	sld [smem:$0x3F8F];
	_ =	swait.ge [sflag:s4], $0x0  }
0x19: {  	s7 =	sld [smem:$0x3F90]  }
0x1a: {  	s8 =	sadd.s32 $0xFFFFE003, lr  }
0x1b: {  	s9 =	sadd.s32 $0xFFFFFEF7, lr;
	s5 =	simm.s32 $0xFFFFFFFF;
	p2 =	slt.u32 s8, $0xFFFFF086  }
0x1c: {  	p1 =	slt.u32 s9, $0xF7A;
	s5 =	simm.s32 @!p2 $0x0  }
0x1d: {  	s5 =	simm.s32 @p1 $0x1;
	p0 =	seq.s32 s7, s2  }
0x1e: {  	s7 =	smul.u32 @!p0 $0xF7A, s2;
	p2 =	seq.s32 @!p0 s5, $0x0  }
0x1f: {  	s9 =	smul.u32 $0xF7A, s1;
	s8 =	simm.s32 @!p0 $0x1BF5;
	p2 =	por !p2, p0  }
0x20: {  	[sflag:s8] =	ssyncset.s32 @!p0 $0xFFFFF086;
	s6 =	sadd.s32 @!p0 s3, s7;
	s7 =	simm.s32 @!p0 $0x108  }
0x21: {  	s3 =	sadd.s32 s3, s9;
	s6 =	sadd.s32 @!p0 $0x88, s6;
	s7 =	simm.s32 @p2 $0x1082  }
0x22: {  	[simem:s7], [sflag:s8] =	dma.local @!p0 [hbm:s6], $0xF7A  }
0x23: {  	s9 =	sor.u32 $0xD0000000, s2;
	s6 =	simm.s32 $0x108;
	_ =	swait.ge @!p0 [sflag:s8], $0x0  }
0x24: {  	s3 =	sadd.s32 $0x88, s3;
	s6 =	simm.s32 @!p1 $0x1082;
	[sflag:s4] =	ssyncset.s32 $0xFFFFF086  }
0x25: {  	[simem:s6], [sflag:s4] =	dma.local [hbm:s3], $0xF7A  }
0x26: {  	[smem:$0x3F90] =	sst s1;
	(tag) =	ssettag s2;
	_ =	strace s9  }
0x27: {  	s1 =	sld [smem:$0x3FA0]  }
0x28: {  	s2 =	sld [smem:$0x3FA1]  }
0x29: {  	s4 =	sld [smem:$0x3FA3]  }
0x2a: {  	p0 =	seq.s32 s5, $0x0;
	s5 =	sld [smem:$0x3FA4]  }
0x2b: {  	s6 =	sld [smem:$0x3FA5]  }
0x2c: {  	s7 =	sld [smem:$0x3FA6]  }
0x2d: {  	s3 =	simm.s32 $0x108;
	s8 =	sld [smem:$0x3FA7]  }
0x2e: {  	s3 =	simm.s32 @!p0 $0x1082;
	s9 =	sld [smem:$0x3FA8]  }
0x2f: {  	lr =	sadd.s32 s0, s3;
	s0 =	sld [smem:$0x3F9F]  }
0x30: {  	s3 =	sld [smem:$0x3FA2]  }
0x31: {  	[smem:$0x3FAB] =	sst s10  }
0x32: {  	s10 =	sld [smem:$0x3FA9];
	_ =	sdelay $0x3  }
0x33: {  	p0 =	seq.s32 s10, $0x1;
	s10 =	sld [smem:$0x3FAB];
	_ =	sdelay $0x3  }
0x34: {  	[smem:$0x3FAB] =	sst s10  }
0x35: {  	s10 =	sld [smem:$0x3FAA];
	_ =	sdelay $0x3  }
0x36: {  	p1 =	seq.s32 s10, $0x1;
	s10 =	sld [smem:$0x3FAB];
	_ =	sdelay $0x3  }
0x37: {  	[smem:$0x3FAB] =	sst s10  }
0x38: {  	s10 =	sld [smem:$0x3FAC]  }
0x39: {  	_ = 	snop;
	(pc) =	sbr.ind lr, $3  }
0x3a: {  	_ = 	snop  }
0x3b: {  	_ = 	snop  }
0x3c: {  	p2 =	seq.s32 s10, $0x1;
	s10 =	sld [smem:$0x3FAB]  }
0x3d: {  	_ =	shalt  }
0x3e: {  	_ =	shalt  }
0x3f: {  	_ =	shalt  }
0x40: {  	_ =	shalt  }
0x41: {  	_ =	shalt  }
0x42: {  	_ =	shalt  }
0x43: {  	_ =	shalt  }
0x44: {  	_ =	shalt  }
0x45: {  	_ =	shalt  }
0x46: {  	_ =	shalt  }
0x47: {  	_ =	shalt  }
0x48: {  	_ =	shalt  }
0x49: {  	_ =	shalt  }
0x4a: {  	_ =	shalt  }
0x4b: {  	_ =	shalt  }
0x4c: {  	_ =	shalt  }
0x4d: {  	_ =	shalt  }
0x4e: {  	_ =	shalt  }
0x4f: {  	_ =	shalt  }
0x50: {  	_ =	shalt  }
0x51: {  	_ =	shalt  }
0x52: {  	_ =	shalt  }
0x53: {  	_ =	shalt  }
0x54: {  	_ =	shalt  }
0x55: {  	_ =	shalt  }
0x56: {  	_ =	shalt  }
0x57: {  	_ =	shalt  }
0x58: {  	_ =	shalt  }
0x59: {  	_ =	shalt  }
0x5a: {  	_ =	shalt  }
0x5b: {  	_ =	shalt  }
0x5c: {  	_ =	shalt  }
0x5d: {  	_ =	shalt  }
0x5e: {  	_ =	shalt  }
0x5f: {  	_ =	shalt  }
0x60: {  	_ =	shalt  }
0x61: {  	_ =	shalt  }
0x62: {  	_ =	shalt  }
0x63: {  	_ =	shalt  }
0x64: {  	_ =	shalt  }
0x65: {  	_ =	shalt  }
0x66: {  	_ =	shalt  }
0x67: {  	_ =	shalt  }
0x68: {  	_ =	shalt  }
0x69: {  	_ =	shalt  }
0x6a: {  	_ =	shalt  }
0x6b: {  	_ =	shalt  }
0x6c: {  	_ =	shalt  }
0x6d: {  	_ =	shalt  }
0x6e: {  	_ =	shalt  }
0x6f: {  	_ =	shalt  }
0x70: {  	_ =	shalt  }
0x71: {  	_ =	shalt  }
0x72: {  	_ =	shalt  }
0x73: {  	_ =	shalt  }
0x74: {  	_ =	shalt  }
0x75: {  	_ =	shalt  }
0x76: {  	_ =	shalt  }
0x77: {  	_ =	shalt  }
0x78: {  	_ =	shalt  }
0x79: {  	_ =	shalt  }
0x7a: {  	_ =	shalt  }
0x7b: {  	_ =	shalt  }
0x7c: {  	_ =	shalt  }
0x7d: {  	_ =	shalt  }
0x7e: {  	_ =	shalt  }
0x7f: {  	_ =	shalt  }
0x80: {  	_ =	shalt  }
0x81: {  	_ =	shalt  }
0x82: {  	_ =	shalt  }
0x83: {  	_ =	shalt  }
0x84: {  	_ =	shalt  }
0x85: {  	_ =	shalt  }
0x86: {  	_ =	shalt  }
0x87: {  	_ =	shalt  }
.Lfunc_end0:
.L_simem_size_0:
called_computation.1_lowered:
.L_overlay_start_0:
0x88: {  	s2 =	sld [smem:$0x3FD9]  }
0x89: {  	s3 =	sld [smem:$0x3FFE];
	_ =	sdelay $0x1  }
0x8a: {  	s1 =	srdreg.scid  }
0x8b: {  	s0 =	sand.u32 $0x1, s1  }
0x8c: {  	s16 =	sshll.u32 s0, $0xA;
	s2 =	sadd.s32 s3, s2  }
0x8d: {  	s2 =	sadd.s32 s2, s16  }
0x8e: {  	[smem:$0x3FB7] =	sst s2  }
0x8f: {  	_ = 	snop  }
0x90: {  	(tm) =	ssettm $0x1  }
0x91: {  	s17 =	sld [smem:$0x3FFB];
	_ =	sdelay $0x3  }
0x92: {  	_ =	strace s17  }
0x93: {  	s2 =	sld [smem:$0x3FFC];
	_ =	sdelay $0x3  }
0x94: {  	_ =	strace s2  }
0x95: {  	s2 =	sld [smem:$0x3FFD];
	_ =	sdelay $0x3  }
0x96: {  	_ =	strace s2  }
0x97: {  	_ =	strace $0x8FFFFFFF  }
0x98: {  	s18 =	sld [smem:$0x3FDB];
	_ =	sdelay $0x1  }
0x99: {  	s19 =	simm.s32 $_scs_section_size  }
0x9a: {  	s4 =	simm.s32 $_size__tile_overlayer_lowered;
	s5 =	simm.s32 $_tile_overlayer_lowered  }
0x9b: {  	s22 =	simm.s32 $0x1BFF;
	s21 =	sshll.u32 s5, $0x1;
	s2 =	sadd.s32 s19, s18  }
0x9c: {  	s6 =	simm.s32 $0x0;
	s20 =	sshll.u32 s4, $0x1;
	s4 =	sadd.s32 s21, s2  }
0x9d: {  	[timem:s6], [sflag:s22] =	dma.local [hbm:s4], s20  }
0x9e: {  	_ =	swait.ge [sflag:s22], s20  }
0x9f: {  	s3 =	ssub.s32 $0x0, s20;
	[sflag:s22] =	ssyncset.done $0x0  }
0xa0: {  	[sflag:s22] =	ssyncadd.s32 s3;
	_ =	sdelay $0x1  }
0xa1: {  	s23 =	simm.s32 $0x1B8B  }
0xa2: {  	_ =	swait.ge [sflag:s23], $0x1  }
0xa3: {  	[sflag:s23] =	ssyncset.done $0x0  }
0xa4: {  	s25 =	simm.s32 $0x1B8E;
	s24 =	sld [smem:$0x3FFE];
	[sflag:s23] =	ssyncadd.s32 $0xFFFFFFFF  }
0xa5: {  	s26 =	simm.s32 $execute0_lowered;
	[smem:$0x3FD2] =	sst s25  }
0xa6: {  	s4 =	sshll.u32 s26, $0x1;
	_ =	strace $0x80000049;
	[dreg:$0x1] =	wrdreg $0xFFFFFFFF  }
0xa7: {  	s28 =	simm.s32 $_size_execute0_lowered;
	s2 =	sadd.s32 s2, s4;
	[dreg:$0x0] =	wrdreg $0x0  }
0xa8: {  	s4 =	sshll.u32 s28, $0x1;
	[dreg:$0x2] =	wrdreg s2  }
0xa9: {  	[dreg:$0x3] =	wrdreg s4  }
0xaa: {  	[dreg:$0x4] =	wrdreg $0xC0  }
0xab: {  	_ =	task [dreg:s6], $0x5FFFF  }
0xac: {  	[dreg:$0x1] =	wrdreg $0xFFFFFFFF  }
0xad: {  	[dreg:$0x0] =	wrdreg $0x60  }
0xae: {  	[dreg:$0x2] =	wrdreg s24  }
0xaf: {  	[dreg:$0x3] =	wrdreg $0x120000  }
0xb0: {  	[dreg:$0x4] =	wrdreg $0x9  }
0xb1: {  	_ =	task.clear_ibuf [dreg:s6], $0x5FFFF;
	_ =	strace $0x90000049  }
0xb2: {  	s29 =	simm.s32 $0x9;
	_ =	strace $0x8000004B  }
0xb3: {  	_ =	swait.ge [sflag:s29], $0x1  }
0xb4: {  	[sflag:s29] =	ssyncadd.s32 $0xFFFFFFFF  }
0xb5: {  	_ =	strace $0x9000004B  }
0xb6: {  	_ =	sfence  }
0xb7: {  	s30 =	sld [smem:$0x0];
	_ =	sdelay $0x2  }
0xb8: {  	s31 =	sshll.u32 s1, $0xD;
	s1 =	sshrl.u32 s1, $0x2  }
0xb9: {  	s3 =	sand.u32 $0x4000, s31;
	s1 =	sadd.s32 s1, s30  }
0xba: {  	s0 =	sor.u32 s3, s0;
	s1 =	sshll.u32 s1, $0x11  }
0xbb: {  	s0 =	sor.u32 s1, s0  }
0xbc: {  	s0 =	sadd.s32 $0x8F2B, s0  }
0xbd: {  	[sflag:s0] =	ssyncadd.remote.s32 $0x1  }
0xbe: {  	_ =	sfence.sel $0xFFFF  }
0xbf: {  	[dreg:$0x0] =	wrdreg $0xFFFFFFFF;
	(pc) =	sbr.abs _section_cstart, $3  }
0xc0: {  	[dreg:$0x1] =	wrdreg $0xFFFFFFFF  }
0xc1: {  	_ =	task.clear_ibuf [dreg:s6], $0x2FFFF;
	_ =	strace $0x9FFFFFFF  }
0xc2: {  	(tm) =	ssettm $0x7FFFFFFF  }
0xc3: {  	_ =	shalt  }
tec
execute0_lowered:
.L_overlay_start_1:
0x0: {  	(tag) =	ssettag $0x1  }
0x1: {  	s7 =	rddreg [dreg:$0x0]  }
0x2: {  	s1 =	rddreg [dreg:$0x1];
	s2 =	srdreg.scid  }
0x3: {  	s0 =	rddreg [dreg:$0x2];
	s3 =	stileid.u32  }
0x4: {  	s12 =	simm.s32 $0x2E00;
	s13 =	simm.s32 $0xA000;
	s14 =	simm.s32 $0x3  }
0x5: {  	s15 =	simm.s32 $0x4;
	s16 =	simm.s32 $0x5000;
	s17 =	simm.s32 $0x4E00  }
0x6: {  	s18 =	simm.s32 $0x9E00;
	s19 =	simm.s32 $0x200;
	s6 =	smul.u32 $0xA000, s3  }
0x7: {  	s20 =	simm.s32 $0x1;
	s21 =	simm.s32 $0xE000;
	s9 =	smul.u32 $0x14000, s3  }
0x8: {  	s22 =	simm.s32 $0x2;
	s4 =	sand.u32 $0x1, s2;
	s31 =	smul.u32 $0x4E00, s3  }
0x9: {  	s23 =	simm.s32 $0x9C00;
	s2 =	simm.s32 $0x0;
	s5 =	smul.u32 $0xA0000, s4  }
0xa: {  	[smem:$0x7FF] =	sst s2;
	s10 =	ssub.s32 $0x2, s4;
	p0 =	seq.s32 s4, $0x1  }
0xb: {  	_ =	strace $0x8000004A;
	s28 =	sshrl.u32 s10, $0x1;
	s9 =	sshrl.u32 s9, $0x2  }
0xc: {  	s29 =	sshrl.u32 s6, $0x1;
	s12 =	simm.s32 @!p0 $0x16800;
	p0 =	sne.s32 s3, $0x0  }
0xd: {  	s8 =	sshrl.u32 s5, $0x4;
	s5 =	sadd.s32 s6, s5;
	s10 =	ssub.s32 s10, s28  }
0xe: {  	s30 =	sadd.s32 s9, s1;
	s4 =	sadd.s32 s29, s1;
	s9 =	sshrl.u32 s31, $0x3  }
0xf: {  	s12 =	sadd.s32 s12, s7;
	s8 =	sadd.s32 s8, s7;
	s5 =	sshrl.u32 s5, $0x4  }
0x10: {  	s9 =	sadd.s32 s12, s9;
	s11 =	sadd.s32 s5, s7;
	s5 =	sadd.s32 $0x4000, s30  }
0x11: {  	s6 =	sadd.s32 $0x2A200, s8;
	s8 =	smax.u32 s10, $0x1;
	s10 =	sadd.s32 $0x9C40, s9  }
0x12: {  	v0 =	vimm.bf16 $0.0e+00;
	s7 =	sadd.s32 $0x3E200, s11;
	s11 =	sadd.s32 $0x9C00, s12;
	s12 =	sadd.s32 $0x13840, s12  }
.LBB2_1:
0x13: {  	s24 =	simm.s32 $0x80;
	s25 =	simm.s32 $0x0  }
.LBB2_2:
0x14: {  	p1 =	sne.s32 s24, $0xFF80;
	[tilespmem:s25+$0xA000] =	vst v0;
	s26 =	smov.u32 s24;
	s24 =	sadd.s32 $0x80, s24  }
.Ltmp0:
0x15: {  	[tilespmem:s25+$0xA010] =	vst v0;
	(pc) =	sbr.rel @p1 .LBB2_2-.Ltmp0, $2  }
0x16: {  	_ =	sdelay $0x2  }
0x17: {  	s25 =	sshra.s32 s26, $0x2  }
0x18: {  	[tilespmem:s25+$0xA000] =	vst v0  }
0x19: {  	[tilespmem:s25+$0xA010] =	vst v0  }
0x1a: {  	[spmem:s4] =	stream.linear.scatter [tilespmem:s13], [sflag:$0x3], $0x4000, $0x38;
	[tilespmem:$0x17000] =	vst v63  }
0x1b: {  	_ = 	snop  }
0x1c: {  	[spmem:s5] =	stream.linear.scatter [tilespmem:s13], [sflag:$0x3], $0x1000, $0x38;
	[tilespmem:$0x17000] =	vst v63  }
0x1d: {  	_ =	swait.ge [sflag:s14], $0x4000  }
0x1e: {  	[sflag:s14] =	ssyncset.done $0x0  }
0x1f: {  	[sflag:s14] =	ssyncadd.s32 $0xFFFFC000  }
0x20: {  	_ =	swait.ge [sflag:s14], $0x1000  }
0x21: {  	[sflag:s14] =	ssyncset.done $0x0  }
0x22: {  	s24 =	simm.s32 $0x0;
	[sflag:s14] =	ssyncadd.s32 $0xFFFFF000  }
0x23: {  	[tilespmem:s24], [sflag:$0x4] =	stream.linear.gather [hbm4b:s9+s24], $0x4E00, $0x38;
	[tilespmem:$0x17000] =	vst v63  }
0x24: {  	_ =	swait.ge [sflag:s15], $0x4E00  }
0x25: {  	[sflag:s15] =	ssyncset.done $0x0  }
0x26: {  	[sflag:s15] =	ssyncadd.s32 $0xFFFFB200  }
0x27: {  	[tilespmem:s16], [sflag:$0x4] =	stream.linear.gather [hbm4b:s10+s24], $0x4E00, $0x38;
	[tilespmem:$0x17000] =	vst v63  }
0x28: {  	_ =	swait.ge [sflag:s15], $0x4E00  }
0x29: {  	[sflag:s15] =	ssyncset.done $0x0  }
0x2a: {  	[sflag:s15] =	ssyncadd.s32 $0xFFFFB200  }
0x2b: {  	[tilespmem:s17], [sflag:$0x4] =	stream.linear.gather [hbm4b:s11+s24], $0x200, $0x38;
	[tilespmem:$0x17000] =	vst v63  }
0x2c: {  	_ =	swait.ge [sflag:s15], $0x200  }
0x2d: {  	[sflag:s15] =	ssyncset.done $0x0  }
0x2e: {  	[sflag:s15] =	ssyncadd.s32 $0xFFFFFE00  }
0x2f: {  	[tilespmem:s18], [sflag:$0x4] =	stream.linear.gather [hbm4b:s12+s24], $0x200, $0x38;
	[tilespmem:$0x17000] =	vst v63  }
0x30: {  	_ =	swait.ge [sflag:s15], $0x200  }
0x31: {  	[sflag:s15] =	ssyncset.done $0x0  }
0x32: {  	[sflag:s15] =	ssyncadd.s32 $0xFFFFFE00  }
0x33: {  	[bflag:$0x0] =	sbarrier.arrive $0xFFFF  }
0x34: {  	[tilespmem:s13], [sflag:$0x1] =	stream.indirect.gather [hbm4b:s6+s19], $0x20, s24, s19, $0xb8;
	[tilespmem:$0x17000] =	vst v63  }
0x35: {  	_ =	swait.ge [sflag:s20], $0x4000  }
0x36: {  	[sflag:s20] =	ssyncset.done $0x0  }
0x37: {  	s28 =	simm.s32 $0x200;
	[sflag:s20] =	ssyncadd.s32 $0xFFFFC000  }
0x38: {  	[tilespmem:s21], [sflag:$0x2] =	stream.indirect.gather [hbm4b:s6+s19], $0x20, s28, s19, $0xb8;
	[tilespmem:$0x17000] =	vst v63  }
0x39: {  	s29 =	simm.s32 $0x5000  }
0x3a: {  	[spmem:s1] =	stream.indirect.scatter.add.bf16 [tilespmem:s13], [sflag:$0x4], $0x20, s29, s19, $0xb8;
	[tilespmem:$0x17000] =	vst v63  }
0x3b: {  	_ =	swait.ge [sflag:s15], $0x4000  }
0x3c: {  	[sflag:s15] =	ssyncset.done $0x0  }
0x3d: {  	[sflag:s15] =	ssyncadd.s32 $0xFFFFC000  }
0x3e: {  	_ =	swait.ge [sflag:s22], $0x4000  }
0x3f: {  	[sflag:s22] =	ssyncset.done $0x0  }
0x40: {  	s30 =	simm.s32 $0x400;
	[sflag:s22] =	ssyncadd.s32 $0xFFFFC000  }
0x41: {  	[tilespmem:s13], [sflag:$0x1] =	stream.indirect.gather [hbm4b:s6+s19], $0x20, s30, s19, $0xb8;
	[tilespmem:$0x17000] =	vst v63  }
0x42: {  	s31 =	simm.s32 $0x5200  }
0x43: {  	[spmem:s1] =	stream.indirect.scatter.add.bf16 [tilespmem:s21], [sflag:$0x4], $0x20, s31, s19, $0xb8;
	[tilespmem:$0x17000] =	vst v63  }
0x44: {  	_ =	swait.ge [sflag:s15], $0x4000  }
0x45: {  	s24 =	simm.s32 $0x1000;
	[sflag:s15] =	ssyncset.done $0x0  }
.LBB2_4:
0x46: {  	p1 =	sne.s32 s24, $0x12000  }
0x47: {  	[sflag:s15] =	ssyncadd.s32 $0xFFFFC000;
	s25 =	smov.u32 s24;
	s24 =	sadd.s32 $0x1000, s24  }
0x48: {  	_ = 	snop  }
0x49: {  	_ =	swait.ge [sflag:s20], $0x4000  }
0x4a: {  	s25 =	sshra.s32 s25, $0x2;
	[sflag:s20] =	ssyncset.done $0x0  }
0x4b: {  	s26 =	sadd.s32 $0x200, s25;
	[sflag:s20] =	ssyncadd.s32 $0xFFFFC000  }
0x4c: {  	[tilespmem:s21], [sflag:$0x2] =	stream.indirect.gather [hbm4b:s6+s19], $0x20, s26, s19, $0xb8;
	[tilespmem:$0x17000] =	vst v63  }
0x4d: {  	s26 =	sadd.s32 $0x5000, s25  }
0x4e: {  	[spmem:s1] =	stream.indirect.scatter.add.bf16 [tilespmem:s13], [sflag:$0x4], $0x20, s26, s19, $0xb8;
	[tilespmem:$0x17000] =	vst v63  }
0x4f: {  	_ =	swait.ge [sflag:s15], $0x4000  }
0x50: {  	[sflag:s15] =	ssyncset.done $0x0  }
0x51: {  	[sflag:s15] =	ssyncadd.s32 $0xFFFFC000  }
0x52: {  	_ =	swait.ge [sflag:s22], $0x4000  }
0x53: {  	[sflag:s22] =	ssyncset.done $0x0  }
0x54: {  	s26 =	sadd.s32 $0x400, s25;
	[sflag:s22] =	ssyncadd.s32 $0xFFFFC000  }
0x55: {  	[tilespmem:s13], [sflag:$0x1] =	stream.indirect.gather [hbm4b:s6+s19], $0x20, s26, s19, $0xb8;
	[tilespmem:$0x17000] =	vst v63  }
.Ltmp1:
0x56: {  	_ = 	snop;
	(pc) =	sbr.rel @p1 .LBB2_4-.Ltmp1, $4  }
0x57: {  	s25 =	sadd.s32 $0x5200, s25  }
0x58: {  	[spmem:s1] =	stream.indirect.scatter.add.bf16 [tilespmem:s21], [sflag:$0x4], $0x20, s25, s19, $0xb8;
	[tilespmem:$0x17000] =	vst v63  }
0x59: {  	_ =	swait.ge [sflag:s15], $0x4000  }
0x5a: {  	[sflag:s15] =	ssyncset.done $0x0  }
0x5b: {  	[sflag:s15] =	ssyncadd.s32 $0xFFFFC000  }
0x5c: {  	_ =	swait.ge [sflag:s20], $0x4000  }
0x5d: {  	[sflag:s20] =	ssyncset.done $0x0  }
0x5e: {  	[sflag:s20] =	ssyncadd.s32 $0xFFFFC000  }
0x5f: {  	[spmem:s1] =	stream.indirect.scatter.add.bf16 [tilespmem:s13], [sflag:$0x4], $0x20, s23, s19, $0xb8;
	[tilespmem:$0x17000] =	vst v63  }
0x60: {  	_ =	swait.ge [sflag:s15], $0x4000  }
0x61: {  	s24 =	simm.s32 @!p0 $0x200;
	[sflag:s15] =	ssyncset.done $0x0  }
0x62: {  	s25 =	simm.s32 @!p0 $0x4E00;
	s26 =	simm.s32 @!p0 $0xE000;
	[sflag:s15] =	ssyncadd.s32 $0xFFFFC000  }
0x63: {  	[tilespmem:s26], [sflag:$0x2] =	stream.indirect.gather @!p0 [hbm4b:s6+s24], $0x20, s25, s24, $0xb8;
	[tilespmem:$0x17000] =	vst v63  }
0x64: {  	s25 =	simm.s32 @!p0 $0x2  }
0x65: {  	_ =	swait.ge @!p0 [sflag:s25], $0x4000  }
0x66: {  	[sflag:s25] =	ssyncset.done @!p0 $0x0  }
0x67: {  	[sflag:s25] =	ssyncadd.s32 @!p0 $0xFFFFC000;
	s25 =	simm.s32 @!p0 $0x9E00  }
0x68: {  	[spmem:s1] =	stream.indirect.scatter.add.bf16 @!p0 [tilespmem:s26], [sflag:$0x4], $0x20, s25, s24, $0xb8;
	[tilespmem:$0x17000] =	vst v63  }
0x69: {  	s24 =	simm.s32 @!p0 $0x4  }
0x6a: {  	_ =	swait.ge @!p0 [sflag:s24], $0x4000  }
0x6b: {  	s30 =	sshll.u32 s3, $0x6;
	s2 =	sadd.s32 $0x1, s2;
	[sflag:s24] =	ssyncset.done @!p0 $0x0  }
0x6c: {  	s31 =	sshrl.u32 s4, $0x3;
	p1 =	sne.s32 s2, s8;
	[sflag:s24] =	ssyncadd.s32 @!p0 $0xFFFFC000  }
.Ltmp2:
0x6d: {  	s24 =	sor.u32 $0x1C04, s30;
	[bflag:$0x0] =	sbarrier.arrive $0xFFFF;
	(pc) =	sbr.rel @p1 .LBB2_1-.Ltmp2, $4  }
0x6e: {  	[hbm:s7], [sflag:s24] =	dma.local [spmem:s31], $0xA00  }
0x6f: {  	_ =	swait.ge [sflag:s15], $0xA00  }
0x70: {  	[sflag:s15] =	ssyncset.done $0x0  }
0x71: {  	[sflag:s15] =	ssyncadd.s32 $0xFFFFF600  }
0x72: {  	_ =	sfence.sel $0x180000  }
0x73: {  	[bflag:$0x0] =	sbarrier.arrive $0xFFFF  }
0x74: {  	_ =	strace $0x9000004A  }
0x75: {  	s0 =	sadd.s32 @!p0 $0x100000, s0;
	[bflag:$0x2] =	sbarrier.arrive $0xFFFF  }
0x76: {  	[sflag:s0] =	ssyncadd.tile.s32 @!p0 $0x1;
	_ =	shalt  }
.Lfunc_end2:
_tile_overlayer_lowered:
.L_overlay_start_2:
0x77: {  	(tag) =	ssettag $0x2  }
0x78: {  	s0 =	rddreg [dreg:$0x0];
	s2 =	stileid.u32  }
0x79: {  	s1 =	rddreg [dreg:$0x1];
	p0 =	sne.s32 s2, $0x0  }
0x7a: {  	s3 =	rddreg [dreg:$0x2];
	[bflag:$0x3] =	sbarrier.arrive $0xFFFF;
	s2 =	simm.s32 @!p0 $0x1C04  }
0x7b: {  	[timem:s3], [sflag:s2] =	dma.local @!p0 [hbm:s0], s1  }
0x7c: {  	s0 =	simm.s32 @!p0 $0x4  }
0x7d: {  	_ =	swait.ge @!p0 [sflag:s0], s1  }
0x7e: {  	s1 =	ssub.s32 @!p0 $0x0, s1;
	[sflag:s0] =	ssyncset.done @!p0 $0x0  }
0x7f: {  	[sflag:s0] =	ssyncadd.s32 @!p0 s1  }
0x80: {  	[bflag:$0x3] =	sbarrier.arrive $0xFFFF  }
0x81: {  	_ =	shalt  }

// kernel: kernel.9.cloned.1.call-start
scs
__scs_entry_jumppad:
0x0: {  	(pc) =	sbr.rel $0x88, $3  }
0x1: {  	(tag) =	ssettag $0x0;
	lr =	simm.s32 $0x1  }
0x2: {  	[smem:$0x3F90] =	sst lr;
	_ =	strace $0xD0000000  }
0x3: {  	_ = 	snop  }
0x4: {  	_ = 	snop  }
0x5: {  	_ = 	snop  }
0x6: {  	_ = 	snop  }
0x7: {  	_ = 	snop  }
__scs_overlays_trampoline_lowered:
0x8: {  	[smem:$0x3F9F] =	sst s0  }
0x9: {  	[smem:$0x3FA0] =	sst s1  }
0xa: {  	[smem:$0x3FA1] =	sst s2  }
0xb: {  	[smem:$0x3FA2] =	sst s3  }
0xc: {  	[smem:$0x3FA3] =	sst s4  }
0xd: {  	[smem:$0x3FA4] =	sst s5  }
0xe: {  	[smem:$0x3FA5] =	sst s6  }
0xf: {  	[smem:$0x3FA6] =	sst s7  }
0x10: {  	[smem:$0x3FA7] =	sst s8  }
0x11: {  	[smem:$0x3FA8] =	sst s9;
	s0 =	simm.s32 @!p0 $0x0  }
0x12: {  	s1 =	sld [smem:$0x3F8E];
	s0 =	simm.s32 @p0 $0x1  }
0x13: {  	[smem:$0x3FA9] =	sst s0;
	s0 =	simm.s32 @!p1 $0x0  }
0x14: {  	s2 =	sld [smem:$0x3F8D];
	s0 =	simm.s32 @p1 $0x1  }
0x15: {  	[smem:$0x3FAA] =	sst s0;
	s0 =	simm.s32 @!p2 $0x0  }
0x16: {  	s3 =	sld [smem:$0x3FDB];
	s0 =	simm.s32 @p2 $0x1  }
0x17: {  	s4 =	simm.s32 $0x1BF5;
	[smem:$0x3FAC] =	sst s0  }
0x18: {  	s0 =	sld [smem:$0x3F8F];
	_ =	swait.ge [sflag:s4], $0x0  }
0x19: {  	s7 =	sld [smem:$0x3F90]  }
0x1a: {  	s8 =	sadd.s32 $0xFFFFE003, lr  }
0x1b: {  	s9 =	sadd.s32 $0xFFFFFEF7, lr;
	s5 =	simm.s32 $0xFFFFFFFF;
	p2 =	slt.u32 s8, $0xFFFFF086  }
0x1c: {  	p1 =	slt.u32 s9, $0xF7A;
	s5 =	simm.s32 @!p2 $0x0  }
0x1d: {  	s5 =	simm.s32 @p1 $0x1;
	p0 =	seq.s32 s7, s2  }
0x1e: {  	s7 =	smul.u32 @!p0 $0xF7A, s2;
	p2 =	seq.s32 @!p0 s5, $0x0  }
0x1f: {  	s9 =	smul.u32 $0xF7A, s1;
	s8 =	simm.s32 @!p0 $0x1BF5;
	p2 =	por !p2, p0  }
0x20: {  	[sflag:s8] =	ssyncset.s32 @!p0 $0xFFFFF086;
	s6 =	sadd.s32 @!p0 s3, s7;
	s7 =	simm.s32 @!p0 $0x108  }
0x21: {  	s3 =	sadd.s32 s3, s9;
	s6 =	sadd.s32 @!p0 $0x88, s6;
	s7 =	simm.s32 @p2 $0x1082  }
0x22: {  	[simem:s7], [sflag:s8] =	dma.local @!p0 [hbm:s6], $0xF7A  }
0x23: {  	s9 =	sor.u32 $0xD0000000, s2;
	s6 =	simm.s32 $0x108;
	_ =	swait.ge @!p0 [sflag:s8], $0x0  }
0x24: {  	s3 =	sadd.s32 $0x88, s3;
	s6 =	simm.s32 @!p1 $0x1082;
	[sflag:s4] =	ssyncset.s32 $0xFFFFF086  }
0x25: {  	[simem:s6], [sflag:s4] =	dma.local [hbm:s3], $0xF7A  }
0x26: {  	[smem:$0x3F90] =	sst s1;
	(tag) =	ssettag s2;
	_ =	strace s9  }
0x27: {  	s1 =	sld [smem:$0x3FA0]  }
0x28: {  	s2 =	sld [smem:$0x3FA1]  }
0x29: {  	s4 =	sld [smem:$0x3FA3]  }
0x2a: {  	p0 =	seq.s32 s5, $0x0;
	s5 =	sld [smem:$0x3FA4]  }
0x2b: {  	s6 =	sld [smem:$0x3FA5]  }
0x2c: {  	s7 =	sld [smem:$0x3FA6]  }
0x2d: {  	s3 =	simm.s32 $0x108;
	s8 =	sld [smem:$0x3FA7]  }
0x2e: {  	s3 =	simm.s32 @!p0 $0x1082;
	s9 =	sld [smem:$0x3FA8]  }
0x2f: {  	lr =	sadd.s32 s0, s3;
	s0 =	sld [smem:$0x3F9F]  }
0x30: {  	s3 =	sld [smem:$0x3FA2]  }
0x31: {  	[smem:$0x3FAB] =	sst s10  }
0x32: {  	s10 =	sld [smem:$0x3FA9];
	_ =	sdelay $0x3  }
0x33: {  	p0 =	seq.s32 s10, $0x1;
	s10 =	sld [smem:$0x3FAB];
	_ =	sdelay $0x3  }
0x34: {  	[smem:$0x3FAB] =	sst s10  }
0x35: {  	s10 =	sld [smem:$0x3FAA];
	_ =	sdelay $0x3  }
0x36: {  	p1 =	seq.s32 s10, $0x1;
	s10 =	sld [smem:$0x3FAB];
	_ =	sdelay $0x3  }
0x37: {  	[smem:$0x3FAB] =	sst s10  }
0x38: {  	s10 =	sld [smem:$0x3FAC]  }
0x39: {  	_ = 	snop;
	(pc) =	sbr.ind lr, $3  }
0x3a: {  	_ = 	snop  }
0x3b: {  	_ = 	snop  }
0x3c: {  	p2 =	seq.s32 s10, $0x1;
	s10 =	sld [smem:$0x3FAB]  }
0x3d: {  	_ =	shalt  }
0x3e: {  	_ =	shalt  }
0x3f: {  	_ =	shalt  }
0x40: {  	_ =	shalt  }
0x41: {  	_ =	shalt  }
0x42: {  	_ =	shalt  }
0x43: {  	_ =	shalt  }
0x44: {  	_ =	shalt  }
0x45: {  	_ =	shalt  }
0x46: {  	_ =	shalt  }
0x47: {  	_ =	shalt  }
0x48: {  	_ =	shalt  }
0x49: {  	_ =	shalt  }
0x4a: {  	_ =	shalt  }
0x4b: {  	_ =	shalt  }
0x4c: {  	_ =	shalt  }
0x4d: {  	_ =	shalt  }
0x4e: {  	_ =	shalt  }
0x4f: {  	_ =	shalt  }
0x50: {  	_ =	shalt  }
0x51: {  	_ =	shalt  }
0x52: {  	_ =	shalt  }
0x53: {  	_ =	shalt  }
0x54: {  	_ =	shalt  }
0x55: {  	_ =	shalt  }
0x56: {  	_ =	shalt  }
0x57: {  	_ =	shalt  }
0x58: {  	_ =	shalt  }
0x59: {  	_ =	shalt  }
0x5a: {  	_ =	shalt  }
0x5b: {  	_ =	shalt  }
0x5c: {  	_ =	shalt  }
0x5d: {  	_ =	shalt  }
0x5e: {  	_ =	shalt  }
0x5f: {  	_ =	shalt  }
0x60: {  	_ =	shalt  }
0x61: {  	_ =	shalt  }
0x62: {  	_ =	shalt  }
0x63: {  	_ =	shalt  }
0x64: {  	_ =	shalt  }
0x65: {  	_ =	shalt  }
0x66: {  	_ =	shalt  }
0x67: {  	_ =	shalt  }
0x68: {  	_ =	shalt  }
0x69: {  	_ =	shalt  }
0x6a: {  	_ =	shalt  }
0x6b: {  	_ =	shalt  }
0x6c: {  	_ =	shalt  }
0x6d: {  	_ =	shalt  }
0x6e: {  	_ =	shalt  }
0x6f: {  	_ =	shalt  }
0x70: {  	_ =	shalt  }
0x71: {  	_ =	shalt  }
0x72: {  	_ =	shalt  }
0x73: {  	_ =	shalt  }
0x74: {  	_ =	shalt  }
0x75: {  	_ =	shalt  }
0x76: {  	_ =	shalt  }
0x77: {  	_ =	shalt  }
0x78: {  	_ =	shalt  }
0x79: {  	_ =	shalt  }
0x7a: {  	_ =	shalt  }
0x7b: {  	_ =	shalt  }
0x7c: {  	_ =	shalt  }
0x7d: {  	_ =	shalt  }
0x7e: {  	_ =	shalt  }
0x7f: {  	_ =	shalt  }
0x80: {  	_ =	shalt  }
0x81: {  	_ =	shalt  }
0x82: {  	_ =	shalt  }
0x83: {  	_ =	shalt  }
0x84: {  	_ =	shalt  }
0x85: {  	_ =	shalt  }
0x86: {  	_ =	shalt  }
0x87: {  	_ =	shalt  }
.Lfunc_end0:
.L_simem_size_0:
called_computation_lowered:
.L_overlay_start_0:
0x88: {  	s2 =	sld [smem:$0x3FD9]  }
0x89: {  	s3 =	sld [smem:$0x3FFE];
	_ =	sdelay $0x1  }
0x8a: {  	s1 =	srdreg.scid  }
0x8b: {  	s0 =	sand.u32 $0x1, s1  }
0x8c: {  	s16 =	sshll.u32 s0, $0xA;
	s2 =	sadd.s32 s3, s2  }
0x8d: {  	s2 =	sadd.s32 s2, s16  }
0x8e: {  	[smem:$0x3FB7] =	sst s2  }
0x8f: {  	_ = 	snop  }
0x90: {  	(tm) =	ssettm $0x1  }
0x91: {  	s17 =	sld [smem:$0x3FFB];
	_ =	sdelay $0x3  }
0x92: {  	_ =	strace s17  }
0x93: {  	s2 =	sld [smem:$0x3FFC];
	_ =	sdelay $0x3  }
0x94: {  	_ =	strace s2  }
0x95: {  	s2 =	sld [smem:$0x3FFD];
	_ =	sdelay $0x3  }
0x96: {  	_ =	strace s2  }
0x97: {  	_ =	strace $0x8FFFFFFF  }
0x98: {  	s18 =	sld [smem:$0x3FDB];
	_ =	sdelay $0x1  }
0x99: {  	s19 =	simm.s32 $_scs_section_size  }
0x9a: {  	s4 =	simm.s32 $_size__tile_overlayer_lowered;
	s5 =	simm.s32 $_tile_overlayer_lowered  }
0x9b: {  	s22 =	simm.s32 $0x1BFF;
	s21 =	sshll.u32 s5, $0x1;
	s2 =	sadd.s32 s19, s18  }
0x9c: {  	s6 =	simm.s32 $0x0;
	s20 =	sshll.u32 s4, $0x1;
	s4 =	sadd.s32 s21, s2  }
0x9d: {  	[timem:s6], [sflag:s22] =	dma.local [hbm:s4], s20  }
0x9e: {  	_ =	swait.ge [sflag:s22], s20  }
0x9f: {  	s3 =	ssub.s32 $0x0, s20;
	[sflag:s22] =	ssyncset.done $0x0  }
0xa0: {  	[sflag:s22] =	ssyncadd.s32 s3;
	_ =	sdelay $0x1  }
0xa1: {  	s23 =	simm.s32 $0x1B8B  }
0xa2: {  	_ =	swait.ge [sflag:s23], $0x1  }
0xa3: {  	[sflag:s23] =	ssyncset.done $0x0  }
0xa4: {  	s25 =	simm.s32 $0x1B8E;
	s24 =	sld [smem:$0x3FFE];
	[sflag:s23] =	ssyncadd.s32 $0xFFFFFFFF  }
0xa5: {  	s26 =	simm.s32 $execute0_lowered;
	[smem:$0x3FD2] =	sst s25  }
0xa6: {  	s4 =	sshll.u32 s26, $0x1;
	_ =	strace $0x80000046;
	[dreg:$0x1] =	wrdreg $0xFFFFFFFF  }
0xa7: {  	s28 =	simm.s32 $_size_execute0_lowered;
	s2 =	sadd.s32 s2, s4;
	[dreg:$0x0] =	wrdreg $0x0  }
0xa8: {  	s4 =	sshll.u32 s28, $0x1;
	[dreg:$0x2] =	wrdreg s2  }
0xa9: {  	[dreg:$0x3] =	wrdreg s4  }
0xaa: {  	[dreg:$0x4] =	wrdreg $0xC0  }
0xab: {  	_ =	task [dreg:s6], $0x5FFFF  }
0xac: {  	[dreg:$0x1] =	wrdreg $0xFFFFFFFF  }
0xad: {  	[dreg:$0x0] =	wrdreg $0x60  }
0xae: {  	[dreg:$0x2] =	wrdreg s24  }
0xaf: {  	[dreg:$0x3] =	wrdreg $0x140000  }
0xb0: {  	[dreg:$0x4] =	wrdreg $0x190000  }
0xb1: {  	[dreg:$0x5] =	wrdreg $0x9  }
0xb2: {  	_ =	task.clear_ibuf [dreg:s6], $0x6FFFF;
	_ =	strace $0x90000046  }
0xb3: {  	s29 =	simm.s32 $0x9;
	_ =	strace $0x80000048  }
0xb4: {  	_ =	swait.ge [sflag:s29], $0x1  }
0xb5: {  	[sflag:s29] =	ssyncadd.s32 $0xFFFFFFFF  }
0xb6: {  	_ =	strace $0x90000048  }
0xb7: {  	_ =	sfence  }
0xb8: {  	s30 =	sld [smem:$0x0];
	_ =	sdelay $0x2  }
0xb9: {  	s31 =	sshll.u32 s1, $0xD;
	s1 =	sshrl.u32 s1, $0x2  }
0xba: {  	s3 =	sand.u32 $0x4000, s31;
	s1 =	sadd.s32 s1, s30  }
0xbb: {  	s0 =	sor.u32 s3, s0;
	s1 =	sshll.u32 s1, $0x11  }
0xbc: {  	s0 =	sor.u32 s1, s0  }
0xbd: {  	s0 =	sadd.s32 $0x8F2B, s0  }
0xbe: {  	[sflag:s0] =	ssyncadd.remote.s32 $0x1  }
0xbf: {  	_ =	sfence.sel $0xFFFF  }
0xc0: {  	[dreg:$0x0] =	wrdreg $0xFFFFFFFF;
	(pc) =	sbr.abs _section_cstart, $3  }
0xc1: {  	[dreg:$0x1] =	wrdreg $0xFFFFFFFF  }
0xc2: {  	_ =	task.clear_ibuf [dreg:s6], $0x2FFFF;
	_ =	strace $0x9FFFFFFF  }
0xc3: {  	(tm) =	ssettm $0x7FFFFFFF  }
tec
execute0_lowered:
.L_overlay_start_1:
0x0: {  	(tag) =	ssettag $0x1  }
0x1: {  	s9 =	rddreg [dreg:$0x0];
	s1 =	srdreg.scid  }
0x2: {  	s0 =	rddreg [dreg:$0x1];
	s2 =	stileid.u32  }
0x3: {  	s3 =	rddreg [dreg:$0x2];
	s6 =	smul.u32 $0xA000, s2  }
0x4: {  	s4 =	simm.s32 $0x0;
	s18 =	simm.s32 $0x12000;
	s8 =	smul.u32 $0x2800, s2  }
0x5: {  	s19 =	simm.s32 $0x3;
	s20 =	simm.s32 $0x4;
	s12 =	smul.u32 $0x280, s2  }
0x6: {  	s21 =	simm.s32 $0x5000;
	s7 =	sand.u32 $0x1, s1;
	s30 =	smul.u32 $0x4E00, s2  }
0x7: {  	s22 =	simm.s32 $0x4E00;
	s28 =	simm.s32 $0x2;
	s5 =	smul.u32 $0xA0000, s7  }
0x8: {  	s29 =	simm.s32 $0x9C00;
	[smem:$0x7FF] =	sst s4;
	s10 =	smul.u32 $0x28000, s7  }
0x9: {  	_ =	strace $0x80000047;
	s24 =	ssub.s32 $0x2, s7;
	p0 =	seq.s32 s7, $0x1  }
0xa: {  	s25 =	sadd.s32 $0x200, s12;
	s26 =	sshrl.u32 s24, $0x1;
	s7 =	sadd.s32 s8, s3  }
0xb: {  	s12 =	sshrl.u32 s30, $0x3;
	s11 =	sshrl.u32 s5, $0x4;
	s5 =	sadd.s32 s6, s5  }
0xc: {  	s10 =	sadd.s32 s8, s10;
	s6 =	sshrl.u32 s6, $0x1;
	s15 =	sshll.u32 s25, $0x5  }
0xd: {  	s16 =	ssub.s32 s24, s26;
	s31 =	sshll.u32 s25, $0x4;
	s24 =	simm.s32 $0x200  }
0xe: {  	s25 =	simm.s32 $0x1;
	s26 =	simm.s32 $0xE000;
	s5 =	sshrl.u32 s5, $0x4  }
0xf: {  	s11 =	sadd.s32 s11, s9;
	s23 =	sshrl.u32 s10, $0x3;
	s8 =	sadd.s32 s31, s3  }
0x10: {  	s13 =	sadd.s32 s5, s9;
	s14 =	sadd.s32 s23, s9;
	s5 =	sadd.s32 s6, s0  }
0x11: {  	s6 =	sadd.s32 s15, s0;
	s15 =	simm.s32 $0x2E00;
	s23 =	simm.s32 $0x9E00  }
0x12: {  	s15 =	simm.s32 @!p0 $0x16800;
	s10 =	sadd.s32 $0x48200, s13;
	s13 =	smax.u32 s16, $0x1  }
0x13: {  	p0 =	sne.s32 s2, $0x0;
	s17 =	sadd.s32 s15, s9;
	s9 =	sadd.s32 $0x2A200, s11  }
0x14: {  	s11 =	sadd.s32 s17, s12;
	s12 =	sadd.s32 $0x3E200, s14;
	s15 =	sadd.s32 $0x9C00, s17  }
0x15: {  	v0 =	vimm.bf16 $0.0e+00;
	v1 =	vimm.f32 $0.0e+00;
	v2 =	vimm.f32 $1.000000000e+00;
	s16 =	sadd.s32 $0x13840, s17;
	s17 =	simm.s32 $0xA000;
	s14 =	sadd.s32 $0x9C40, s11  }
.LBB2_1:
0x16: {  	s30 =	simm.s32 $0x80;
	s31 =	simm.s32 $0x0  }
.LBB2_2:
0x17: {  	p1 =	sne.s32 s30, $0xFF80;
	[tilespmem:s31+$0xA000] =	vst v0;
	s1 =	smov.u32 s30;
	s30 =	sadd.s32 $0x80, s30  }
.Ltmp0:
0x18: {  	[tilespmem:s31+$0xA010] =	vst v0;
	(pc) =	sbr.rel @p1 .LBB2_2-.Ltmp0, $2  }
0x19: {  	_ =	sdelay $0x2  }
0x1a: {  	s31 =	sshra.s32 s1, $0x2  }
0x1b: {  	[tilespmem:s31+$0xA000] =	vst v0  }
0x1c: {  	[tilespmem:s31+$0xA010] =	vst v0  }
0x1d: {  	[spmem:s5] =	stream.linear.scatter [tilespmem:s17], [sflag:$0x3], $0x4000, $0x38;
	[tilespmem:$0x1B800] =	vst v63  }
0x1e: {  	s30 =	simm.s32 $0x40;
	s31 =	simm.s32 $0x0  }
0x1f: {  	[spmem:s6] =	stream.linear.scatter [tilespmem:s17], [sflag:$0x3], $0x1000, $0x38;
	[tilespmem:$0x1B800] =	vst v63  }
.LBB2_4:
0x20: {  	p1 =	sne.s32 s30, $0x7FC0;
	[tilespmem:s31+$0x12000] =	vst v1;
	s1 =	smov.u32 s30;
	s30 =	sadd.s32 $0x40, s30  }
.Ltmp1:
0x21: {  	(pc) =	sbr.rel @p1 .LBB2_4-.Ltmp1, $2  }
0x22: {  	_ =	sdelay $0x2  }
0x23: {  	s31 =	sshra.s32 s1, $0x2  }
0x24: {  	[tilespmem:s31+$0x12000] =	vst v1  }
0x25: {  	[spmem:s7] =	stream.linear.scatter [tilespmem:s18], [sflag:$0x3], $0x2000, $0x38;
	[tilespmem:$0x1B800] =	vst v63  }
0x26: {  	_ = 	snop  }
0x27: {  	[spmem:s8] =	stream.linear.scatter [tilespmem:s18], [sflag:$0x3], $0x800, $0x38;
	[tilespmem:$0x1B800] =	vst v63  }
0x28: {  	_ =	swait.ge [sflag:s19], $0x4000  }
0x29: {  	[sflag:s19] =	ssyncset.done $0x0  }
0x2a: {  	[sflag:s19] =	ssyncadd.s32 $0xFFFFC000  }
0x2b: {  	_ =	swait.ge [sflag:s19], $0x2000  }
0x2c: {  	[sflag:s19] =	ssyncset.done $0x0  }
0x2d: {  	[sflag:s19] =	ssyncadd.s32 $0xFFFFE000  }
0x2e: {  	_ =	swait.ge [sflag:s19], $0x1000  }
0x2f: {  	[sflag:s19] =	ssyncset.done $0x0  }
0x30: {  	[sflag:s19] =	ssyncadd.s32 $0xFFFFF000  }
0x31: {  	_ =	swait.ge [sflag:s19], $0x800  }
0x32: {  	[sflag:s19] =	ssyncset.done $0x0  }
0x33: {  	s30 =	simm.s32 $0x40;
	s31 =	simm.s32 $0x0;
	[sflag:s19] =	ssyncadd.s32 $0xFFFFF800  }
.LBB2_6:
0x34: {  	p1 =	sne.s32 s30, $0x7FC0;
	[tilespmem:s31+$0x12000] =	vst v2;
	s1 =	smov.u32 s30;
	s30 =	sadd.s32 $0x40, s30  }
.Ltmp2:
0x35: {  	(pc) =	sbr.rel @p1 .LBB2_6-.Ltmp2, $2  }
0x36: {  	_ =	sdelay $0x2  }
0x37: {  	s31 =	sshra.s32 s1, $0x2  }
0x38: {  	[tilespmem:s31+$0x12000] =	vst v2;
	s1 =	simm.s32 $0x0  }
0x39: {  	[tilespmem:s1], [sflag:$0x4] =	stream.linear.gather [hbm4b:s11+s1], $0x4E00, $0x38;
	[tilespmem:$0x1B800] =	vst v63  }
0x3a: {  	_ =	swait.ge [sflag:s20], $0x4E00  }
0x3b: {  	[sflag:s20] =	ssyncset.done $0x0  }
0x3c: {  	[sflag:s20] =	ssyncadd.s32 $0xFFFFB200  }
0x3d: {  	[tilespmem:s21], [sflag:$0x4] =	stream.linear.gather [hbm4b:s14+s1], $0x4E00, $0x38;
	[tilespmem:$0x1B800] =	vst v63  }
0x3e: {  	_ =	swait.ge [sflag:s20], $0x4E00  }
0x3f: {  	[sflag:s20] =	ssyncset.done $0x0  }
0x40: {  	[sflag:s20] =	ssyncadd.s32 $0xFFFFB200  }
0x41: {  	[tilespmem:s22], [sflag:$0x4] =	stream.linear.gather [hbm4b:s15+s1], $0x200, $0x38;
	[tilespmem:$0x1B800] =	vst v63  }
0x42: {  	_ =	swait.ge [sflag:s20], $0x200  }
0x43: {  	[sflag:s20] =	ssyncset.done $0x0  }
0x44: {  	[sflag:s20] =	ssyncadd.s32 $0xFFFFFE00  }
0x45: {  	[tilespmem:s23], [sflag:$0x4] =	stream.linear.gather [hbm4b:s16+s1], $0x200, $0x38;
	[tilespmem:$0x1B800] =	vst v63  }
0x46: {  	_ =	swait.ge [sflag:s20], $0x200  }
0x47: {  	[sflag:s20] =	ssyncset.done $0x0  }
0x48: {  	[sflag:s20] =	ssyncadd.s32 $0xFFFFFE00  }
0x49: {  	[bflag:$0x0] =	sbarrier.arrive $0xFFFF  }
0x4a: {  	[tilespmem:s17], [sflag:$0x1] =	stream.indirect.gather [hbm4b:s9+s24], $0x20, s1, s24, $0xb8;
	[tilespmem:$0x1B800] =	vst v63  }
0x4b: {  	_ =	swait.ge [sflag:s25], $0x4000  }
0x4c: {  	[sflag:s25] =	ssyncset.done $0x0  }
0x4d: {  	s1 =	simm.s32 $0x200;
	[sflag:s25] =	ssyncadd.s32 $0xFFFFC000  }
0x4e: {  	[tilespmem:s26], [sflag:$0x2] =	stream.indirect.gather [hbm4b:s9+s24], $0x20, s1, s24, $0xb8;
	[tilespmem:$0x1B800] =	vst v63  }
0x4f: {  	s1 =	simm.s32 $0x5000  }
0x50: {  	[spmem:s0] =	stream.indirect.scatter.add.bf16 [tilespmem:s17], [sflag:$0x4], $0x20, s1, s24, $0xb8;
	[tilespmem:$0x1B800] =	vst v63  }
0x51: {  	_ =	swait.ge [sflag:s20], $0x4000  }
0x52: {  	[sflag:s20] =	ssyncset.done $0x0  }
0x53: {  	[sflag:s20] =	ssyncadd.s32 $0xFFFFC000  }
0x54: {  	[spmem:s3] =	stream.indirect.scatter.add.f32 [tilespmem:s18], [sflag:$0x3], $0x10, s1, s24, $0xb8;
	[tilespmem:$0x1B800] =	vst v63  }
0x55: {  	_ =	swait.ge [sflag:s28], $0x4000  }
0x56: {  	[sflag:s28] =	ssyncset.done $0x0  }
0x57: {  	s1 =	simm.s32 $0x400;
	[sflag:s28] =	ssyncadd.s32 $0xFFFFC000  }
0x58: {  	[tilespmem:s17], [sflag:$0x1] =	stream.indirect.gather [hbm4b:s9+s24], $0x20, s1, s24, $0xb8;
	[tilespmem:$0x1B800] =	vst v63  }
0x59: {  	s31 =	simm.s32 $0x5200  }
0x5a: {  	[spmem:s0] =	stream.indirect.scatter.add.bf16 [tilespmem:s26], [sflag:$0x4], $0x20, s31, s24, $0xb8;
	[tilespmem:$0x1B800] =	vst v63  }
0x5b: {  	_ =	swait.ge [sflag:s20], $0x4000  }
0x5c: {  	[sflag:s20] =	ssyncset.done $0x0  }
0x5d: {  	s30 =	simm.s32 $0x1000;
	[sflag:s20] =	ssyncadd.s32 $0xFFFFC000  }
.LBB2_8:
0x5e: {  	[spmem:s3] =	stream.indirect.scatter.add.f32 [tilespmem:s18], [sflag:$0x3], $0x10, s31, s24, $0xb8;
	[tilespmem:$0x1B800] =	vst v63  }
0x5f: {  	s1 =	smov.u32 s30  }
0x60: {  	p1 =	sne.s32 s30, $0x12000;
	s30 =	sadd.s32 $0x1000, s30;
	_ =	swait.ge [sflag:s25], $0x4000  }
0x61: {  	s1 =	sshra.s32 s1, $0x2;
	[sflag:s25] =	ssyncset.done $0x0  }
0x62: {  	s31 =	sadd.s32 $0x200, s1;
	[sflag:s25] =	ssyncadd.s32 $0xFFFFC000  }
0x63: {  	[tilespmem:s26], [sflag:$0x2] =	stream.indirect.gather [hbm4b:s9+s24], $0x20, s31, s24, $0xb8;
	[tilespmem:$0x1B800] =	vst v63  }
0x64: {  	s31 =	sadd.s32 $0x5000, s1  }
0x65: {  	[spmem:s0] =	stream.indirect.scatter.add.bf16 [tilespmem:s17], [sflag:$0x4], $0x20, s31, s24, $0xb8;
	[tilespmem:$0x1B800] =	vst v63  }
0x66: {  	_ =	swait.ge [sflag:s20], $0x4000  }
0x67: {  	[sflag:s20] =	ssyncset.done $0x0  }
0x68: {  	[sflag:s20] =	ssyncadd.s32 $0xFFFFC000  }
0x69: {  	[spmem:s3] =	stream.indirect.scatter.add.f32 [tilespmem:s18], [sflag:$0x3], $0x10, s31, s24, $0xb8;
	[tilespmem:$0x1B800] =	vst v63  }
0x6a: {  	_ =	swait.ge [sflag:s28], $0x4000  }
0x6b: {  	[sflag:s28] =	ssyncset.done $0x0  }
0x6c: {  	s31 =	sadd.s32 $0x400, s1;
	[sflag:s28] =	ssyncadd.s32 $0xFFFFC000  }
0x6d: {  	[tilespmem:s17], [sflag:$0x1] =	stream.indirect.gather [hbm4b:s9+s24], $0x20, s31, s24, $0xb8;
	[tilespmem:$0x1B800] =	vst v63  }
.Ltmp3:
0x6e: {  	s31 =	sadd.s32 $0x5200, s1;
	(pc) =	sbr.rel @p1 .LBB2_8-.Ltmp3, $4  }
0x6f: {  	[spmem:s0] =	stream.indirect.scatter.add.bf16 [tilespmem:s26], [sflag:$0x4], $0x20, s31, s24, $0xb8;
	[tilespmem:$0x1B800] =	vst v63  }
0x70: {  	_ =	swait.ge [sflag:s20], $0x4000  }
0x71: {  	[sflag:s20] =	ssyncset.done $0x0  }
0x72: {  	[sflag:s20] =	ssyncadd.s32 $0xFFFFC000  }
0x73: {  	[spmem:s3] =	stream.indirect.scatter.add.f32 [tilespmem:s18], [sflag:$0x3], $0x10, s31, s24, $0xb8;
	[tilespmem:$0x1B800] =	vst v63  }
0x74: {  	_ =	swait.ge [sflag:s25], $0x4000  }
0x75: {  	[sflag:s25] =	ssyncset.done $0x0  }
0x76: {  	[sflag:s25] =	ssyncadd.s32 $0xFFFFC000  }
0x77: {  	[spmem:s0] =	stream.indirect.scatter.add.bf16 [tilespmem:s17], [sflag:$0x4], $0x20, s29, s24, $0xb8;
	[tilespmem:$0x1B800] =	vst v63  }
0x78: {  	_ =	swait.ge [sflag:s20], $0x4000  }
0x79: {  	[sflag:s20] =	ssyncset.done $0x0  }
0x7a: {  	[sflag:s20] =	ssyncadd.s32 $0xFFFFC000  }
0x7b: {  	[spmem:s3] =	stream.indirect.scatter.add.f32 [tilespmem:s18], [sflag:$0x3], $0x10, s29, s24, $0xb8;
	[tilespmem:$0x1B800] =	vst v63  }
0x7c: {  	s1 =	simm.s32 @!p0 $0x200;
	s30 =	simm.s32 @!p0 $0x4E00;
	s31 =	simm.s32 @!p0 $0xE000  }
0x7d: {  	[tilespmem:s31], [sflag:$0x2] =	stream.indirect.gather @!p0 [hbm4b:s9+s1], $0x20, s30, s1, $0xb8;
	[tilespmem:$0x1B800] =	vst v63  }
0x7e: {  	s30 =	simm.s32 @!p0 $0x2  }
0x7f: {  	_ =	swait.ge @!p0 [sflag:s30], $0x4000  }
0x80: {  	[sflag:s30] =	ssyncset.done @!p0 $0x0  }
0x81: {  	[sflag:s30] =	ssyncadd.s32 @!p0 $0xFFFFC000;
	s30 =	simm.s32 @!p0 $0x9E00  }
0x82: {  	[spmem:s0] =	stream.indirect.scatter.add.bf16 @!p0 [tilespmem:s31], [sflag:$0x4], $0x20, s30, s1, $0xb8;
	[tilespmem:$0x1B800] =	vst v63  }
0x83: {  	s31 =	simm.s32 @!p0 $0x4  }
0x84: {  	_ =	swait.ge @!p0 [sflag:s31], $0x4000  }
0x85: {  	[sflag:s31] =	ssyncset.done @!p0 $0x0  }
0x86: {  	[sflag:s31] =	ssyncadd.s32 @!p0 $0xFFFFC000;
	s31 =	simm.s32 @!p0 $0x12000  }
0x87: {  	[spmem:s3] =	stream.indirect.scatter.add.f32 @!p0 [tilespmem:s31], [sflag:$0x3], $0x10, s30, s1, $0xb8;
	[tilespmem:$0x1B800] =	vst v63  }
0x88: {  	_ =	swait.ge [sflag:s19], $0x2000  }
0x89: {  	s30 =	simm.s32 $0x26;
	[sflag:s19] =	ssyncset.done $0x0  }
.LBB2_10:
0x8a: {  	p1 =	sne.s32 s30, $0x1;
	s30 =	sadd.s32 $0xFFFFFFFF, s30;
	[sflag:s19] =	ssyncadd.s32 $0xFFFFE000  }
.Ltmp4:
0x8b: {  	(pc) =	sbr.rel @p1 .LBB2_10-.Ltmp4, $3  }
0x8c: {  	_ =	sdelay $0x1  }
0x8d: {  	_ =	swait.ge [sflag:s19], $0x2000  }
0x8e: {  	[sflag:s19] =	ssyncset.done $0x0  }
0x8f: {  	[sflag:s19] =	ssyncadd.s32 $0xFFFFE000;
	s1 =	simm.s32 @!p0 $0x3  }
0x90: {  	_ =	swait.ge @!p0 [sflag:s1], $0x2000  }
0x91: {  	[sflag:s1] =	ssyncset.done @!p0 $0x0  }
0x92: {  	s30 =	sshll.u32 s2, $0x6;
	[sflag:s1] =	ssyncadd.s32 @!p0 $0xFFFFE000  }
0x93: {  	s1 =	sor.u32 $0x1C04, s30;
	s30 =	sshrl.u32 s5, $0x3;
	[bflag:$0x0] =	sbarrier.arrive $0xFFFF  }
0x94: {  	[hbm:s10], [sflag:s1] =	dma.local [spmem:s30], $0xA00  }
0x95: {  	s4 =	sadd.s32 $0x1, s4;
	_ =	swait.ge [sflag:s20], $0xA00  }
0x96: {  	p1 =	sne.s32 s4, s13;
	[sflag:s20] =	ssyncset.done $0x0  }
.Ltmp5:
0x97: {  	s31 =	sshrl.u32 s7, $0x3;
	[sflag:s20] =	ssyncadd.s32 $0xFFFFF600;
	(pc) =	sbr.rel @p1 .LBB2_1-.Ltmp5, $4  }
0x98: {  	[hbm:s12], [sflag:s1] =	dma.local [spmem:s31], $0x500  }
0x99: {  	_ =	swait.ge [sflag:s20], $0x500  }
0x9a: {  	[sflag:s20] =	ssyncset.done $0x0  }
0x9b: {  	[sflag:s20] =	ssyncadd.s32 $0xFFFFFB00  }
0x9c: {  	_ =	sfence.sel $0x180000  }
0x9d: {  	[bflag:$0x0] =	sbarrier.arrive $0xFFFF  }
0x9e: {  	_ =	strace $0x90000047  }
0x9f: {  	[bflag:$0x2] =	sbarrier.arrive $0xFFFF  }
0xa0: {  	s0 =	rddreg [dreg:$0x3]  }
0xa1: {  	s0 =	sadd.s32 @!p0 $0x100000, s0  }
0xa2: {  	[sflag:s0] =	ssyncadd.tile.s32 @!p0 $0x1;
	_ =	shalt  }
.Lfunc_end2:
_tile_overlayer_lowered:
.L_overlay_start_2:
0xa3: {  	(tag) =	ssettag $0x2  }
0xa4: {  	s0 =	rddreg [dreg:$0x0];
	s2 =	stileid.u32  }
0xa5: {  	s1 =	rddreg [dreg:$0x1];
	p0 =	sne.s32 s2, $0x0  }
0xa6: {  	s3 =	rddreg [dreg:$0x2];
	[bflag:$0x3] =	sbarrier.arrive $0xFFFF;
	s2 =	simm.s32 @!p0 $0x1C04  }
0xa7: {  	[timem:s3], [sflag:s2] =	dma.local @!p0 [hbm:s0], s1  }
0xa8: {  	s0 =	simm.s32 @!p0 $0x4  }
0xa9: {  	_ =	swait.ge @!p0 [sflag:s0], s1  }
0xaa: {  	s1 =	ssub.s32 @!p0 $0x0, s1;
	[sflag:s0] =	ssyncset.done @!p0 $0x0  }
0xab: {  	[sflag:s0] =	ssyncadd.s32 @!p0 s1  }
0xac: {  	[bflag:$0x3] =	sbarrier.arrive $0xFFFF  }
0xad: {  	_ =	shalt  }

</sc_bundles>
